<compile_context>
chip_gen: v7x
topology: tpu7x:2x2x1
jax: 0.10.2.dev20260603
libtpu: 0.0.44.dev20260713+nightly
codegen_flags: <defaults>
</compile_context>

<pallas_src>
import functools

import jax
import jax.numpy as jnp
from jax import lax
from jax.experimental import pallas as pl
from jax.experimental.pallas import tpu as pltpu
from jax.experimental.pallas import tpu_sc as plsc

VOCAB = 1000000
D = 64
SEQ = 200
BATCH = 4096
ROWS = BATCH * SEQ
NW = 32
GBLK = 128
NG = 4
CROWS = GBLK * NG
PER_W = ROWS // NW
NCHUNK = PER_W // CROWS
UR = 8

_mesh = plsc.VectorSubcoreMesh(core_axis_name="c", subcore_axis_name="s")


@functools.partial(
    pl.kernel,
    mesh=_mesh,
    compiler_params=pltpu.CompilerParams(use_tc_tiling_on_sc=False),
    out_type=jax.ShapeDtypeStruct((ROWS, D), jnp.float32),
    scratch_types=[
        pltpu.VMEM((PER_W,), jnp.int32),
        pltpu.VMEM((2, CROWS, D), jnp.float32),
        pltpu.VMEM((SEQ, D), jnp.float32),
        pltpu.SemaphoreType.DMA,
        pltpu.SemaphoreType.DMA,
        pltpu.SemaphoreType.DMA,
        pltpu.SemaphoreType.DMA,
    ],
)
def _emb_kernel(ids_hbm, tok_hbm, pos_hbm, out_hbm, idx_v, rows_v, pos_v,
                sg0, sg1, sw0, sw1):
    wid = lax.axis_index("s") * 2 + lax.axis_index("c")
    base0 = wid * PER_W
    pltpu.sync_copy(pos_hbm, pos_v)
    pltpu.sync_copy(ids_hbm.at[pl.ds(base0, PER_W)], idx_v)
    sg = (sg0, sg1)
    sw = (sw0, sw1)

    def fire_gathers(k, b):
        for q in range(NG):
            pltpu.async_copy(
                tok_hbm.at[idx_v.at[pl.ds(k * CROWS + q * GBLK, GBLK)]],
                rows_v.at[b, pl.ds(q * GBLK, GBLK)],
                sg[b],
            )

    def drain_gathers(b):
        pltpu.make_async_copy(
            out_hbm.at[pl.ds(base0, CROWS)], rows_v.at[b], sg[b]
        ).wait()

    def drain_writeback(b):
        pltpu.make_async_copy(
            rows_v.at[b], out_hbm.at[pl.ds(base0, CROWS)], sw[b]
        ).wait()

    def add_pos(b, phase):
        def body(r8, c2):
            r0 = r8 * UR
            for dr in range(UR):
                r = r0 + dr
                p = lax.rem(phase + r, SEQ)
                for c in range(D // 16):
                    sl = pl.ds(c * 16, 16)
                    rows_v[b, r, sl] = rows_v[b, r, sl] + pos_v[p, sl]
            return c2

        lax.fori_loop(0, CROWS // UR, body, 0)

    fire_gathers(0, 0)

    def outer(i, carry):
        for b in range(2):
            k = 2 * i + b
            nb = 1 - b

            @pl.when(k + 1 < NCHUNK)
            def _():
                @pl.when(k >= 1)
                def _():
                    drain_writeback(nb)

                fire_gathers(k + 1, nb)

            drain_gathers(b)
            add_pos(b, lax.rem(k * CROWS, SEQ))
            pltpu.async_copy(
                rows_v.at[b],
                out_hbm.at[pl.ds(base0 + k * CROWS, CROWS)],
                sw[b],
            )
        return carry

    lax.fori_loop(0, NCHUNK // 2, outer, 0)
    drain_writeback(0)
    drain_writeback(1)


def kernel(input_ids, token_emb, pos_emb):
    ids = input_ids.astype(jnp.int32).reshape(ROWS)
    out = _emb_kernel(ids, token_emb, pos_emb)
    return out.reshape(BATCH, SEQ, D)

# --- scband reference (transcript-rebuilt; emitter-appended) ---
"""Pipeline reference for scband-embedding-19585050870345 (READ-ONLY COPY).

The authoritative reference and input builder live on the scoring server;
editing this copy changes nothing except your own understanding.
"""

import jax, jax.numpy as jnp
import numpy as np

VOCAB_SIZE = 1000000
HIDDEN_DIM = 64
SEQ_LEN = 200
BATCH = 4096

def setup_inputs(seed: int = 0) -> dict:
    key = jax.random.key(seed)
    k1, k2, k3 = jax.random.split(key, 3)
    input_ids = jax.random.randint(k1, (BATCH, SEQ_LEN), 0, VOCAB_SIZE, dtype=jnp.int64 if jax.config.jax_enable_x64 else jnp.int32)
    token_emb = jax.random.normal(k2, (VOCAB_SIZE, HIDDEN_DIM), dtype=jnp.float32) * 0.005
    pos_emb = jax.random.normal(k3, (SEQ_LEN, HIDDEN_DIM), dtype=jnp.float32)
    return {"input_ids": input_ids, "token_emb": token_emb, "pos_emb": pos_emb}

def reference(input_ids, token_emb, pos_emb):
    # x = token_emb(input_ids)
    x = jnp.take(token_emb, input_ids, axis=0)  # [B, T, D]
    # positions = arange(T); x = x + pos_emb(positions)
    T = input_ids.shape[1]
    positions = jnp.arange(T)
    x = x + jnp.take(pos_emb, positions, axis=0)[None, :, :]
    return x

if __name__ == "__main__":
    import jax
    _d = setup_inputs()
    print(jax.jit(kernel)(*tuple(_d.values())))

</pallas_src>

<mosaic_0001>
#map = affine_map<(d0, d1) -> (0)>
#map1 = affine_map<(d0, d1) -> (0, 0)>
module attributes {stable_mosaic.version = 14 : i64} {
  func.func @_emb_kernel(%arg0: i32, %arg1: i32, %arg2: memref<819200xi32, #tpu.memory_space<hbm>>, %arg3: memref<1000000x64xf32, #tpu.memory_space<hbm>>, %arg4: memref<200x64xf32, #tpu.memory_space<hbm>>, %arg5: memref<819200x64xf32, #tpu.memory_space<hbm>>, %arg6: memref<25600xi32, #tpu.memory_space<vmem>>, %arg7: memref<2x512x64xf32, #tpu.memory_space<vmem>>, %arg8: memref<200x64xf32, #tpu.memory_space<vmem>>, %arg9: memref<!tpu.dma_semaphore, #tpu.memory_space<semaphore_mem>>, %arg10: memref<!tpu.dma_semaphore, #tpu.memory_space<semaphore_mem>>, %arg11: memref<!tpu.dma_semaphore, #tpu.memory_space<semaphore_mem>>, %arg12: memref<!tpu.dma_semaphore, #tpu.memory_space<semaphore_mem>>) attributes {dimension_semantics = [#tpu.dimension_semantics<core_parallel>, #tpu.dimension_semantics<subcore_parallel>], iteration_bounds = array<i64: 2, 16>, scalar_prefetch = 0 : i64, scratch_operands = 7 : i64, tpu.core_type = #tpu.core_type<sc_vector_subcore>, window_params = [{transform_indices = #map}, {transform_indices = #map1}, {transform_indices = #map1}, {transform_indices = #map1}]} {
    %mul3A = arith.constant 2 : i32
    %mul3A_0 = arith.muli %arg1, %mul3A : i32
    %add3A = arith.addi %mul3A_0, %arg0 : i32
    %mul3A_1 = arith.constant 25600 : i32
    %mul3A_2 = arith.muli %add3A, %mul3A_1 : i32
    "tpu.region"() ({
      %run_scoped3A = tpu.sem_alloc : memref<!tpu.dma_semaphore, #tpu.memory_space<semaphore_mem>>
      tpu.enqueue_dma source(%arg4 : memref<200x64xf32, #tpu.memory_space<hbm>>) target(%arg8 : memref<200x64xf32, #tpu.memory_space<vmem>>) target_semaphore(%run_scoped3A : memref<!tpu.dma_semaphore, #tpu.memory_space<semaphore_mem>>)
      tpu.wait_dma2 semaphore(%run_scoped3A : memref<!tpu.dma_semaphore, #tpu.memory_space<semaphore_mem>>) src(%arg4 : memref<200x64xf32, #tpu.memory_space<hbm>>) dst(%arg8 : memref<200x64xf32, #tpu.memory_space<vmem>>)
      tpu.yield
    }) : () -> ()
    "tpu.region"() ({
      %run_scoped3A = tpu.sem_alloc : memref<!tpu.dma_semaphore, #tpu.memory_space<semaphore_mem>>
      %dma_start3A_72 = tpu.memref_slice %arg2[%mul3A_2] : memref<819200xi32, #tpu.memory_space<hbm>> -> memref<25600xi32, #tpu.memory_space<hbm>>
      %dma_start3A_73 = tpu.memref_slice %arg2[%mul3A_2] : memref<819200xi32, #tpu.memory_space<hbm>> -> memref<25600xi32, #tpu.memory_space<hbm>>
      tpu.enqueue_dma source(%dma_start3A_73 : memref<25600xi32, #tpu.memory_space<hbm>>) target(%arg6 : memref<25600xi32, #tpu.memory_space<vmem>>) target_semaphore(%run_scoped3A : memref<!tpu.dma_semaphore, #tpu.memory_space<semaphore_mem>>)
      %dma_wait3A_74 = tpu.memref_slice %arg2[%mul3A_2] : memref<819200xi32, #tpu.memory_space<hbm>> -> memref<25600xi32, #tpu.memory_space<hbm>>
      %dma_wait3A_75 = tpu.memref_slice %arg2[%mul3A_2] : memref<819200xi32, #tpu.memory_space<hbm>> -> memref<25600xi32, #tpu.memory_space<hbm>>
      tpu.wait_dma2 semaphore(%run_scoped3A : memref<!tpu.dma_semaphore, #tpu.memory_space<semaphore_mem>>) src(%dma_wait3A_75 : memref<25600xi32, #tpu.memory_space<hbm>>) dst(%arg6 : memref<25600xi32, #tpu.memory_space<vmem>>)
      tpu.yield
    }) : () -> ()
    %dma_start3A = arith.constant 0 : i32
    %dma_start3A_3 = arith.constant 0 : i32
    %dma_start3A_4 = arith.constant 0 : i32
    %dma_start3A_5 = tpu.memref_slice %arg7[%dma_start3A, %dma_start3A_3, %dma_start3A_4] : memref<2x512x64xf32, #tpu.memory_space<vmem>> -> memref<1x128x64xf32, #tpu.memory_space<vmem>>
    %dma_start3A_6 = tpu.memref_squeeze %dma_start3A_5 : memref<1x128x64xf32, #tpu.memory_space<vmem>> -> memref<128x64xf32, #tpu.memory_space<vmem>>
    %dma_start3A_7 = arith.constant 0 : i32
    %dma_start3A_8 = tpu.memref_slice %arg6[%dma_start3A_7] : memref<25600xi32, #tpu.memory_space<vmem>> -> memref<128xi32, #tpu.memory_space<vmem>>
    %dma_start3A_9 = arith.constant 0 : i32
    %dma_start3A_10 = arith.constant 0 : i32
    %dma_start3A_11 = tpu.memref_slice %arg3[%dma_start3A_9, %dma_start3A_10] : memref<1000000x64xf32, #tpu.memory_space<hbm>> -> memref<1000000x64xf32, #tpu.memory_space<hbm>>
    tpu.enqueue_indirect_dma source(%dma_start3A_11 : memref<1000000x64xf32, #tpu.memory_space<hbm>>) target(%dma_start3A_6 : memref<128x64xf32, #tpu.memory_space<vmem>>) offsets(%dma_start3A_8 : memref<128xi32, #tpu.memory_space<vmem>>) semaphore(%arg9 : memref<!tpu.dma_semaphore, #tpu.memory_space<semaphore_mem>>)
    %dma_start3A_12 = arith.constant 0 : i32
    %dma_start3A_13 = arith.constant 128 : i32
    %dma_start3A_14 = arith.constant 0 : i32
    %dma_start3A_15 = tpu.memref_slice %arg7[%dma_start3A_12, %dma_start3A_13, %dma_start3A_14] : memref<2x512x64xf32, #tpu.memory_space<vmem>> -> memref<1x128x64xf32, #tpu.memory_space<vmem>>
    %dma_start3A_16 = tpu.memref_squeeze %dma_start3A_15 : memref<1x128x64xf32, #tpu.memory_space<vmem>> -> memref<128x64xf32, #tpu.memory_space<vmem>>
    %dma_start3A_17 = arith.constant 128 : i32
    %dma_start3A_18 = tpu.memref_slice %arg6[%dma_start3A_17] : memref<25600xi32, #tpu.memory_space<vmem>> -> memref<128xi32, #tpu.memory_space<vmem>>
    %dma_start3A_19 = arith.constant 0 : i32
    %dma_start3A_20 = arith.constant 0 : i32
    %dma_start3A_21 = tpu.memref_slice %arg3[%dma_start3A_19, %dma_start3A_20] : memref<1000000x64xf32, #tpu.memory_space<hbm>> -> memref<1000000x64xf32, #tpu.memory_space<hbm>>
    tpu.enqueue_indirect_dma source(%dma_start3A_21 : memref<1000000x64xf32, #tpu.memory_space<hbm>>) target(%dma_start3A_16 : memref<128x64xf32, #tpu.memory_space<vmem>>) offsets(%dma_start3A_18 : memref<128xi32, #tpu.memory_space<vmem>>) semaphore(%arg9 : memref<!tpu.dma_semaphore, #tpu.memory_space<semaphore_mem>>)
    %dma_start3A_22 = arith.constant 0 : i32
    %dma_start3A_23 = arith.constant 256 : i32
    %dma_start3A_24 = arith.constant 0 : i32
    %dma_start3A_25 = tpu.memref_slice %arg7[%dma_start3A_22, %dma_start3A_23, %dma_start3A_24] : memref<2x512x64xf32, #tpu.memory_space<vmem>> -> memref<1x128x64xf32, #tpu.memory_space<vmem>>
    %dma_start3A_26 = tpu.memref_squeeze %dma_start3A_25 : memref<1x128x64xf32, #tpu.memory_space<vmem>> -> memref<128x64xf32, #tpu.memory_space<vmem>>
    %dma_start3A_27 = arith.constant 256 : i32
    %dma_start3A_28 = tpu.memref_slice %arg6[%dma_start3A_27] : memref<25600xi32, #tpu.memory_space<vmem>> -> memref<128xi32, #tpu.memory_space<vmem>>
    %dma_start3A_29 = arith.constant 0 : i32
    %dma_start3A_30 = arith.constant 0 : i32
    %dma_start3A_31 = tpu.memref_slice %arg3[%dma_start3A_29, %dma_start3A_30] : memref<1000000x64xf32, #tpu.memory_space<hbm>> -> memref<1000000x64xf32, #tpu.memory_space<hbm>>
    tpu.enqueue_indirect_dma source(%dma_start3A_31 : memref<1000000x64xf32, #tpu.memory_space<hbm>>) target(%dma_start3A_26 : memref<128x64xf32, #tpu.memory_space<vmem>>) offsets(%dma_start3A_28 : memref<128xi32, #tpu.memory_space<vmem>>) semaphore(%arg9 : memref<!tpu.dma_semaphore, #tpu.memory_space<semaphore_mem>>)
    %dma_start3A_32 = arith.constant 0 : i32
    %dma_start3A_33 = arith.constant 384 : i32
    %dma_start3A_34 = arith.constant 0 : i32
    %dma_start3A_35 = tpu.memref_slice %arg7[%dma_start3A_32, %dma_start3A_33, %dma_start3A_34] : memref<2x512x64xf32, #tpu.memory_space<vmem>> -> memref<1x128x64xf32, #tpu.memory_space<vmem>>
    %dma_start3A_36 = tpu.memref_squeeze %dma_start3A_35 : memref<1x128x64xf32, #tpu.memory_space<vmem>> -> memref<128x64xf32, #tpu.memory_space<vmem>>
    %dma_start3A_37 = arith.constant 384 : i32
    %dma_start3A_38 = tpu.memref_slice %arg6[%dma_start3A_37] : memref<25600xi32, #tpu.memory_space<vmem>> -> memref<128xi32, #tpu.memory_space<vmem>>
    %dma_start3A_39 = arith.constant 0 : i32
    %dma_start3A_40 = arith.constant 0 : i32
    %dma_start3A_41 = tpu.memref_slice %arg3[%dma_start3A_39, %dma_start3A_40] : memref<1000000x64xf32, #tpu.memory_space<hbm>> -> memref<1000000x64xf32, #tpu.memory_space<hbm>>
    tpu.enqueue_indirect_dma source(%dma_start3A_41 : memref<1000000x64xf32, #tpu.memory_space<hbm>>) target(%dma_start3A_36 : memref<128x64xf32, #tpu.memory_space<vmem>>) offsets(%dma_start3A_38 : memref<128xi32, #tpu.memory_space<vmem>>) semaphore(%arg9 : memref<!tpu.dma_semaphore, #tpu.memory_space<semaphore_mem>>)
    %scan3A = arith.constant 0 : i32
    %scan3A_42 = arith.constant 0 : i32
    %scan3A_43 = arith.constant 25 : i32
    %scan3A_44 = arith.addi %scan3A_42, %scan3A_43 : i32
    %scan3A_45 = arith.constant 1 : i32
    scf.for %scan3A_72 = %scan3A_42 to %scan3A_44 step %scan3A_45  : i32 {
      %mul3A_73 = arith.constant 2 : i32
      %mul3A_74 = arith.muli %mul3A_73, %scan3A_72 : i32
      %add3A_75 = arith.constant 0 : i32
      %add3A_76 = arith.addi %mul3A_74, %add3A_75 : i32
      %add3A_77 = arith.constant 1 : i32
      %add3A_78 = arith.addi %add3A_76, %add3A_77 : i32
      %lt3A = arith.constant 50 : i32
      %lt3A_79 = arith.cmpi slt, %add3A_78, %lt3A : i32
      %convert_element_type3A = arith.extui %lt3A_79 : i1 to i32
      %cond3A = arith.constant 0 : i32
      %cond3A_80 = arith.cmpi ne, %convert_element_type3A, %cond3A : i32
      scf.if %cond3A_80 {
        %ge3A = arith.constant 1 : i32
        %ge3A_169 = arith.cmpi sge, %add3A_76, %ge3A : i32
        %convert_element_type3A_170 = arith.extui %ge3A_169 : i1 to i32
        %cond3A_171 = arith.constant 0 : i32
        %cond3A_172 = arith.cmpi ne, %convert_element_type3A_170, %cond3A_171 : i32
        scf.if %cond3A_172 {
          %dma_wait3A_227 = arith.constant 1 : i32
          %dma_wait3A_228 = arith.constant 0 : i32
          %dma_wait3A_229 = arith.constant 0 : i32
          %dma_wait3A_230 = tpu.memref_slice %arg7[%dma_wait3A_227, %dma_wait3A_228, %dma_wait3A_229] : memref<2x512x64xf32, #tpu.memory_space<vmem>> -> memref<1x512x64xf32, #tpu.memory_space<vmem>>
          %dma_wait3A_231 = tpu.memref_squeeze %dma_wait3A_230 : memref<1x512x64xf32, #tpu.memory_space<vmem>> -> memref<512x64xf32, #tpu.memory_space<vmem>>
          %dma_wait3A_232 = arith.constant 0 : i32
          %dma_wait3A_233 = tpu.memref_slice %arg5[%mul3A_2, %dma_wait3A_232] : memref<819200x64xf32, #tpu.memory_space<hbm>> -> memref<512x64xf32, #tpu.memory_space<hbm>>
          %dma_wait3A_234 = arith.constant 0 : i32
          %dma_wait3A_235 = tpu.memref_slice %arg5[%mul3A_2, %dma_wait3A_234] : memref<819200x64xf32, #tpu.memory_space<hbm>> -> memref<512x64xf32, #tpu.memory_space<hbm>>
          %dma_wait3A_236 = arith.constant 0 : i32
          %dma_wait3A_237 = arith.constant 0 : i32
          %dma_wait3A_238 = tpu.memref_slice %arg7[%dma_wait3A_227, %dma_wait3A_236, %dma_wait3A_237] : memref<2x512x64xf32, #tpu.memory_space<vmem>> -> memref<1x512x64xf32, #tpu.memory_space<vmem>>
          %dma_wait3A_239 = tpu.memref_squeeze %dma_wait3A_238 : memref<1x512x64xf32, #tpu.memory_space<vmem>> -> memref<512x64xf32, #tpu.memory_space<vmem>>
          tpu.wait_dma2 semaphore(%arg12 : memref<!tpu.dma_semaphore, #tpu.memory_space<semaphore_mem>>) src(%dma_wait3A_239 : memref<512x64xf32, #tpu.memory_space<vmem>>) dst(%dma_wait3A_235 : memref<512x64xf32, #tpu.memory_space<hbm>>)
        } else {
        }
        %add3A_173 = arith.constant 1 : i32
        %add3A_174 = arith.addi %add3A_76, %add3A_173 : i32
        %mul3A_175 = arith.constant 512 : i32
        %mul3A_176 = arith.muli %add3A_174, %mul3A_175 : i32
        %add3A_177 = arith.constant 0 : i32
        %add3A_178 = arith.addi %mul3A_176, %add3A_177 : i32
        %dma_start3A_179 = arith.constant 1 : i32
        %dma_start3A_180 = arith.constant 0 : i32
        %dma_start3A_181 = arith.constant 0 : i32
        %dma_start3A_182 = tpu.memref_slice %arg7[%dma_start3A_179, %dma_start3A_180, %dma_start3A_181] : memref<2x512x64xf32, #tpu.memory_space<vmem>> -> memref<1x128x64xf32, #tpu.memory_space<vmem>>
        %dma_start3A_183 = tpu.memref_squeeze %dma_start3A_182 : memref<1x128x64xf32, #tpu.memory_space<vmem>> -> memref<128x64xf32, #tpu.memory_space<vmem>>
        %dma_start3A_184 = tpu.memref_slice %arg6[%add3A_178] : memref<25600xi32, #tpu.memory_space<vmem>> -> memref<128xi32, #tpu.memory_space<vmem>>
        %dma_start3A_185 = arith.constant 0 : i32
        %dma_start3A_186 = arith.constant 0 : i32
        %dma_start3A_187 = tpu.memref_slice %arg3[%dma_start3A_185, %dma_start3A_186] : memref<1000000x64xf32, #tpu.memory_space<hbm>> -> memref<1000000x64xf32, #tpu.memory_space<hbm>>
        tpu.enqueue_indirect_dma source(%dma_start3A_187 : memref<1000000x64xf32, #tpu.memory_space<hbm>>) target(%dma_start3A_183 : memref<128x64xf32, #tpu.memory_space<vmem>>) offsets(%dma_start3A_184 : memref<128xi32, #tpu.memory_space<vmem>>) semaphore(%arg10 : memref<!tpu.dma_semaphore, #tpu.memory_space<semaphore_mem>>)
        %mul3A_188 = arith.constant 512 : i32
        %mul3A_189 = arith.muli %add3A_174, %mul3A_188 : i32
        %add3A_190 = arith.constant 128 : i32
        %add3A_191 = arith.addi %mul3A_189, %add3A_190 : i32
        %dma_start3A_192 = arith.constant 1 : i32
        %dma_start3A_193 = arith.constant 128 : i32
        %dma_start3A_194 = arith.constant 0 : i32
        %dma_start3A_195 = tpu.memref_slice %arg7[%dma_start3A_192, %dma_start3A_193, %dma_start3A_194] : memref<2x512x64xf32, #tpu.memory_space<vmem>> -> memref<1x128x64xf32, #tpu.memory_space<vmem>>
        %dma_start3A_196 = tpu.memref_squeeze %dma_start3A_195 : memref<1x128x64xf32, #tpu.memory_space<vmem>> -> memref<128x64xf32, #tpu.memory_space<vmem>>
        %dma_start3A_197 = tpu.memref_slice %arg6[%add3A_191] : memref<25600xi32, #tpu.memory_space<vmem>> -> memref<128xi32, #tpu.memory_space<vmem>>
        %dma_start3A_198 = arith.constant 0 : i32
        %dma_start3A_199 = arith.constant 0 : i32
        %dma_start3A_200 = tpu.memref_slice %arg3[%dma_start3A_198, %dma_start3A_199] : memref<1000000x64xf32, #tpu.memory_space<hbm>> -> memref<1000000x64xf32, #tpu.memory_space<hbm>>
        tpu.enqueue_indirect_dma source(%dma_start3A_200 : memref<1000000x64xf32, #tpu.memory_space<hbm>>) target(%dma_start3A_196 : memref<128x64xf32, #tpu.memory_space<vmem>>) offsets(%dma_start3A_197 : memref<128xi32, #tpu.memory_space<vmem>>) semaphore(%arg10 : memref<!tpu.dma_semaphore, #tpu.memory_space<semaphore_mem>>)
        %mul3A_201 = arith.constant 512 : i32
        %mul3A_202 = arith.muli %add3A_174, %mul3A_201 : i32
        %add3A_203 = arith.constant 256 : i32
        %add3A_204 = arith.addi %mul3A_202, %add3A_203 : i32
        %dma_start3A_205 = arith.constant 1 : i32
        %dma_start3A_206 = arith.constant 256 : i32
        %dma_start3A_207 = arith.constant 0 : i32
        %dma_start3A_208 = tpu.memref_slice %arg7[%dma_start3A_205, %dma_start3A_206, %dma_start3A_207] : memref<2x512x64xf32, #tpu.memory_space<vmem>> -> memref<1x128x64xf32, #tpu.memory_space<vmem>>
        %dma_start3A_209 = tpu.memref_squeeze %dma_start3A_208 : memref<1x128x64xf32, #tpu.memory_space<vmem>> -> memref<128x64xf32, #tpu.memory_space<vmem>>
        %dma_start3A_210 = tpu.memref_slice %arg6[%add3A_204] : memref<25600xi32, #tpu.memory_space<vmem>> -> memref<128xi32, #tpu.memory_space<vmem>>
        %dma_start3A_211 = arith.constant 0 : i32
        %dma_start3A_212 = arith.constant 0 : i32
        %dma_start3A_213 = tpu.memref_slice %arg3[%dma_start3A_211, %dma_start3A_212] : memref<1000000x64xf32, #tpu.memory_space<hbm>> -> memref<1000000x64xf32, #tpu.memory_space<hbm>>
        tpu.enqueue_indirect_dma source(%dma_start3A_213 : memref<1000000x64xf32, #tpu.memory_space<hbm>>) target(%dma_start3A_209 : memref<128x64xf32, #tpu.memory_space<vmem>>) offsets(%dma_start3A_210 : memref<128xi32, #tpu.memory_space<vmem>>) semaphore(%arg10 : memref<!tpu.dma_semaphore, #tpu.memory_space<semaphore_mem>>)
        %mul3A_214 = arith.constant 512 : i32
        %mul3A_215 = arith.muli %add3A_174, %mul3A_214 : i32
        %add3A_216 = arith.constant 384 : i32
        %add3A_217 = arith.addi %mul3A_215, %add3A_216 : i32
        %dma_start3A_218 = arith.constant 1 : i32
        %dma_start3A_219 = arith.constant 384 : i32
        %dma_start3A_220 = arith.constant 0 : i32
        %dma_start3A_221 = tpu.memref_slice %arg7[%dma_start3A_218, %dma_start3A_219, %dma_start3A_220] : memref<2x512x64xf32, #tpu.memory_space<vmem>> -> memref<1x128x64xf32, #tpu.memory_space<vmem>>
        %dma_start3A_222 = tpu.memref_squeeze %dma_start3A_221 : memref<1x128x64xf32, #tpu.memory_space<vmem>> -> memref<128x64xf32, #tpu.memory_space<vmem>>
        %dma_start3A_223 = tpu.memref_slice %arg6[%add3A_217] : memref<25600xi32, #tpu.memory_space<vmem>> -> memref<128xi32, #tpu.memory_space<vmem>>
        %dma_start3A_224 = arith.constant 0 : i32
        %dma_start3A_225 = arith.constant 0 : i32
        %dma_start3A_226 = tpu.memref_slice %arg3[%dma_start3A_224, %dma_start3A_225] : memref<1000000x64xf32, #tpu.memory_space<hbm>> -> memref<1000000x64xf32, #tpu.memory_space<hbm>>
        tpu.enqueue_indirect_dma source(%dma_start3A_226 : memref<1000000x64xf32, #tpu.memory_space<hbm>>) target(%dma_start3A_222 : memref<128x64xf32, #tpu.memory_space<vmem>>) offsets(%dma_start3A_223 : memref<128xi32, #tpu.memory_space<vmem>>) semaphore(%arg10 : memref<!tpu.dma_semaphore, #tpu.memory_space<semaphore_mem>>)
      } else {
      }
      %dma_wait3A_81 = arith.constant 0 : i32
      %dma_wait3A_82 = arith.constant 0 : i32
      %dma_wait3A_83 = arith.constant 0 : i32
      %dma_wait3A_84 = tpu.memref_slice %arg7[%dma_wait3A_81, %dma_wait3A_82, %dma_wait3A_83] : memref<2x512x64xf32, #tpu.memory_space<vmem>> -> memref<1x512x64xf32, #tpu.memory_space<vmem>>
      %dma_wait3A_85 = tpu.memref_squeeze %dma_wait3A_84 : memref<1x512x64xf32, #tpu.memory_space<vmem>> -> memref<512x64xf32, #tpu.memory_space<vmem>>
      %dma_wait3A_86 = arith.constant 0 : i32
      %dma_wait3A_87 = tpu.memref_slice %arg5[%mul3A_2, %dma_wait3A_86] : memref<819200x64xf32, #tpu.memory_space<hbm>> -> memref<512x64xf32, #tpu.memory_space<hbm>>
      %dma_wait3A_88 = arith.constant 0 : i32
      %dma_wait3A_89 = arith.constant 0 : i32
      %dma_wait3A_90 = tpu.memref_slice %arg7[%dma_wait3A_81, %dma_wait3A_88, %dma_wait3A_89] : memref<2x512x64xf32, #tpu.memory_space<vmem>> -> memref<1x512x64xf32, #tpu.memory_space<vmem>>
      %dma_wait3A_91 = tpu.memref_squeeze %dma_wait3A_90 : memref<1x512x64xf32, #tpu.memory_space<vmem>> -> memref<512x64xf32, #tpu.memory_space<vmem>>
      %dma_wait3A_92 = arith.constant 0 : i32
      %dma_wait3A_93 = tpu.memref_slice %arg5[%mul3A_2, %dma_wait3A_92] : memref<819200x64xf32, #tpu.memory_space<hbm>> -> memref<512x64xf32, #tpu.memory_space<hbm>>
      tpu.wait_dma2 semaphore(%arg9 : memref<!tpu.dma_semaphore, #tpu.memory_space<semaphore_mem>>) src(%dma_wait3A_93 : memref<512x64xf32, #tpu.memory_space<hbm>>) dst(%dma_wait3A_91 : memref<512x64xf32, #tpu.memory_space<vmem>>)
      %mul3A_94 = arith.constant 512 : i32
      %mul3A_95 = arith.muli %add3A_76, %mul3A_94 : i32
      %rem3A = arith.constant 200 : i32
      %rem3A_96 = arith.remsi %mul3A_95, %rem3A : i32
      %scan3A_97 = arith.constant 0 : i32
      %scan3A_98 = arith.constant 0 : i32
      %scan3A_99 = arith.constant 64 : i32
      %scan3A_100 = arith.addi %scan3A_98, %scan3A_99 : i32
      %scan3A_101 = arith.constant 1 : i32
      scf.for %scan3A_169 = %scan3A_98 to %scan3A_100 step %scan3A_101  : i32 {
        %mul3A_170 = arith.constant 8 : i32
        %mul3A_171 = arith.muli %scan3A_169, %mul3A_170 : i32
        %add3A_172 = arith.constant 0 : i32
        %add3A_173 = arith.addi %mul3A_171, %add3A_172 : i32
        %add3A_174 = arith.addi %rem3A_96, %add3A_173 : i32
        %rem3A_175 = arith.constant 200 : i32
        %rem3A_176 = arith.remsi %add3A_174, %rem3A_175 : i32
        %get3A = arith.constant 0 : i32
        %get3A_177 = arith.index_cast %get3A : i32 to index
        %get3A_178 = arith.index_cast %add3A_173 : i32 to index
        %get3A_179 = arith.constant 0 : index
        %get3A_180 = tpu.vector_load %arg7[%get3A_177, %get3A_178, %get3A_179] {strides = array<i32>} : memref<2x512x64xf32, #tpu.memory_space<vmem>>, vector<1x1x16xf32>,
        %get3A_181 = vector.shape_cast %get3A_180 : vector<1x1x16xf32> to vector<16xf32>
        %get3A_182 = arith.index_cast %rem3A_176 : i32 to index
        %get3A_183 = arith.constant 0 : index
        %get3A_184 = tpu.vector_load %arg8[%get3A_182, %get3A_183] {strides = array<i32>} : memref<200x64xf32, #tpu.memory_space<vmem>>, vector<1x16xf32>,
        %get3A_185 = vector.shape_cast %get3A_184 : vector<1x16xf32> to vector<16xf32>
        %add3A_186 = arith.addf %get3A_181, %get3A_185 : vector<16xf32>
        %swap3A = arith.constant 0 : i32
        %swap3A_187 = arith.index_cast %swap3A : i32 to index
        %swap3A_188 = arith.index_cast %add3A_173 : i32 to index
        %swap3A_189 = arith.constant 0 : index
        %swap3A_190 = tpu.vector_load %arg7[%swap3A_187, %swap3A_188, %swap3A_189] {strides = array<i32>} : memref<2x512x64xf32, #tpu.memory_space<vmem>>, vector<1x1x16xf32>,
        %swap3A_191 = vector.shape_cast %swap3A_190 : vector<1x1x16xf32> to vector<16xf32>
        %swap3A_192 = vector.shape_cast %add3A_186 : vector<16xf32> to vector<1x1x16xf32>
        tpu.vector_store %arg7[%swap3A_187, %swap3A_188, %swap3A_189], %swap3A_192 {strides = array<i32>} : memref<2x512x64xf32, #tpu.memory_space<vmem>>, vector<1x1x16xf32>,
        %get3A_193 = arith.constant 0 : i32
        %get3A_194 = arith.index_cast %get3A_193 : i32 to index
        %get3A_195 = arith.index_cast %add3A_173 : i32 to index
        %get3A_196 = arith.constant 16 : index
        %get3A_197 = tpu.vector_load %arg7[%get3A_194, %get3A_195, %get3A_196] {strides = array<i32>} : memref<2x512x64xf32, #tpu.memory_space<vmem>>, vector<1x1x16xf32>,
        %get3A_198 = vector.shape_cast %get3A_197 : vector<1x1x16xf32> to vector<16xf32>
        %get3A_199 = arith.index_cast %rem3A_176 : i32 to index
        %get3A_200 = arith.constant 16 : index
        %get3A_201 = tpu.vector_load %arg8[%get3A_199, %get3A_200] {strides = array<i32>} : memref<200x64xf32, #tpu.memory_space<vmem>>, vector<1x16xf32>,
        %get3A_202 = vector.shape_cast %get3A_201 : vector<1x16xf32> to vector<16xf32>
        %add3A_203 = arith.addf %get3A_198, %get3A_202 : vector<16xf32>
        %swap3A_204 = arith.constant 0 : i32
        %swap3A_205 = arith.index_cast %swap3A_204 : i32 to index
        %swap3A_206 = arith.index_cast %add3A_173 : i32 to index
        %swap3A_207 = arith.constant 16 : index
        %swap3A_208 = tpu.vector_load %arg7[%swap3A_205, %swap3A_206, %swap3A_207] {strides = array<i32>} : memref<2x512x64xf32, #tpu.memory_space<vmem>>, vector<1x1x16xf32>,
        %swap3A_209 = vector.shape_cast %swap3A_208 : vector<1x1x16xf32> to vector<16xf32>
        %swap3A_210 = vector.shape_cast %add3A_203 : vector<16xf32> to vector<1x1x16xf32>
        tpu.vector_store %arg7[%swap3A_205, %swap3A_206, %swap3A_207], %swap3A_210 {strides = array<i32>} : memref<2x512x64xf32, #tpu.memory_space<vmem>>, vector<1x1x16xf32>,
        %get3A_211 = arith.constant 0 : i32
        %get3A_212 = arith.index_cast %get3A_211 : i32 to index
        %get3A_213 = arith.index_cast %add3A_173 : i32 to index
        %get3A_214 = arith.constant 32 : index
        %get3A_215 = tpu.vector_load %arg7[%get3A_212, %get3A_213, %get3A_214] {strides = array<i32>} : memref<2x512x64xf32, #tpu.memory_space<vmem>>, vector<1x1x16xf32>,
        %get3A_216 = vector.shape_cast %get3A_215 : vector<1x1x16xf32> to vector<16xf32>
        %get3A_217 = arith.index_cast %rem3A_176 : i32 to index
        %get3A_218 = arith.constant 32 : index
        %get3A_219 = tpu.vector_load %arg8[%get3A_217, %get3A_218] {strides = array<i32>} : memref<200x64xf32, #tpu.memory_space<vmem>>, vector<1x16xf32>,
        %get3A_220 = vector.shape_cast %get3A_219 : vector<1x16xf32> to vector<16xf32>
        %add3A_221 = arith.addf %get3A_216, %get3A_220 : vector<16xf32>
        %swap3A_222 = arith.constant 0 : i32
        %swap3A_223 = arith.index_cast %swap3A_222 : i32 to index
        %swap3A_224 = arith.index_cast %add3A_173 : i32 to index
        %swap3A_225 = arith.constant 32 : index
        %swap3A_226 = tpu.vector_load %arg7[%swap3A_223, %swap3A_224, %swap3A_225] {strides = array<i32>} : memref<2x512x64xf32, #tpu.memory_space<vmem>>, vector<1x1x16xf32>,
        %swap3A_227 = vector.shape_cast %swap3A_226 : vector<1x1x16xf32> to vector<16xf32>
        %swap3A_228 = vector.shape_cast %add3A_221 : vector<16xf32> to vector<1x1x16xf32>
        tpu.vector_store %arg7[%swap3A_223, %swap3A_224, %swap3A_225], %swap3A_228 {strides = array<i32>} : memref<2x512x64xf32, #tpu.memory_space<vmem>>, vector<1x1x16xf32>,
        %get3A_229 = arith.constant 0 : i32
        %get3A_230 = arith.index_cast %get3A_229 : i32 to index
        %get3A_231 = arith.index_cast %add3A_173 : i32 to index
        %get3A_232 = arith.constant 48 : index
        %get3A_233 = tpu.vector_load %arg7[%get3A_230, %get3A_231, %get3A_232] {strides = array<i32>} : memref<2x512x64xf32, #tpu.memory_space<vmem>>, vector<1x1x16xf32>,
        %get3A_234 = vector.shape_cast %get3A_233 : vector<1x1x16xf32> to vector<16xf32>
        %get3A_235 = arith.index_cast %rem3A_176 : i32 to index
        %get3A_236 = arith.constant 48 : index
        %get3A_237 = tpu.vector_load %arg8[%get3A_235, %get3A_236] {strides = array<i32>} : memref<200x64xf32, #tpu.memory_space<vmem>>, vector<1x16xf32>,
        %get3A_238 = vector.shape_cast %get3A_237 : vector<1x16xf32> to vector<16xf32>
        %add3A_239 = arith.addf %get3A_234, %get3A_238 : vector<16xf32>
        %swap3A_240 = arith.constant 0 : i32
        %swap3A_241 = arith.index_cast %swap3A_240 : i32 to index
        %swap3A_242 = arith.index_cast %add3A_173 : i32 to index
        %swap3A_243 = arith.constant 48 : index
        %swap3A_244 = tpu.vector_load %arg7[%swap3A_241, %swap3A_242, %swap3A_243] {strides = array<i32>} : memref<2x512x64xf32, #tpu.memory_space<vmem>>, vector<1x1x16xf32>,
        %swap3A_245 = vector.shape_cast %swap3A_244 : vector<1x1x16xf32> to vector<16xf32>
        %swap3A_246 = vector.shape_cast %add3A_239 : vector<16xf32> to vector<1x1x16xf32>
        tpu.vector_store %arg7[%swap3A_241, %swap3A_242, %swap3A_243], %swap3A_246 {strides = array<i32>} : memref<2x512x64xf32, #tpu.memory_space<vmem>>, vector<1x1x16xf32>,
        %add3A_247 = arith.constant 1 : i32
        %add3A_248 = arith.addi %mul3A_171, %add3A_247 : i32
        %add3A_249 = arith.addi %rem3A_96, %add3A_248 : i32
        %rem3A_250 = arith.constant 200 : i32
        %rem3A_251 = arith.remsi %add3A_249, %rem3A_250 : i32
        %get3A_252 = arith.constant 0 : i32
        %get3A_253 = arith.index_cast %get3A_252 : i32 to index
        %get3A_254 = arith.index_cast %add3A_248 : i32 to index
        %get3A_255 = arith.constant 0 : index
        %get3A_256 = tpu.vector_load %arg7[%get3A_253, %get3A_254, %get3A_255] {strides = array<i32>} : memref<2x512x64xf32, #tpu.memory_space<vmem>>, vector<1x1x16xf32>,
        %get3A_257 = vector.shape_cast %get3A_256 : vector<1x1x16xf32> to vector<16xf32>
        %get3A_258 = arith.index_cast %rem3A_251 : i32 to index
        %get3A_259 = arith.constant 0 : index
        %get3A_260 = tpu.vector_load %arg8[%get3A_258, %get3A_259] {strides = array<i32>} : memref<200x64xf32, #tpu.memory_space<vmem>>, vector<1x16xf32>,
        %get3A_261 = vector.shape_cast %get3A_260 : vector<1x16xf32> to vector<16xf32>
        %add3A_262 = arith.addf %get3A_257, %get3A_261 : vector<16xf32>
        %swap3A_263 = arith.constant 0 : i32
        %swap3A_264 = arith.index_cast %swap3A_263 : i32 to index
        %swap3A_265 = arith.index_cast %add3A_248 : i32 to index
        %swap3A_266 = arith.constant 0 : index
        %swap3A_267 = tpu.vector_load %arg7[%swap3A_264, %swap3A_265, %swap3A_266] {strides = array<i32>} : memref<2x512x64xf32, #tpu.memory_space<vmem>>, vector<1x1x16xf32>,
        %swap3A_268 = vector.shape_cast %swap3A_267 : vector<1x1x16xf32> to vector<16xf32>
        %swap3A_269 = vector.shape_cast %add3A_262 : vector<16xf32> to vector<1x1x16xf32>
        tpu.vector_store %arg7[%swap3A_264, %swap3A_265, %swap3A_266], %swap3A_269 {strides = array<i32>} : memref<2x512x64xf32, #tpu.memory_space<vmem>>, vector<1x1x16xf32>,
        %get3A_270 = arith.constant 0 : i32
        %get3A_271 = arith.index_cast %get3A_270 : i32 to index
        %get3A_272 = arith.index_cast %add3A_248 : i32 to index
        %get3A_273 = arith.constant 16 : index
        %get3A_274 = tpu.vector_load %arg7[%get3A_271, %get3A_272, %get3A_273] {strides = array<i32>} : memref<2x512x64xf32, #tpu.memory_space<vmem>>, vector<1x1x16xf32>,
        %get3A_275 = vector.shape_cast %get3A_274 : vector<1x1x16xf32> to vector<16xf32>
        %get3A_276 = arith.index_cast %rem3A_251 : i32 to index
        %get3A_277 = arith.constant 16 : index
        %get3A_278 = tpu.vector_load %arg8[%get3A_276, %get3A_277] {strides = array<i32>} : memref<200x64xf32, #tpu.memory_space<vmem>>, vector<1x16xf32>,
        %get3A_279 = vector.shape_cast %get3A_278 : vector<1x16xf32> to vector<16xf32>
        %add3A_280 = arith.addf %get3A_275, %get3A_279 : vector<16xf32>
        %swap3A_281 = arith.constant 0 : i32
        %swap3A_282 = arith.index_cast %swap3A_281 : i32 to index
        %swap3A_283 = arith.index_cast %add3A_248 : i32 to index
        %swap3A_284 = arith.constant 16 : index
        %swap3A_285 = tpu.vector_load %arg7[%swap3A_282, %swap3A_283, %swap3A_284] {strides = array<i32>} : memref<2x512x64xf32, #tpu.memory_space<vmem>>, vector<1x1x16xf32>,
        %swap3A_286 = vector.shape_cast %swap3A_285 : vector<1x1x16xf32> to vector<16xf32>
        %swap3A_287 = vector.shape_cast %add3A_280 : vector<16xf32> to vector<1x1x16xf32>
        tpu.vector_store %arg7[%swap3A_282, %swap3A_283, %swap3A_284], %swap3A_287 {strides = array<i32>} : memref<2x512x64xf32, #tpu.memory_space<vmem>>, vector<1x1x16xf32>,
        %get3A_288 = arith.constant 0 : i32
        %get3A_289 = arith.index_cast %get3A_288 : i32 to index
        %get3A_290 = arith.index_cast %add3A_248 : i32 to index
        %get3A_291 = arith.constant 32 : index
        %get3A_292 = tpu.vector_load %arg7[%get3A_289, %get3A_290, %get3A_291] {strides = array<i32>} : memref<2x512x64xf32, #tpu.memory_space<vmem>>, vector<1x1x16xf32>,
        %get3A_293 = vector.shape_cast %get3A_292 : vector<1x1x16xf32> to vector<16xf32>
        %get3A_294 = arith.index_cast %rem3A_251 : i32 to index
        %get3A_295 = arith.constant 32 : index
        %get3A_296 = tpu.vector_load %arg8[%get3A_294, %get3A_295] {strides = array<i32>} : memref<200x64xf32, #tpu.memory_space<vmem>>, vector<1x16xf32>,
        %get3A_297 = vector.shape_cast %get3A_296 : vector<1x16xf32> to vector<16xf32>
        %add3A_298 = arith.addf %get3A_293, %get3A_297 : vector<16xf32>
        %swap3A_299 = arith.constant 0 : i32
        %swap3A_300 = arith.index_cast %swap3A_299 : i32 to index
        %swap3A_301 = arith.index_cast %add3A_248 : i32 to index
        %swap3A_302 = arith.constant 32 : index
        %swap3A_303 = tpu.vector_load %arg7[%swap3A_300, %swap3A_301, %swap3A_302] {strides = array<i32>} : memref<2x512x64xf32, #tpu.memory_space<vmem>>, vector<1x1x16xf32>,
        %swap3A_304 = vector.shape_cast %swap3A_303 : vector<1x1x16xf32> to vector<16xf32>
        %swap3A_305 = vector.shape_cast %add3A_298 : vector<16xf32> to vector<1x1x16xf32>
        tpu.vector_store %arg7[%swap3A_300, %swap3A_301, %swap3A_302], %swap3A_305 {strides = array<i32>} : memref<2x512x64xf32, #tpu.memory_space<vmem>>, vector<1x1x16xf32>,
        %get3A_306 = arith.constant 0 : i32
        %get3A_307 = arith.index_cast %get3A_306 : i32 to index
        %get3A_308 = arith.index_cast %add3A_248 : i32 to index
        %get3A_309 = arith.constant 48 : index
        %get3A_310 = tpu.vector_load %arg7[%get3A_307, %get3A_308, %get3A_309] {strides = array<i32>} : memref<2x512x64xf32, #tpu.memory_space<vmem>>, vector<1x1x16xf32>,
        %get3A_311 = vector.shape_cast %get3A_310 : vector<1x1x16xf32> to vector<16xf32>
        %get3A_312 = arith.index_cast %rem3A_251 : i32 to index
        %get3A_313 = arith.constant 48 : index
        %get3A_314 = tpu.vector_load %arg8[%get3A_312, %get3A_313] {strides = array<i32>} : memref<200x64xf32, #tpu.memory_space<vmem>>, vector<1x16xf32>,
        %get3A_315 = vector.shape_cast %get3A_314 : vector<1x16xf32> to vector<16xf32>
        %add3A_316 = arith.addf %get3A_311, %get3A_315 : vector<16xf32>
        %swap3A_317 = arith.constant 0 : i32
        %swap3A_318 = arith.index_cast %swap3A_317 : i32 to index
        %swap3A_319 = arith.index_cast %add3A_248 : i32 to index
        %swap3A_320 = arith.constant 48 : index
        %swap3A_321 = tpu.vector_load %arg7[%swap3A_318, %swap3A_319, %swap3A_320] {strides = array<i32>} : memref<2x512x64xf32, #tpu.memory_space<vmem>>, vector<1x1x16xf32>,
        %swap3A_322 = vector.shape_cast %swap3A_321 : vector<1x1x16xf32> to vector<16xf32>
        %swap3A_323 = vector.shape_cast %add3A_316 : vector<16xf32> to vector<1x1x16xf32>
        tpu.vector_store %arg7[%swap3A_318, %swap3A_319, %swap3A_320], %swap3A_323 {strides = array<i32>} : memref<2x512x64xf32, #tpu.memory_space<vmem>>, vector<1x1x16xf32>,
        %add3A_324 = arith.constant 2 : i32
        %add3A_325 = arith.addi %mul3A_171, %add3A_324 : i32
        %add3A_326 = arith.addi %rem3A_96, %add3A_325 : i32
        %rem3A_327 = arith.constant 200 : i32
        %rem3A_328 = arith.remsi %add3A_326, %rem3A_327 : i32
        %get3A_329 = arith.constant 0 : i32
        %get3A_330 = arith.index_cast %get3A_329 : i32 to index
        %get3A_331 = arith.index_cast %add3A_325 : i32 to index
        %get3A_332 = arith.constant 0 : index
        %get3A_333 = tpu.vector_load %arg7[%get3A_330, %get3A_331, %get3A_332] {strides = array<i32>} : memref<2x512x64xf32, #tpu.memory_space<vmem>>, vector<1x1x16xf32>,
        %get3A_334 = vector.shape_cast %get3A_333 : vector<1x1x16xf32> to vector<16xf32>
        %get3A_335 = arith.index_cast %rem3A_328 : i32 to index
        %get3A_336 = arith.constant 0 : index
        %get3A_337 = tpu.vector_load %arg8[%get3A_335, %get3A_336] {strides = array<i32>} : memref<200x64xf32, #tpu.memory_space<vmem>>, vector<1x16xf32>,
        %get3A_338 = vector.shape_cast %get3A_337 : vector<1x16xf32> to vector<16xf32>
        %add3A_339 = arith.addf %get3A_334, %get3A_338 : vector<16xf32>
        %swap3A_340 = arith.constant 0 : i32
        %swap3A_341 = arith.index_cast %swap3A_340 : i32 to index
        %swap3A_342 = arith.index_cast %add3A_325 : i32 to index
        %swap3A_343 = arith.constant 0 : index
        %swap3A_344 = tpu.vector_load %arg7[%swap3A_341, %swap3A_342, %swap3A_343] {strides = array<i32>} : memref<2x512x64xf32, #tpu.memory_space<vmem>>, vector<1x1x16xf32>,
        %swap3A_345 = vector.shape_cast %swap3A_344 : vector<1x1x16xf32> to vector<16xf32>
        %swap3A_346 = vector.shape_cast %add3A_339 : vector<16xf32> to vector<1x1x16xf32>
        tpu.vector_store %arg7[%swap3A_341, %swap3A_342, %swap3A_343], %swap3A_346 {strides = array<i32>} : memref<2x512x64xf32, #tpu.memory_space<vmem>>, vector<1x1x16xf32>,
        %get3A_347 = arith.constant 0 : i32
        %get3A_348 = arith.index_cast %get3A_347 : i32 to index
        %get3A_349 = arith.index_cast %add3A_325 : i32 to index
        %get3A_350 = arith.constant 16 : index
        %get3A_351 = tpu.vector_load %arg7[%get3A_348, %get3A_349, %get3A_350] {strides = array<i32>} : memref<2x512x64xf32, #tpu.memory_space<vmem>>, vector<1x1x16xf32>,
        %get3A_352 = vector.shape_cast %get3A_351 : vector<1x1x16xf32> to vector<16xf32>
        %get3A_353 = arith.index_cast %rem3A_328 : i32 to index
        %get3A_354 = arith.constant 16 : index
        %get3A_355 = tpu.vector_load %arg8[%get3A_353, %get3A_354] {strides = array<i32>} : memref<200x64xf32, #tpu.memory_space<vmem>>, vector<1x16xf32>,
        %get3A_356 = vector.shape_cast %get3A_355 : vector<1x16xf32> to vector<16xf32>
        %add3A_357 = arith.addf %get3A_352, %get3A_356 : vector<16xf32>
        %swap3A_358 = arith.constant 0 : i32
        %swap3A_359 = arith.index_cast %swap3A_358 : i32 to index
        %swap3A_360 = arith.index_cast %add3A_325 : i32 to index
        %swap3A_361 = arith.constant 16 : index
        %swap3A_362 = tpu.vector_load %arg7[%swap3A_359, %swap3A_360, %swap3A_361] {strides = array<i32>} : memref<2x512x64xf32, #tpu.memory_space<vmem>>, vector<1x1x16xf32>,
        %swap3A_363 = vector.shape_cast %swap3A_362 : vector<1x1x16xf32> to vector<16xf32>
        %swap3A_364 = vector.shape_cast %add3A_357 : vector<16xf32> to vector<1x1x16xf32>
        tpu.vector_store %arg7[%swap3A_359, %swap3A_360, %swap3A_361], %swap3A_364 {strides = array<i32>} : memref<2x512x64xf32, #tpu.memory_space<vmem>>, vector<1x1x16xf32>,
        %get3A_365 = arith.constant 0 : i32
        %get3A_366 = arith.index_cast %get3A_365 : i32 to index
        %get3A_367 = arith.index_cast %add3A_325 : i32 to index
        %get3A_368 = arith.constant 32 : index
        %get3A_369 = tpu.vector_load %arg7[%get3A_366, %get3A_367, %get3A_368] {strides = array<i32>} : memref<2x512x64xf32, #tpu.memory_space<vmem>>, vector<1x1x16xf32>,
        %get3A_370 = vector.shape_cast %get3A_369 : vector<1x1x16xf32> to vector<16xf32>
        %get3A_371 = arith.index_cast %rem3A_328 : i32 to index
        %get3A_372 = arith.constant 32 : index
        %get3A_373 = tpu.vector_load %arg8[%get3A_371, %get3A_372] {strides = array<i32>} : memref<200x64xf32, #tpu.memory_space<vmem>>, vector<1x16xf32>,
        %get3A_374 = vector.shape_cast %get3A_373 : vector<1x16xf32> to vector<16xf32>
        %add3A_375 = arith.addf %get3A_370, %get3A_374 : vector<16xf32>
        %swap3A_376 = arith.constant 0 : i32
        %swap3A_377 = arith.index_cast %swap3A_376 : i32 to index
        %swap3A_378 = arith.index_cast %add3A_325 : i32 to index
        %swap3A_379 = arith.constant 32 : index
        %swap3A_380 = tpu.vector_load %arg7[%swap3A_377, %swap3A_378, %swap3A_379] {strides = array<i32>} : memref<2x512x64xf32, #tpu.memory_space<vmem>>, vector<1x1x16xf32>,
        %swap3A_381 = vector.shape_cast %swap3A_380 : vector<1x1x16xf32> to vector<16xf32>
        %swap3A_382 = vector.shape_cast %add3A_375 : vector<16xf32> to vector<1x1x16xf32>
        tpu.vector_store %arg7[%swap3A_377, %swap3A_378, %swap3A_379], %swap3A_382 {strides = array<i32>} : memref<2x512x64xf32, #tpu.memory_space<vmem>>, vector<1x1x16xf32>,
        %get3A_383 = arith.constant 0 : i32
        %get3A_384 = arith.index_cast %get3A_383 : i32 to index
        %get3A_385 = arith.index_cast %add3A_325 : i32 to index
        %get3A_386 = arith.constant 48 : index
        %get3A_387 = tpu.vector_load %arg7[%get3A_384, %get3A_385, %get3A_386] {strides = array<i32>} : memref<2x512x64xf32, #tpu.memory_space<vmem>>, vector<1x1x16xf32>,
        %get3A_388 = vector.shape_cast %get3A_387 : vector<1x1x16xf32> to vector<16xf32>
        %get3A_389 = arith.index_cast %rem3A_328 : i32 to index
        %get3A_390 = arith.constant 48 : index
        %get3A_391 = tpu.vector_load %arg8[%get3A_389, %get3A_390] {strides = array<i32>} : memref<200x64xf32, #tpu.memory_space<vmem>>, vector<1x16xf32>,
        %get3A_392 = vector.shape_cast %get3A_391 : vector<1x16xf32> to vector<16xf32>
        %add3A_393 = arith.addf %get3A_388, %get3A_392 : vector<16xf32>
        %swap3A_394 = arith.constant 0 : i32
        %swap3A_395 = arith.index_cast %swap3A_394 : i32 to index
        %swap3A_396 = arith.index_cast %add3A_325 : i32 to index
        %swap3A_397 = arith.constant 48 : index
        %swap3A_398 = tpu.vector_load %arg7[%swap3A_395, %swap3A_396, %swap3A_397] {strides = array<i32>} : memref<2x512x64xf32, #tpu.memory_space<vmem>>, vector<1x1x16xf32>,
        %swap3A_399 = vector.shape_cast %swap3A_398 : vector<1x1x16xf32> to vector<16xf32>
        %swap3A_400 = vector.shape_cast %add3A_393 : vector<16xf32> to vector<1x1x16xf32>
        tpu.vector_store %arg7[%swap3A_395, %swap3A_396, %swap3A_397], %swap3A_400 {strides = array<i32>} : memref<2x512x64xf32, #tpu.memory_space<vmem>>, vector<1x1x16xf32>,
        %add3A_401 = arith.constant 3 : i32
        %add3A_402 = arith.addi %mul3A_171, %add3A_401 : i32
        %add3A_403 = arith.addi %rem3A_96, %add3A_402 : i32
        %rem3A_404 = arith.constant 200 : i32
        %rem3A_405 = arith.remsi %add3A_403, %rem3A_404 : i32
        %get3A_406 = arith.constant 0 : i32
        %get3A_407 = arith.index_cast %get3A_406 : i32 to index
        %get3A_408 = arith.index_cast %add3A_402 : i32 to index
        %get3A_409 = arith.constant 0 : index
        %get3A_410 = tpu.vector_load %arg7[%get3A_407, %get3A_408, %get3A_409] {strides = array<i32>} : memref<2x512x64xf32, #tpu.memory_space<vmem>>, vector<1x1x16xf32>,
        %get3A_411 = vector.shape_cast %get3A_410 : vector<1x1x16xf32> to vector<16xf32>
        %get3A_412 = arith.index_cast %rem3A_405 : i32 to index
        %get3A_413 = arith.constant 0 : index
        %get3A_414 = tpu.vector_load %arg8[%get3A_412, %get3A_413] {strides = array<i32>} : memref<200x64xf32, #tpu.memory_space<vmem>>, vector<1x16xf32>,
        %get3A_415 = vector.shape_cast %get3A_414 : vector<1x16xf32> to vector<16xf32>
        %add3A_416 = arith.addf %get3A_411, %get3A_415 : vector<16xf32>
        %swap3A_417 = arith.constant 0 : i32
        %swap3A_418 = arith.index_cast %swap3A_417 : i32 to index
        %swap3A_419 = arith.index_cast %add3A_402 : i32 to index
        %swap3A_420 = arith.constant 0 : index
        %swap3A_421 = tpu.vector_load %arg7[%swap3A_418, %swap3A_419, %swap3A_420] {strides = array<i32>} : memref<2x512x64xf32, #tpu.memory_space<vmem>>, vector<1x1x16xf32>,
        %swap3A_422 = vector.shape_cast %swap3A_421 : vector<1x1x16xf32> to vector<16xf32>
        %swap3A_423 = vector.shape_cast %add3A_416 : vector<16xf32> to vector<1x1x16xf32>
        tpu.vector_store %arg7[%swap3A_418, %swap3A_419, %swap3A_420], %swap3A_423 {strides = array<i32>} : memref<2x512x64xf32, #tpu.memory_space<vmem>>, vector<1x1x16xf32>,
        %get3A_424 = arith.constant 0 : i32
        %get3A_425 = arith.index_cast %get3A_424 : i32 to index
        %get3A_426 = arith.index_cast %add3A_402 : i32 to index
        %get3A_427 = arith.constant 16 : index
        %get3A_428 = tpu.vector_load %arg7[%get3A_425, %get3A_426, %get3A_427] {strides = array<i32>} : memref<2x512x64xf32, #tpu.memory_space<vmem>>, vector<1x1x16xf32>,
        %get3A_429 = vector.shape_cast %get3A_428 : vector<1x1x16xf32> to vector<16xf32>
        %get3A_430 = arith.index_cast %rem3A_405 : i32 to index
        %get3A_431 = arith.constant 16 : index
        %get3A_432 = tpu.vector_load %arg8[%get3A_430, %get3A_431] {strides = array<i32>} : memref<200x64xf32, #tpu.memory_space<vmem>>, vector<1x16xf32>,
        %get3A_433 = vector.shape_cast %get3A_432 : vector<1x16xf32> to vector<16xf32>
        %add3A_434 = arith.addf %get3A_429, %get3A_433 : vector<16xf32>
        %swap3A_435 = arith.constant 0 : i32
        %swap3A_436 = arith.index_cast %swap3A_435 : i32 to index
        %swap3A_437 = arith.index_cast %add3A_402 : i32 to index
        %swap3A_438 = arith.constant 16 : index
        %swap3A_439 = tpu.vector_load %arg7[%swap3A_436, %swap3A_437, %swap3A_438] {strides = array<i32>} : memref<2x512x64xf32, #tpu.memory_space<vmem>>, vector<1x1x16xf32>,
        %swap3A_440 = vector.shape_cast %swap3A_439 : vector<1x1x16xf32> to vector<16xf32>
        %swap3A_441 = vector.shape_cast %add3A_434 : vector<16xf32> to vector<1x1x16xf32>
        tpu.vector_store %arg7[%swap3A_436, %swap3A_437, %swap3A_438], %swap3A_441 {strides = array<i32>} : memref<2x512x64xf32, #tpu.memory_space<vmem>>, vector<1x1x16xf32>,
        %get3A_442 = arith.constant 0 : i32
        %get3A_443 = arith.index_cast %get3A_442 : i32 to index
        %get3A_444 = arith.index_cast %add3A_402 : i32 to index
        %get3A_445 = arith.constant 32 : index
        %get3A_446 = tpu.vector_load %arg7[%get3A_443, %get3A_444, %get3A_445] {strides = array<i32>} : memref<2x512x64xf32, #tpu.memory_space<vmem>>, vector<1x1x16xf32>,
        %get3A_447 = vector.shape_cast %get3A_446 : vector<1x1x16xf32> to vector<16xf32>
        %get3A_448 = arith.index_cast %rem3A_405 : i32 to index
        %get3A_449 = arith.constant 32 : index
        %get3A_450 = tpu.vector_load %arg8[%get3A_448, %get3A_449] {strides = array<i32>} : memref<200x64xf32, #tpu.memory_space<vmem>>, vector<1x16xf32>,
        %get3A_451 = vector.shape_cast %get3A_450 : vector<1x16xf32> to vector<16xf32>
        %add3A_452 = arith.addf %get3A_447, %get3A_451 : vector<16xf32>
        %swap3A_453 = arith.constant 0 : i32
        %swap3A_454 = arith.index_cast %swap3A_453 : i32 to index
        %swap3A_455 = arith.index_cast %add3A_402 : i32 to index
        %swap3A_456 = arith.constant 32 : index
        %swap3A_457 = tpu.vector_load %arg7[%swap3A_454, %swap3A_455, %swap3A_456] {strides = array<i32>} : memref<2x512x64xf32, #tpu.memory_space<vmem>>, vector<1x1x16xf32>,
        %swap3A_458 = vector.shape_cast %swap3A_457 : vector<1x1x16xf32> to vector<16xf32>
        %swap3A_459 = vector.shape_cast %add3A_452 : vector<16xf32> to vector<1x1x16xf32>
        tpu.vector_store %arg7[%swap3A_454, %swap3A_455, %swap3A_456], %swap3A_459 {strides = array<i32>} : memref<2x512x64xf32, #tpu.memory_space<vmem>>, vector<1x1x16xf32>,
        %get3A_460 = arith.constant 0 : i32
        %get3A_461 = arith.index_cast %get3A_460 : i32 to index
        %get3A_462 = arith.index_cast %add3A_402 : i32 to index
        %get3A_463 = arith.constant 48 : index
        %get3A_464 = tpu.vector_load %arg7[%get3A_461, %get3A_462, %get3A_463] {strides = array<i32>} : memref<2x512x64xf32, #tpu.memory_space<vmem>>, vector<1x1x16xf32>,
        %get3A_465 = vector.shape_cast %get3A_464 : vector<1x1x16xf32> to vector<16xf32>
        %get3A_466 = arith.index_cast %rem3A_405 : i32 to index
        %get3A_467 = arith.constant 48 : index
        %get3A_468 = tpu.vector_load %arg8[%get3A_466, %get3A_467] {strides = array<i32>} : memref<200x64xf32, #tpu.memory_space<vmem>>, vector<1x16xf32>,
        %get3A_469 = vector.shape_cast %get3A_468 : vector<1x16xf32> to vector<16xf32>
        %add3A_470 = arith.addf %get3A_465, %get3A_469 : vector<16xf32>
        %swap3A_471 = arith.constant 0 : i32
        %swap3A_472 = arith.index_cast %swap3A_471 : i32 to index
        %swap3A_473 = arith.index_cast %add3A_402 : i32 to index
        %swap3A_474 = arith.constant 48 : index
        %swap3A_475 = tpu.vector_load %arg7[%swap3A_472, %swap3A_473, %swap3A_474] {strides = array<i32>} : memref<2x512x64xf32, #tpu.memory_space<vmem>>, vector<1x1x16xf32>,
        %swap3A_476 = vector.shape_cast %swap3A_475 : vector<1x1x16xf32> to vector<16xf32>
        %swap3A_477 = vector.shape_cast %add3A_470 : vector<16xf32> to vector<1x1x16xf32>
        tpu.vector_store %arg7[%swap3A_472, %swap3A_473, %swap3A_474], %swap3A_477 {strides = array<i32>} : memref<2x512x64xf32, #tpu.memory_space<vmem>>, vector<1x1x16xf32>,
        %add3A_478 = arith.constant 4 : i32
        %add3A_479 = arith.addi %mul3A_171, %add3A_478 : i32
        %add3A_480 = arith.addi %rem3A_96, %add3A_479 : i32
        %rem3A_481 = arith.constant 200 : i32
        %rem3A_482 = arith.remsi %add3A_480, %rem3A_481 : i32
        %get3A_483 = arith.constant 0 : i32
        %get3A_484 = arith.index_cast %get3A_483 : i32 to index
        %get3A_485 = arith.index_cast %add3A_479 : i32 to index
        %get3A_486 = arith.constant 0 : index
        %get3A_487 = tpu.vector_load %arg7[%get3A_484, %get3A_485, %get3A_486] {strides = array<i32>} : memref<2x512x64xf32, #tpu.memory_space<vmem>>, vector<1x1x16xf32>,
        %get3A_488 = vector.shape_cast %get3A_487 : vector<1x1x16xf32> to vector<16xf32>
        %get3A_489 = arith.index_cast %rem3A_482 : i32 to index
        %get3A_490 = arith.constant 0 : index
        %get3A_491 = tpu.vector_load %arg8[%get3A_489, %get3A_490] {strides = array<i32>} : memref<200x64xf32, #tpu.memory_space<vmem>>, vector<1x16xf32>,
        %get3A_492 = vector.shape_cast %get3A_491 : vector<1x16xf32> to vector<16xf32>
        %add3A_493 = arith.addf %get3A_488, %get3A_492 : vector<16xf32>
        %swap3A_494 = arith.constant 0 : i32
        %swap3A_495 = arith.index_cast %swap3A_494 : i32 to index
        %swap3A_496 = arith.index_cast %add3A_479 : i32 to index
        %swap3A_497 = arith.constant 0 : index
        %swap3A_498 = tpu.vector_load %arg7[%swap3A_495, %swap3A_496, %swap3A_497] {strides = array<i32>} : memref<2x512x64xf32, #tpu.memory_space<vmem>>, vector<1x1x16xf32>,
        %swap3A_499 = vector.shape_cast %swap3A_498 : vector<1x1x16xf32> to vector<16xf32>
        %swap3A_500 = vector.shape_cast %add3A_493 : vector<16xf32> to vector<1x1x16xf32>
        tpu.vector_store %arg7[%swap3A_495, %swap3A_496, %swap3A_497], %swap3A_500 {strides = array<i32>} : memref<2x512x64xf32, #tpu.memory_space<vmem>>, vector<1x1x16xf32>,
        %get3A_501 = arith.constant 0 : i32
        %get3A_502 = arith.index_cast %get3A_501 : i32 to index
        %get3A_503 = arith.index_cast %add3A_479 : i32 to index
        %get3A_504 = arith.constant 16 : index
        %get3A_505 = tpu.vector_load %arg7[%get3A_502, %get3A_503, %get3A_504] {strides = array<i32>} : memref<2x512x64xf32, #tpu.memory_space<vmem>>, vector<1x1x16xf32>,
        %get3A_506 = vector.shape_cast %get3A_505 : vector<1x1x16xf32> to vector<16xf32>
        %get3A_507 = arith.index_cast %rem3A_482 : i32 to index
        %get3A_508 = arith.constant 16 : index
        %get3A_509 = tpu.vector_load %arg8[%get3A_507, %get3A_508] {strides = array<i32>} : memref<200x64xf32, #tpu.memory_space<vmem>>, vector<1x16xf32>,
        %get3A_510 = vector.shape_cast %get3A_509 : vector<1x16xf32> to vector<16xf32>
        %add3A_511 = arith.addf %get3A_506, %get3A_510 : vector<16xf32>
        %swap3A_512 = arith.constant 0 : i32
        %swap3A_513 = arith.index_cast %swap3A_512 : i32 to index
        %swap3A_514 = arith.index_cast %add3A_479 : i32 to index
        %swap3A_515 = arith.constant 16 : index
        %swap3A_516 = tpu.vector_load %arg7[%swap3A_513, %swap3A_514, %swap3A_515] {strides = array<i32>} : memref<2x512x64xf32, #tpu.memory_space<vmem>>, vector<1x1x16xf32>,
        %swap3A_517 = vector.shape_cast %swap3A_516 : vector<1x1x16xf32> to vector<16xf32>
        %swap3A_518 = vector.shape_cast %add3A_511 : vector<16xf32> to vector<1x1x16xf32>
        tpu.vector_store %arg7[%swap3A_513, %swap3A_514, %swap3A_515], %swap3A_518 {strides = array<i32>} : memref<2x512x64xf32, #tpu.memory_space<vmem>>, vector<1x1x16xf32>,
        %get3A_519 = arith.constant 0 : i32
        %get3A_520 = arith.index_cast %get3A_519 : i32 to index
        %get3A_521 = arith.index_cast %add3A_479 : i32 to index
        %get3A_522 = arith.constant 32 : index
        %get3A_523 = tpu.vector_load %arg7[%get3A_520, %get3A_521, %get3A_522] {strides = array<i32>} : memref<2x512x64xf32, #tpu.memory_space<vmem>>, vector<1x1x16xf32>,
        %get3A_524 = vector.shape_cast %get3A_523 : vector<1x1x16xf32> to vector<16xf32>
        %get3A_525 = arith.index_cast %rem3A_482 : i32 to index
        %get3A_526 = arith.constant 32 : index
        %get3A_527 = tpu.vector_load %arg8[%get3A_525, %get3A_526] {strides = array<i32>} : memref<200x64xf32, #tpu.memory_space<vmem>>, vector<1x16xf32>,
        %get3A_528 = vector.shape_cast %get3A_527 : vector<1x16xf32> to vector<16xf32>
        %add3A_529 = arith.addf %get3A_524, %get3A_528 : vector<16xf32>
        %swap3A_530 = arith.constant 0 : i32
        %swap3A_531 = arith.index_cast %swap3A_530 : i32 to index
        %swap3A_532 = arith.index_cast %add3A_479 : i32 to index
        %swap3A_533 = arith.constant 32 : index
        %swap3A_534 = tpu.vector_load %arg7[%swap3A_531, %swap3A_532, %swap3A_533] {strides = array<i32>} : memref<2x512x64xf32, #tpu.memory_space<vmem>>, vector<1x1x16xf32>,
        %swap3A_535 = vector.shape_cast %swap3A_534 : vector<1x1x16xf32> to vector<16xf32>
        %swap3A_536 = vector.shape_cast %add3A_529 : vector<16xf32> to vector<1x1x16xf32>
        tpu.vector_store %arg7[%swap3A_531, %swap3A_532, %swap3A_533], %swap3A_536 {strides = array<i32>} : memref<2x512x64xf32, #tpu.memory_space<vmem>>, vector<1x1x16xf32>,
        %get3A_537 = arith.constant 0 : i32
        %get3A_538 = arith.index_cast %get3A_537 : i32 to index
        %get3A_539 = arith.index_cast %add3A_479 : i32 to index
        %get3A_540 = arith.constant 48 : index
        %get3A_541 = tpu.vector_load %arg7[%get3A_538, %get3A_539, %get3A_540] {strides = array<i32>} : memref<2x512x64xf32, #tpu.memory_space<vmem>>, vector<1x1x16xf32>,
        %get3A_542 = vector.shape_cast %get3A_541 : vector<1x1x16xf32> to vector<16xf32>
        %get3A_543 = arith.index_cast %rem3A_482 : i32 to index
        %get3A_544 = arith.constant 48 : index
        %get3A_545 = tpu.vector_load %arg8[%get3A_543, %get3A_544] {strides = array<i32>} : memref<200x64xf32, #tpu.memory_space<vmem>>, vector<1x16xf32>,
        %get3A_546 = vector.shape_cast %get3A_545 : vector<1x16xf32> to vector<16xf32>
        %add3A_547 = arith.addf %get3A_542, %get3A_546 : vector<16xf32>
        %swap3A_548 = arith.constant 0 : i32
        %swap3A_549 = arith.index_cast %swap3A_548 : i32 to index
        %swap3A_550 = arith.index_cast %add3A_479 : i32 to index
        %swap3A_551 = arith.constant 48 : index
        %swap3A_552 = tpu.vector_load %arg7[%swap3A_549, %swap3A_550, %swap3A_551] {strides = array<i32>} : memref<2x512x64xf32, #tpu.memory_space<vmem>>, vector<1x1x16xf32>,
        %swap3A_553 = vector.shape_cast %swap3A_552 : vector<1x1x16xf32> to vector<16xf32>
        %swap3A_554 = vector.shape_cast %add3A_547 : vector<16xf32> to vector<1x1x16xf32>
        tpu.vector_store %arg7[%swap3A_549, %swap3A_550, %swap3A_551], %swap3A_554 {strides = array<i32>} : memref<2x512x64xf32, #tpu.memory_space<vmem>>, vector<1x1x16xf32>,
        %add3A_555 = arith.constant 5 : i32
        %add3A_556 = arith.addi %mul3A_171, %add3A_555 : i32
        %add3A_557 = arith.addi %rem3A_96, %add3A_556 : i32
        %rem3A_558 = arith.constant 200 : i32
        %rem3A_559 = arith.remsi %add3A_557, %rem3A_558 : i32
        %get3A_560 = arith.constant 0 : i32
        %get3A_561 = arith.index_cast %get3A_560 : i32 to index
        %get3A_562 = arith.index_cast %add3A_556 : i32 to index
        %get3A_563 = arith.constant 0 : index
        %get3A_564 = tpu.vector_load %arg7[%get3A_561, %get3A_562, %get3A_563] {strides = array<i32>} : memref<2x512x64xf32, #tpu.memory_space<vmem>>, vector<1x1x16xf32>,
        %get3A_565 = vector.shape_cast %get3A_564 : vector<1x1x16xf32> to vector<16xf32>
        %get3A_566 = arith.index_cast %rem3A_559 : i32 to index
        %get3A_567 = arith.constant 0 : index
        %get3A_568 = tpu.vector_load %arg8[%get3A_566, %get3A_567] {strides = array<i32>} : memref<200x64xf32, #tpu.memory_space<vmem>>, vector<1x16xf32>,
        %get3A_569 = vector.shape_cast %get3A_568 : vector<1x16xf32> to vector<16xf32>
        %add3A_570 = arith.addf %get3A_565, %get3A_569 : vector<16xf32>
        %swap3A_571 = arith.constant 0 : i32
        %swap3A_572 = arith.index_cast %swap3A_571 : i32 to index
        %swap3A_573 = arith.index_cast %add3A_556 : i32 to index
        %swap3A_574 = arith.constant 0 : index
        %swap3A_575 = tpu.vector_load %arg7[%swap3A_572, %swap3A_573, %swap3A_574] {strides = array<i32>} : memref<2x512x64xf32, #tpu.memory_space<vmem>>, vector<1x1x16xf32>,
        %swap3A_576 = vector.shape_cast %swap3A_575 : vector<1x1x16xf32> to vector<16xf32>
        %swap3A_577 = vector.shape_cast %add3A_570 : vector<16xf32> to vector<1x1x16xf32>
        tpu.vector_store %arg7[%swap3A_572, %swap3A_573, %swap3A_574], %swap3A_577 {strides = array<i32>} : memref<2x512x64xf32, #tpu.memory_space<vmem>>, vector<1x1x16xf32>,
        %get3A_578 = arith.constant 0 : i32
        %get3A_579 = arith.index_cast %get3A_578 : i32 to index
        %get3A_580 = arith.index_cast %add3A_556 : i32 to index
        %get3A_581 = arith.constant 16 : index
        %get3A_582 = tpu.vector_load %arg7[%get3A_579, %get3A_580, %get3A_581] {strides = array<i32>} : memref<2x512x64xf32, #tpu.memory_space<vmem>>, vector<1x1x16xf32>,
        %get3A_583 = vector.shape_cast %get3A_582 : vector<1x1x16xf32> to vector<16xf32>
        %get3A_584 = arith.index_cast %rem3A_559 : i32 to index
        %get3A_585 = arith.constant 16 : index
        %get3A_586 = tpu.vector_load %arg8[%get3A_584, %get3A_585] {strides = array<i32>} : memref<200x64xf32, #tpu.memory_space<vmem>>, vector<1x16xf32>,
        %get3A_587 = vector.shape_cast %get3A_586 : vector<1x16xf32> to vector<16xf32>
        %add3A_588 = arith.addf %get3A_583, %get3A_587 : vector<16xf32>
        %swap3A_589 = arith.constant 0 : i32
        %swap3A_590 = arith.index_cast %swap3A_589 : i32 to index
        %swap3A_591 = arith.index_cast %add3A_556 : i32 to index
        %swap3A_592 = arith.constant 16 : index
        %swap3A_593 = tpu.vector_load %arg7[%swap3A_590, %swap3A_591, %swap3A_592] {strides = array<i32>} : memref<2x512x64xf32, #tpu.memory_space<vmem>>, vector<1x1x16xf32>,
        %swap3A_594 = vector.shape_cast %swap3A_593 : vector<1x1x16xf32> to vector<16xf32>
        %swap3A_595 = vector.shape_cast %add3A_588 : vector<16xf32> to vector<1x1x16xf32>
        tpu.vector_store %arg7[%swap3A_590, %swap3A_591, %swap3A_592], %swap3A_595 {strides = array<i32>} : memref<2x512x64xf32, #tpu.memory_space<vmem>>, vector<1x1x16xf32>,
        %get3A_596 = arith.constant 0 : i32
        %get3A_597 = arith.index_cast %get3A_596 : i32 to index
        %get3A_598 = arith.index_cast %add3A_556 : i32 to index
        %get3A_599 = arith.constant 32 : index
        %get3A_600 = tpu.vector_load %arg7[%get3A_597, %get3A_598, %get3A_599] {strides = array<i32>} : memref<2x512x64xf32, #tpu.memory_space<vmem>>, vector<1x1x16xf32>,
        %get3A_601 = vector.shape_cast %get3A_600 : vector<1x1x16xf32> to vector<16xf32>
        %get3A_602 = arith.index_cast %rem3A_559 : i32 to index
        %get3A_603 = arith.constant 32 : index
        %get3A_604 = tpu.vector_load %arg8[%get3A_602, %get3A_603] {strides = array<i32>} : memref<200x64xf32, #tpu.memory_space<vmem>>, vector<1x16xf32>,
        %get3A_605 = vector.shape_cast %get3A_604 : vector<1x16xf32> to vector<16xf32>
        %add3A_606 = arith.addf %get3A_601, %get3A_605 : vector<16xf32>
        %swap3A_607 = arith.constant 0 : i32
        %swap3A_608 = arith.index_cast %swap3A_607 : i32 to index
        %swap3A_609 = arith.index_cast %add3A_556 : i32 to index
        %swap3A_610 = arith.constant 32 : index
        %swap3A_611 = tpu.vector_load %arg7[%swap3A_608, %swap3A_609, %swap3A_610] {strides = array<i32>} : memref<2x512x64xf32, #tpu.memory_space<vmem>>, vector<1x1x16xf32>,
        %swap3A_612 = vector.shape_cast %swap3A_611 : vector<1x1x16xf32> to vector<16xf32>
        %swap3A_613 = vector.shape_cast %add3A_606 : vector<16xf32> to vector<1x1x16xf32>
        tpu.vector_store %arg7[%swap3A_608, %swap3A_609, %swap3A_610], %swap3A_613 {strides = array<i32>} : memref<2x512x64xf32, #tpu.memory_space<vmem>>, vector<1x1x16xf32>,
        %get3A_614 = arith.constant 0 : i32
        %get3A_615 = arith.index_cast %get3A_614 : i32 to index
        %get3A_616 = arith.index_cast %add3A_556 : i32 to index
        %get3A_617 = arith.constant 48 : index
        %get3A_618 = tpu.vector_load %arg7[%get3A_615, %get3A_616, %get3A_617] {strides = array<i32>} : memref<2x512x64xf32, #tpu.memory_space<vmem>>, vector<1x1x16xf32>,
        %get3A_619 = vector.shape_cast %get3A_618 : vector<1x1x16xf32> to vector<16xf32>
        %get3A_620 = arith.index_cast %rem3A_559 : i32 to index
        %get3A_621 = arith.constant 48 : index
        %get3A_622 = tpu.vector_load %arg8[%get3A_620, %get3A_621] {strides = array<i32>} : memref<200x64xf32, #tpu.memory_space<vmem>>, vector<1x16xf32>,
        %get3A_623 = vector.shape_cast %get3A_622 : vector<1x16xf32> to vector<16xf32>
        %add3A_624 = arith.addf %get3A_619, %get3A_623 : vector<16xf32>
        %swap3A_625 = arith.constant 0 : i32
        %swap3A_626 = arith.index_cast %swap3A_625 : i32 to index
        %swap3A_627 = arith.index_cast %add3A_556 : i32 to index
        %swap3A_628 = arith.constant 48 : index
        %swap3A_629 = tpu.vector_load %arg7[%swap3A_626, %swap3A_627, %swap3A_628] {strides = array<i32>} : memref<2x512x64xf32, #tpu.memory_space<vmem>>, vector<1x1x16xf32>,
        %swap3A_630 = vector.shape_cast %swap3A_629 : vector<1x1x16xf32> to vector<16xf32>
        %swap3A_631 = vector.shape_cast %add3A_624 : vector<16xf32> to vector<1x1x16xf32>
        tpu.vector_store %arg7[%swap3A_626, %swap3A_627, %swap3A_628], %swap3A_631 {strides = array<i32>} : memref<2x512x64xf32, #tpu.memory_space<vmem>>, vector<1x1x16xf32>,
        %add3A_632 = arith.constant 6 : i32
        %add3A_633 = arith.addi %mul3A_171, %add3A_632 : i32
        %add3A_634 = arith.addi %rem3A_96, %add3A_633 : i32
        %rem3A_635 = arith.constant 200 : i32
        %rem3A_636 = arith.remsi %add3A_634, %rem3A_635 : i32
        %get3A_637 = arith.constant 0 : i32
        %get3A_638 = arith.index_cast %get3A_637 : i32 to index
        %get3A_639 = arith.index_cast %add3A_633 : i32 to index
        %get3A_640 = arith.constant 0 : index
        %get3A_641 = tpu.vector_load %arg7[%get3A_638, %get3A_639, %get3A_640] {strides = array<i32>} : memref<2x512x64xf32, #tpu.memory_space<vmem>>, vector<1x1x16xf32>,
        %get3A_642 = vector.shape_cast %get3A_641 : vector<1x1x16xf32> to vector<16xf32>
        %get3A_643 = arith.index_cast %rem3A_636 : i32 to index
        %get3A_644 = arith.constant 0 : index
        %get3A_645 = tpu.vector_load %arg8[%get3A_643, %get3A_644] {strides = array<i32>} : memref<200x64xf32, #tpu.memory_space<vmem>>, vector<1x16xf32>,
        %get3A_646 = vector.shape_cast %get3A_645 : vector<1x16xf32> to vector<16xf32>
        %add3A_647 = arith.addf %get3A_642, %get3A_646 : vector<16xf32>
        %swap3A_648 = arith.constant 0 : i32
        %swap3A_649 = arith.index_cast %swap3A_648 : i32 to index
        %swap3A_650 = arith.index_cast %add3A_633 : i32 to index
        %swap3A_651 = arith.constant 0 : index
        %swap3A_652 = tpu.vector_load %arg7[%swap3A_649, %swap3A_650, %swap3A_651] {strides = array<i32>} : memref<2x512x64xf32, #tpu.memory_space<vmem>>, vector<1x1x16xf32>,
        %swap3A_653 = vector.shape_cast %swap3A_652 : vector<1x1x16xf32> to vector<16xf32>
        %swap3A_654 = vector.shape_cast %add3A_647 : vector<16xf32> to vector<1x1x16xf32>
        tpu.vector_store %arg7[%swap3A_649, %swap3A_650, %swap3A_651], %swap3A_654 {strides = array<i32>} : memref<2x512x64xf32, #tpu.memory_space<vmem>>, vector<1x1x16xf32>,
        %get3A_655 = arith.constant 0 : i32
        %get3A_656 = arith.index_cast %get3A_655 : i32 to index
        %get3A_657 = arith.index_cast %add3A_633 : i32 to index
        %get3A_658 = arith.constant 16 : index
        %get3A_659 = tpu.vector_load %arg7[%get3A_656, %get3A_657, %get3A_658] {strides = array<i32>} : memref<2x512x64xf32, #tpu.memory_space<vmem>>, vector<1x1x16xf32>,
        %get3A_660 = vector.shape_cast %get3A_659 : vector<1x1x16xf32> to vector<16xf32>
        %get3A_661 = arith.index_cast %rem3A_636 : i32 to index
        %get3A_662 = arith.constant 16 : index
        %get3A_663 = tpu.vector_load %arg8[%get3A_661, %get3A_662] {strides = array<i32>} : memref<200x64xf32, #tpu.memory_space<vmem>>, vector<1x16xf32>,
        %get3A_664 = vector.shape_cast %get3A_663 : vector<1x16xf32> to vector<16xf32>
        %add3A_665 = arith.addf %get3A_660, %get3A_664 : vector<16xf32>
        %swap3A_666 = arith.constant 0 : i32
        %swap3A_667 = arith.index_cast %swap3A_666 : i32 to index
        %swap3A_668 = arith.index_cast %add3A_633 : i32 to index
        %swap3A_669 = arith.constant 16 : index
        %swap3A_670 = tpu.vector_load %arg7[%swap3A_667, %swap3A_668, %swap3A_669] {strides = array<i32>} : memref<2x512x64xf32, #tpu.memory_space<vmem>>, vector<1x1x16xf32>,
        %swap3A_671 = vector.shape_cast %swap3A_670 : vector<1x1x16xf32> to vector<16xf32>
        %swap3A_672 = vector.shape_cast %add3A_665 : vector<16xf32> to vector<1x1x16xf32>
        tpu.vector_store %arg7[%swap3A_667, %swap3A_668, %swap3A_669], %swap3A_672 {strides = array<i32>} : memref<2x512x64xf32, #tpu.memory_space<vmem>>, vector<1x1x16xf32>,
        %get3A_673 = arith.constant 0 : i32
        %get3A_674 = arith.index_cast %get3A_673 : i32 to index
        %get3A_675 = arith.index_cast %add3A_633 : i32 to index
        %get3A_676 = arith.constant 32 : index
        %get3A_677 = tpu.vector_load %arg7[%get3A_674, %get3A_675, %get3A_676] {strides = array<i32>} : memref<2x512x64xf32, #tpu.memory_space<vmem>>, vector<1x1x16xf32>,
        %get3A_678 = vector.shape_cast %get3A_677 : vector<1x1x16xf32> to vector<16xf32>
        %get3A_679 = arith.index_cast %rem3A_636 : i32 to index
        %get3A_680 = arith.constant 32 : index
        %get3A_681 = tpu.vector_load %arg8[%get3A_679, %get3A_680] {strides = array<i32>} : memref<200x64xf32, #tpu.memory_space<vmem>>, vector<1x16xf32>,
        %get3A_682 = vector.shape_cast %get3A_681 : vector<1x16xf32> to vector<16xf32>
        %add3A_683 = arith.addf %get3A_678, %get3A_682 : vector<16xf32>
        %swap3A_684 = arith.constant 0 : i32
        %swap3A_685 = arith.index_cast %swap3A_684 : i32 to index
        %swap3A_686 = arith.index_cast %add3A_633 : i32 to index
        %swap3A_687 = arith.constant 32 : index
        %swap3A_688 = tpu.vector_load %arg7[%swap3A_685, %swap3A_686, %swap3A_687] {strides = array<i32>} : memref<2x512x64xf32, #tpu.memory_space<vmem>>, vector<1x1x16xf32>,
        %swap3A_689 = vector.shape_cast %swap3A_688 : vector<1x1x16xf32> to vector<16xf32>
        %swap3A_690 = vector.shape_cast %add3A_683 : vector<16xf32> to vector<1x1x16xf32>
        tpu.vector_store %arg7[%swap3A_685, %swap3A_686, %swap3A_687], %swap3A_690 {strides = array<i32>} : memref<2x512x64xf32, #tpu.memory_space<vmem>>, vector<1x1x16xf32>,
        %get3A_691 = arith.constant 0 : i32
        %get3A_692 = arith.index_cast %get3A_691 : i32 to index
        %get3A_693 = arith.index_cast %add3A_633 : i32 to index
        %get3A_694 = arith.constant 48 : index
        %get3A_695 = tpu.vector_load %arg7[%get3A_692, %get3A_693, %get3A_694] {strides = array<i32>} : memref<2x512x64xf32, #tpu.memory_space<vmem>>, vector<1x1x16xf32>,
        %get3A_696 = vector.shape_cast %get3A_695 : vector<1x1x16xf32> to vector<16xf32>
        %get3A_697 = arith.index_cast %rem3A_636 : i32 to index
        %get3A_698 = arith.constant 48 : index
        %get3A_699 = tpu.vector_load %arg8[%get3A_697, %get3A_698] {strides = array<i32>} : memref<200x64xf32, #tpu.memory_space<vmem>>, vector<1x16xf32>,
        %get3A_700 = vector.shape_cast %get3A_699 : vector<1x16xf32> to vector<16xf32>
        %add3A_701 = arith.addf %get3A_696, %get3A_700 : vector<16xf32>
        %swap3A_702 = arith.constant 0 : i32
        %swap3A_703 = arith.index_cast %swap3A_702 : i32 to index
        %swap3A_704 = arith.index_cast %add3A_633 : i32 to index
        %swap3A_705 = arith.constant 48 : index
        %swap3A_706 = tpu.vector_load %arg7[%swap3A_703, %swap3A_704, %swap3A_705] {strides = array<i32>} : memref<2x512x64xf32, #tpu.memory_space<vmem>>, vector<1x1x16xf32>,
        %swap3A_707 = vector.shape_cast %swap3A_706 : vector<1x1x16xf32> to vector<16xf32>
        %swap3A_708 = vector.shape_cast %add3A_701 : vector<16xf32> to vector<1x1x16xf32>
        tpu.vector_store %arg7[%swap3A_703, %swap3A_704, %swap3A_705], %swap3A_708 {strides = array<i32>} : memref<2x512x64xf32, #tpu.memory_space<vmem>>, vector<1x1x16xf32>,
        %add3A_709 = arith.constant 7 : i32
        %add3A_710 = arith.addi %mul3A_171, %add3A_709 : i32
        %add3A_711 = arith.addi %rem3A_96, %add3A_710 : i32
        %rem3A_712 = arith.constant 200 : i32
        %rem3A_713 = arith.remsi %add3A_711, %rem3A_712 : i32
        %get3A_714 = arith.constant 0 : i32
        %get3A_715 = arith.index_cast %get3A_714 : i32 to index
        %get3A_716 = arith.index_cast %add3A_710 : i32 to index
        %get3A_717 = arith.constant 0 : index
        %get3A_718 = tpu.vector_load %arg7[%get3A_715, %get3A_716, %get3A_717] {strides = array<i32>} : memref<2x512x64xf32, #tpu.memory_space<vmem>>, vector<1x1x16xf32>,
        %get3A_719 = vector.shape_cast %get3A_718 : vector<1x1x16xf32> to vector<16xf32>
        %get3A_720 = arith.index_cast %rem3A_713 : i32 to index
        %get3A_721 = arith.constant 0 : index
        %get3A_722 = tpu.vector_load %arg8[%get3A_720, %get3A_721] {strides = array<i32>} : memref<200x64xf32, #tpu.memory_space<vmem>>, vector<1x16xf32>,
        %get3A_723 = vector.shape_cast %get3A_722 : vector<1x16xf32> to vector<16xf32>
        %add3A_724 = arith.addf %get3A_719, %get3A_723 : vector<16xf32>
        %swap3A_725 = arith.constant 0 : i32
        %swap3A_726 = arith.index_cast %swap3A_725 : i32 to index
        %swap3A_727 = arith.index_cast %add3A_710 : i32 to index
        %swap3A_728 = arith.constant 0 : index
        %swap3A_729 = tpu.vector_load %arg7[%swap3A_726, %swap3A_727, %swap3A_728] {strides = array<i32>} : memref<2x512x64xf32, #tpu.memory_space<vmem>>, vector<1x1x16xf32>,
        %swap3A_730 = vector.shape_cast %swap3A_729 : vector<1x1x16xf32> to vector<16xf32>
        %swap3A_731 = vector.shape_cast %add3A_724 : vector<16xf32> to vector<1x1x16xf32>
        tpu.vector_store %arg7[%swap3A_726, %swap3A_727, %swap3A_728], %swap3A_731 {strides = array<i32>} : memref<2x512x64xf32, #tpu.memory_space<vmem>>, vector<1x1x16xf32>,
        %get3A_732 = arith.constant 0 : i32
        %get3A_733 = arith.index_cast %get3A_732 : i32 to index
        %get3A_734 = arith.index_cast %add3A_710 : i32 to index
        %get3A_735 = arith.constant 16 : index
        %get3A_736 = tpu.vector_load %arg7[%get3A_733, %get3A_734, %get3A_735] {strides = array<i32>} : memref<2x512x64xf32, #tpu.memory_space<vmem>>, vector<1x1x16xf32>,
        %get3A_737 = vector.shape_cast %get3A_736 : vector<1x1x16xf32> to vector<16xf32>
        %get3A_738 = arith.index_cast %rem3A_713 : i32 to index
        %get3A_739 = arith.constant 16 : index
        %get3A_740 = tpu.vector_load %arg8[%get3A_738, %get3A_739] {strides = array<i32>} : memref<200x64xf32, #tpu.memory_space<vmem>>, vector<1x16xf32>,
        %get3A_741 = vector.shape_cast %get3A_740 : vector<1x16xf32> to vector<16xf32>
        %add3A_742 = arith.addf %get3A_737, %get3A_741 : vector<16xf32>
        %swap3A_743 = arith.constant 0 : i32
        %swap3A_744 = arith.index_cast %swap3A_743 : i32 to index
        %swap3A_745 = arith.index_cast %add3A_710 : i32 to index
        %swap3A_746 = arith.constant 16 : index
        %swap3A_747 = tpu.vector_load %arg7[%swap3A_744, %swap3A_745, %swap3A_746] {strides = array<i32>} : memref<2x512x64xf32, #tpu.memory_space<vmem>>, vector<1x1x16xf32>,
        %swap3A_748 = vector.shape_cast %swap3A_747 : vector<1x1x16xf32> to vector<16xf32>
        %swap3A_749 = vector.shape_cast %add3A_742 : vector<16xf32> to vector<1x1x16xf32>
        tpu.vector_store %arg7[%swap3A_744, %swap3A_745, %swap3A_746], %swap3A_749 {strides = array<i32>} : memref<2x512x64xf32, #tpu.memory_space<vmem>>, vector<1x1x16xf32>,
        %get3A_750 = arith.constant 0 : i32
        %get3A_751 = arith.index_cast %get3A_750 : i32 to index
        %get3A_752 = arith.index_cast %add3A_710 : i32 to index
        %get3A_753 = arith.constant 32 : index
        %get3A_754 = tpu.vector_load %arg7[%get3A_751, %get3A_752, %get3A_753] {strides = array<i32>} : memref<2x512x64xf32, #tpu.memory_space<vmem>>, vector<1x1x16xf32>,
        %get3A_755 = vector.shape_cast %get3A_754 : vector<1x1x16xf32> to vector<16xf32>
        %get3A_756 = arith.index_cast %rem3A_713 : i32 to index
        %get3A_757 = arith.constant 32 : index
        %get3A_758 = tpu.vector_load %arg8[%get3A_756, %get3A_757] {strides = array<i32>} : memref<200x64xf32, #tpu.memory_space<vmem>>, vector<1x16xf32>,
        %get3A_759 = vector.shape_cast %get3A_758 : vector<1x16xf32> to vector<16xf32>
        %add3A_760 = arith.addf %get3A_755, %get3A_759 : vector<16xf32>
        %swap3A_761 = arith.constant 0 : i32
        %swap3A_762 = arith.index_cast %swap3A_761 : i32 to index
        %swap3A_763 = arith.index_cast %add3A_710 : i32 to index
        %swap3A_764 = arith.constant 32 : index
        %swap3A_765 = tpu.vector_load %arg7[%swap3A_762, %swap3A_763, %swap3A_764] {strides = array<i32>} : memref<2x512x64xf32, #tpu.memory_space<vmem>>, vector<1x1x16xf32>,
        %swap3A_766 = vector.shape_cast %swap3A_765 : vector<1x1x16xf32> to vector<16xf32>
        %swap3A_767 = vector.shape_cast %add3A_760 : vector<16xf32> to vector<1x1x16xf32>
        tpu.vector_store %arg7[%swap3A_762, %swap3A_763, %swap3A_764], %swap3A_767 {strides = array<i32>} : memref<2x512x64xf32, #tpu.memory_space<vmem>>, vector<1x1x16xf32>,
        %get3A_768 = arith.constant 0 : i32
        %get3A_769 = arith.index_cast %get3A_768 : i32 to index
        %get3A_770 = arith.index_cast %add3A_710 : i32 to index
        %get3A_771 = arith.constant 48 : index
        %get3A_772 = tpu.vector_load %arg7[%get3A_769, %get3A_770, %get3A_771] {strides = array<i32>} : memref<2x512x64xf32, #tpu.memory_space<vmem>>, vector<1x1x16xf32>,
        %get3A_773 = vector.shape_cast %get3A_772 : vector<1x1x16xf32> to vector<16xf32>
        %get3A_774 = arith.index_cast %rem3A_713 : i32 to index
        %get3A_775 = arith.constant 48 : index
        %get3A_776 = tpu.vector_load %arg8[%get3A_774, %get3A_775] {strides = array<i32>} : memref<200x64xf32, #tpu.memory_space<vmem>>, vector<1x16xf32>,
        %get3A_777 = vector.shape_cast %get3A_776 : vector<1x16xf32> to vector<16xf32>
        %add3A_778 = arith.addf %get3A_773, %get3A_777 : vector<16xf32>
        %swap3A_779 = arith.constant 0 : i32
        %swap3A_780 = arith.index_cast %swap3A_779 : i32 to index
        %swap3A_781 = arith.index_cast %add3A_710 : i32 to index
        %swap3A_782 = arith.constant 48 : index
        %swap3A_783 = tpu.vector_load %arg7[%swap3A_780, %swap3A_781, %swap3A_782] {strides = array<i32>} : memref<2x512x64xf32, #tpu.memory_space<vmem>>, vector<1x1x16xf32>,
        %swap3A_784 = vector.shape_cast %swap3A_783 : vector<1x1x16xf32> to vector<16xf32>
        %swap3A_785 = vector.shape_cast %add3A_778 : vector<16xf32> to vector<1x1x16xf32>
        tpu.vector_store %arg7[%swap3A_780, %swap3A_781, %swap3A_782], %swap3A_785 {strides = array<i32>} : memref<2x512x64xf32, #tpu.memory_space<vmem>>, vector<1x1x16xf32>,
      }
      %scan3A_102 = arith.constant 64 : i32
      %mul3A_103 = arith.constant 512 : i32
      %mul3A_104 = arith.muli %add3A_76, %mul3A_103 : i32
      %add3A_105 = arith.addi %mul3A_2, %mul3A_104 : i32
      %dma_start3A_106 = arith.constant 0 : i32
      %dma_start3A_107 = arith.constant 0 : i32
      %dma_start3A_108 = arith.constant 0 : i32
      %dma_start3A_109 = tpu.memref_slice %arg7[%dma_start3A_106, %dma_start3A_107, %dma_start3A_108] : memref<2x512x64xf32, #tpu.memory_space<vmem>> -> memref<1x512x64xf32, #tpu.memory_space<vmem>>
      %dma_start3A_110 = tpu.memref_squeeze %dma_start3A_109 : memref<1x512x64xf32, #tpu.memory_space<vmem>> -> memref<512x64xf32, #tpu.memory_space<vmem>>
      %dma_start3A_111 = arith.constant 0 : i32
      %dma_start3A_112 = tpu.memref_slice %arg5[%add3A_105, %dma_start3A_111] : memref<819200x64xf32, #tpu.memory_space<hbm>> -> memref<512x64xf32, #tpu.memory_space<hbm>>
      %dma_start3A_113 = arith.constant 0 : i32
      %dma_start3A_114 = tpu.memref_slice %arg5[%add3A_105, %dma_start3A_113] : memref<819200x64xf32, #tpu.memory_space<hbm>> -> memref<512x64xf32, #tpu.memory_space<hbm>>
      %dma_start3A_115 = arith.constant 0 : i32
      %dma_start3A_116 = arith.constant 0 : i32
      %dma_start3A_117 = tpu.memref_slice %arg7[%dma_start3A_106, %dma_start3A_115, %dma_start3A_116] : memref<2x512x64xf32, #tpu.memory_space<vmem>> -> memref<1x512x64xf32, #tpu.memory_space<vmem>>
      %dma_start3A_118 = tpu.memref_squeeze %dma_start3A_117 : memref<1x512x64xf32, #tpu.memory_space<vmem>> -> memref<512x64xf32, #tpu.memory_space<vmem>>
      tpu.enqueue_dma source(%dma_start3A_118 : memref<512x64xf32, #tpu.memory_space<vmem>>) target(%dma_start3A_114 : memref<512x64xf32, #tpu.memory_space<hbm>>) target_semaphore(%arg11 : memref<!tpu.dma_semaphore, #tpu.memory_space<semaphore_mem>>)
      %mul3A_119 = arith.constant 2 : i32
      %mul3A_120 = arith.muli %mul3A_119, %scan3A_72 : i32
      %add3A_121 = arith.constant 1 : i32
      %add3A_122 = arith.addi %mul3A_120, %add3A_121 : i32
      %add3A_123 = arith.constant 1 : i32
      %add3A_124 = arith.addi %add3A_122, %add3A_123 : i32
      %lt3A_125 = arith.constant 50 : i32
      %lt3A_126 = arith.cmpi slt, %add3A_124, %lt3A_125 : i32
      %convert_element_type3A_127 = arith.extui %lt3A_126 : i1 to i32
      %cond3A_128 = arith.constant 0 : i32
      %cond3A_129 = arith.cmpi ne, %convert_element_type3A_127, %cond3A_128 : i32
      scf.if %cond3A_129 {
        %ge3A = arith.constant 1 : i32
        %ge3A_169 = arith.cmpi sge, %add3A_122, %ge3A : i32
        %convert_element_type3A_170 = arith.extui %ge3A_169 : i1 to i32
        %cond3A_171 = arith.constant 0 : i32
        %cond3A_172 = arith.cmpi ne, %convert_element_type3A_170, %cond3A_171 : i32
        scf.if %cond3A_172 {
          %dma_wait3A_227 = arith.constant 0 : i32
          %dma_wait3A_228 = arith.constant 0 : i32
          %dma_wait3A_229 = arith.constant 0 : i32
          %dma_wait3A_230 = tpu.memref_slice %arg7[%dma_wait3A_227, %dma_wait3A_228, %dma_wait3A_229] : memref<2x512x64xf32, #tpu.memory_space<vmem>> -> memref<1x512x64xf32, #tpu.memory_space<vmem>>
          %dma_wait3A_231 = tpu.memref_squeeze %dma_wait3A_230 : memref<1x512x64xf32, #tpu.memory_space<vmem>> -> memref<512x64xf32, #tpu.memory_space<vmem>>
          %dma_wait3A_232 = arith.constant 0 : i32
          %dma_wait3A_233 = tpu.memref_slice %arg5[%mul3A_2, %dma_wait3A_232] : memref<819200x64xf32, #tpu.memory_space<hbm>> -> memref<512x64xf32, #tpu.memory_space<hbm>>
          %dma_wait3A_234 = arith.constant 0 : i32
          %dma_wait3A_235 = tpu.memref_slice %arg5[%mul3A_2, %dma_wait3A_234] : memref<819200x64xf32, #tpu.memory_space<hbm>> -> memref<512x64xf32, #tpu.memory_space<hbm>>
          %dma_wait3A_236 = arith.constant 0 : i32
          %dma_wait3A_237 = arith.constant 0 : i32
          %dma_wait3A_238 = tpu.memref_slice %arg7[%dma_wait3A_227, %dma_wait3A_236, %dma_wait3A_237] : memref<2x512x64xf32, #tpu.memory_space<vmem>> -> memref<1x512x64xf32, #tpu.memory_space<vmem>>
          %dma_wait3A_239 = tpu.memref_squeeze %dma_wait3A_238 : memref<1x512x64xf32, #tpu.memory_space<vmem>> -> memref<512x64xf32, #tpu.memory_space<vmem>>
          tpu.wait_dma2 semaphore(%arg11 : memref<!tpu.dma_semaphore, #tpu.memory_space<semaphore_mem>>) src(%dma_wait3A_239 : memref<512x64xf32, #tpu.memory_space<vmem>>) dst(%dma_wait3A_235 : memref<512x64xf32, #tpu.memory_space<hbm>>)
        } else {
        }
        %add3A_173 = arith.constant 1 : i32
        %add3A_174 = arith.addi %add3A_122, %add3A_173 : i32
        %mul3A_175 = arith.constant 512 : i32
        %mul3A_176 = arith.muli %add3A_174, %mul3A_175 : i32
        %add3A_177 = arith.constant 0 : i32
        %add3A_178 = arith.addi %mul3A_176, %add3A_177 : i32
        %dma_start3A_179 = arith.constant 0 : i32
        %dma_start3A_180 = arith.constant 0 : i32
        %dma_start3A_181 = arith.constant 0 : i32
        %dma_start3A_182 = tpu.memref_slice %arg7[%dma_start3A_179, %dma_start3A_180, %dma_start3A_181] : memref<2x512x64xf32, #tpu.memory_space<vmem>> -> memref<1x128x64xf32, #tpu.memory_space<vmem>>
        %dma_start3A_183 = tpu.memref_squeeze %dma_start3A_182 : memref<1x128x64xf32, #tpu.memory_space<vmem>> -> memref<128x64xf32, #tpu.memory_space<vmem>>
        %dma_start3A_184 = tpu.memref_slice %arg6[%add3A_178] : memref<25600xi32, #tpu.memory_space<vmem>> -> memref<128xi32, #tpu.memory_space<vmem>>
        %dma_start3A_185 = arith.constant 0 : i32
        %dma_start3A_186 = arith.constant 0 : i32
        %dma_start3A_187 = tpu.memref_slice %arg3[%dma_start3A_185, %dma_start3A_186] : memref<1000000x64xf32, #tpu.memory_space<hbm>> -> memref<1000000x64xf32, #tpu.memory_space<hbm>>
        tpu.enqueue_indirect_dma source(%dma_start3A_187 : memref<1000000x64xf32, #tpu.memory_space<hbm>>) target(%dma_start3A_183 : memref<128x64xf32, #tpu.memory_space<vmem>>) offsets(%dma_start3A_184 : memref<128xi32, #tpu.memory_space<vmem>>) semaphore(%arg9 : memref<!tpu.dma_semaphore, #tpu.memory_space<semaphore_mem>>)
        %mul3A_188 = arith.constant 512 : i32
        %mul3A_189 = arith.muli %add3A_174, %mul3A_188 : i32
        %add3A_190 = arith.constant 128 : i32
        %add3A_191 = arith.addi %mul3A_189, %add3A_190 : i32
        %dma_start3A_192 = arith.constant 0 : i32
        %dma_start3A_193 = arith.constant 128 : i32
        %dma_start3A_194 = arith.constant 0 : i32
        %dma_start3A_195 = tpu.memref_slice %arg7[%dma_start3A_192, %dma_start3A_193, %dma_start3A_194] : memref<2x512x64xf32, #tpu.memory_space<vmem>> -> memref<1x128x64xf32, #tpu.memory_space<vmem>>
        %dma_start3A_196 = tpu.memref_squeeze %dma_start3A_195 : memref<1x128x64xf32, #tpu.memory_space<vmem>> -> memref<128x64xf32, #tpu.memory_space<vmem>>
        %dma_start3A_197 = tpu.memref_slice %arg6[%add3A_191] : memref<25600xi32, #tpu.memory_space<vmem>> -> memref<128xi32, #tpu.memory_space<vmem>>
        %dma_start3A_198 = arith.constant 0 : i32
        %dma_start3A_199 = arith.constant 0 : i32
        %dma_start3A_200 = tpu.memref_slice %arg3[%dma_start3A_198, %dma_start3A_199] : memref<1000000x64xf32, #tpu.memory_space<hbm>> -> memref<1000000x64xf32, #tpu.memory_space<hbm>>
        tpu.enqueue_indirect_dma source(%dma_start3A_200 : memref<1000000x64xf32, #tpu.memory_space<hbm>>) target(%dma_start3A_196 : memref<128x64xf32, #tpu.memory_space<vmem>>) offsets(%dma_start3A_197 : memref<128xi32, #tpu.memory_space<vmem>>) semaphore(%arg9 : memref<!tpu.dma_semaphore, #tpu.memory_space<semaphore_mem>>)
        %mul3A_201 = arith.constant 512 : i32
        %mul3A_202 = arith.muli %add3A_174, %mul3A_201 : i32
        %add3A_203 = arith.constant 256 : i32
        %add3A_204 = arith.addi %mul3A_202, %add3A_203 : i32
        %dma_start3A_205 = arith.constant 0 : i32
        %dma_start3A_206 = arith.constant 256 : i32
        %dma_start3A_207 = arith.constant 0 : i32
        %dma_start3A_208 = tpu.memref_slice %arg7[%dma_start3A_205, %dma_start3A_206, %dma_start3A_207] : memref<2x512x64xf32, #tpu.memory_space<vmem>> -> memref<1x128x64xf32, #tpu.memory_space<vmem>>
        %dma_start3A_209 = tpu.memref_squeeze %dma_start3A_208 : memref<1x128x64xf32, #tpu.memory_space<vmem>> -> memref<128x64xf32, #tpu.memory_space<vmem>>
        %dma_start3A_210 = tpu.memref_slice %arg6[%add3A_204] : memref<25600xi32, #tpu.memory_space<vmem>> -> memref<128xi32, #tpu.memory_space<vmem>>
        %dma_start3A_211 = arith.constant 0 : i32
        %dma_start3A_212 = arith.constant 0 : i32
        %dma_start3A_213 = tpu.memref_slice %arg3[%dma_start3A_211, %dma_start3A_212] : memref<1000000x64xf32, #tpu.memory_space<hbm>> -> memref<1000000x64xf32, #tpu.memory_space<hbm>>
        tpu.enqueue_indirect_dma source(%dma_start3A_213 : memref<1000000x64xf32, #tpu.memory_space<hbm>>) target(%dma_start3A_209 : memref<128x64xf32, #tpu.memory_space<vmem>>) offsets(%dma_start3A_210 : memref<128xi32, #tpu.memory_space<vmem>>) semaphore(%arg9 : memref<!tpu.dma_semaphore, #tpu.memory_space<semaphore_mem>>)
        %mul3A_214 = arith.constant 512 : i32
        %mul3A_215 = arith.muli %add3A_174, %mul3A_214 : i32
        %add3A_216 = arith.constant 384 : i32
        %add3A_217 = arith.addi %mul3A_215, %add3A_216 : i32
        %dma_start3A_218 = arith.constant 0 : i32
        %dma_start3A_219 = arith.constant 384 : i32
        %dma_start3A_220 = arith.constant 0 : i32
        %dma_start3A_221 = tpu.memref_slice %arg7[%dma_start3A_218, %dma_start3A_219, %dma_start3A_220] : memref<2x512x64xf32, #tpu.memory_space<vmem>> -> memref<1x128x64xf32, #tpu.memory_space<vmem>>
        %dma_start3A_222 = tpu.memref_squeeze %dma_start3A_221 : memref<1x128x64xf32, #tpu.memory_space<vmem>> -> memref<128x64xf32, #tpu.memory_space<vmem>>
        %dma_start3A_223 = tpu.memref_slice %arg6[%add3A_217] : memref<25600xi32, #tpu.memory_space<vmem>> -> memref<128xi32, #tpu.memory_space<vmem>>
        %dma_start3A_224 = arith.constant 0 : i32
        %dma_start3A_225 = arith.constant 0 : i32
        %dma_start3A_226 = tpu.memref_slice %arg3[%dma_start3A_224, %dma_start3A_225] : memref<1000000x64xf32, #tpu.memory_space<hbm>> -> memref<1000000x64xf32, #tpu.memory_space<hbm>>
        tpu.enqueue_indirect_dma source(%dma_start3A_226 : memref<1000000x64xf32, #tpu.memory_space<hbm>>) target(%dma_start3A_222 : memref<128x64xf32, #tpu.memory_space<vmem>>) offsets(%dma_start3A_223 : memref<128xi32, #tpu.memory_space<vmem>>) semaphore(%arg9 : memref<!tpu.dma_semaphore, #tpu.memory_space<semaphore_mem>>)
      } else {
      }
      %dma_wait3A_130 = arith.constant 1 : i32
      %dma_wait3A_131 = arith.constant 0 : i32
      %dma_wait3A_132 = arith.constant 0 : i32
      %dma_wait3A_133 = tpu.memref_slice %arg7[%dma_wait3A_130, %dma_wait3A_131, %dma_wait3A_132] : memref<2x512x64xf32, #tpu.memory_space<vmem>> -> memref<1x512x64xf32, #tpu.memory_space<vmem>>
      %dma_wait3A_134 = tpu.memref_squeeze %dma_wait3A_133 : memref<1x512x64xf32, #tpu.memory_space<vmem>> -> memref<512x64xf32, #tpu.memory_space<vmem>>
      %dma_wait3A_135 = arith.constant 0 : i32
      %dma_wait3A_136 = tpu.memref_slice %arg5[%mul3A_2, %dma_wait3A_135] : memref<819200x64xf32, #tpu.memory_space<hbm>> -> memref<512x64xf32, #tpu.memory_space<hbm>>
      %dma_wait3A_137 = arith.constant 0 : i32
      %dma_wait3A_138 = arith.constant 0 : i32
      %dma_wait3A_139 = tpu.memref_slice %arg7[%dma_wait3A_130, %dma_wait3A_137, %dma_wait3A_138] : memref<2x512x64xf32, #tpu.memory_space<vmem>> -> memref<1x512x64xf32, #tpu.memory_space<vmem>>
      %dma_wait3A_140 = tpu.memref_squeeze %dma_wait3A_139 : memref<1x512x64xf32, #tpu.memory_space<vmem>> -> memref<512x64xf32, #tpu.memory_space<vmem>>
      %dma_wait3A_141 = arith.constant 0 : i32
      %dma_wait3A_142 = tpu.memref_slice %arg5[%mul3A_2, %dma_wait3A_141] : memref<819200x64xf32, #tpu.memory_space<hbm>> -> memref<512x64xf32, #tpu.memory_space<hbm>>
      tpu.wait_dma2 semaphore(%arg10 : memref<!tpu.dma_semaphore, #tpu.memory_space<semaphore_mem>>) src(%dma_wait3A_142 : memref<512x64xf32, #tpu.memory_space<hbm>>) dst(%dma_wait3A_140 : memref<512x64xf32, #tpu.memory_space<vmem>>)
      %mul3A_143 = arith.constant 512 : i32
      %mul3A_144 = arith.muli %add3A_122, %mul3A_143 : i32
      %rem3A_145 = arith.constant 200 : i32
      %rem3A_146 = arith.remsi %mul3A_144, %rem3A_145 : i32
      %scan3A_147 = arith.constant 0 : i32
      %scan3A_148 = arith.constant 0 : i32
      %scan3A_149 = arith.constant 64 : i32
      %scan3A_150 = arith.addi %scan3A_148, %scan3A_149 : i32
      %scan3A_151 = arith.constant 1 : i32
      scf.for %scan3A_169 = %scan3A_148 to %scan3A_150 step %scan3A_151  : i32 {
        %mul3A_170 = arith.constant 8 : i32
        %mul3A_171 = arith.muli %scan3A_169, %mul3A_170 : i32
        %add3A_172 = arith.constant 0 : i32
        %add3A_173 = arith.addi %mul3A_171, %add3A_172 : i32
        %add3A_174 = arith.addi %rem3A_146, %add3A_173 : i32
        %rem3A_175 = arith.constant 200 : i32
        %rem3A_176 = arith.remsi %add3A_174, %rem3A_175 : i32
        %get3A = arith.constant 1 : i32
        %get3A_177 = arith.index_cast %get3A : i32 to index
        %get3A_178 = arith.index_cast %add3A_173 : i32 to index
        %get3A_179 = arith.constant 0 : index
        %get3A_180 = tpu.vector_load %arg7[%get3A_177, %get3A_178, %get3A_179] {strides = array<i32>} : memref<2x512x64xf32, #tpu.memory_space<vmem>>, vector<1x1x16xf32>,
        %get3A_181 = vector.shape_cast %get3A_180 : vector<1x1x16xf32> to vector<16xf32>
        %get3A_182 = arith.index_cast %rem3A_176 : i32 to index
        %get3A_183 = arith.constant 0 : index
        %get3A_184 = tpu.vector_load %arg8[%get3A_182, %get3A_183] {strides = array<i32>} : memref<200x64xf32, #tpu.memory_space<vmem>>, vector<1x16xf32>,
        %get3A_185 = vector.shape_cast %get3A_184 : vector<1x16xf32> to vector<16xf32>
        %add3A_186 = arith.addf %get3A_181, %get3A_185 : vector<16xf32>
        %swap3A = arith.constant 1 : i32
        %swap3A_187 = arith.index_cast %swap3A : i32 to index
        %swap3A_188 = arith.index_cast %add3A_173 : i32 to index
        %swap3A_189 = arith.constant 0 : index
        %swap3A_190 = tpu.vector_load %arg7[%swap3A_187, %swap3A_188, %swap3A_189] {strides = array<i32>} : memref<2x512x64xf32, #tpu.memory_space<vmem>>, vector<1x1x16xf32>,
        %swap3A_191 = vector.shape_cast %swap3A_190 : vector<1x1x16xf32> to vector<16xf32>
        %swap3A_192 = vector.shape_cast %add3A_186 : vector<16xf32> to vector<1x1x16xf32>
        tpu.vector_store %arg7[%swap3A_187, %swap3A_188, %swap3A_189], %swap3A_192 {strides = array<i32>} : memref<2x512x64xf32, #tpu.memory_space<vmem>>, vector<1x1x16xf32>,
        %get3A_193 = arith.constant 1 : i32
        %get3A_194 = arith.index_cast %get3A_193 : i32 to index
        %get3A_195 = arith.index_cast %add3A_173 : i32 to index
        %get3A_196 = arith.constant 16 : index
        %get3A_197 = tpu.vector_load %arg7[%get3A_194, %get3A_195, %get3A_196] {strides = array<i32>} : memref<2x512x64xf32, #tpu.memory_space<vmem>>, vector<1x1x16xf32>,
        %get3A_198 = vector.shape_cast %get3A_197 : vector<1x1x16xf32> to vector<16xf32>
        %get3A_199 = arith.index_cast %rem3A_176 : i32 to index
        %get3A_200 = arith.constant 16 : index
        %get3A_201 = tpu.vector_load %arg8[%get3A_199, %get3A_200] {strides = array<i32>} : memref<200x64xf32, #tpu.memory_space<vmem>>, vector<1x16xf32>,
        %get3A_202 = vector.shape_cast %get3A_201 : vector<1x16xf32> to vector<16xf32>
        %add3A_203 = arith.addf %get3A_198, %get3A_202 : vector<16xf32>
        %swap3A_204 = arith.constant 1 : i32
        %swap3A_205 = arith.index_cast %swap3A_204 : i32 to index
        %swap3A_206 = arith.index_cast %add3A_173 : i32 to index
        %swap3A_207 = arith.constant 16 : index
        %swap3A_208 = tpu.vector_load %arg7[%swap3A_205, %swap3A_206, %swap3A_207] {strides = array<i32>} : memref<2x512x64xf32, #tpu.memory_space<vmem>>, vector<1x1x16xf32>,
        %swap3A_209 = vector.shape_cast %swap3A_208 : vector<1x1x16xf32> to vector<16xf32>
        %swap3A_210 = vector.shape_cast %add3A_203 : vector<16xf32> to vector<1x1x16xf32>
        tpu.vector_store %arg7[%swap3A_205, %swap3A_206, %swap3A_207], %swap3A_210 {strides = array<i32>} : memref<2x512x64xf32, #tpu.memory_space<vmem>>, vector<1x1x16xf32>,
        %get3A_211 = arith.constant 1 : i32
        %get3A_212 = arith.index_cast %get3A_211 : i32 to index
        %get3A_213 = arith.index_cast %add3A_173 : i32 to index
        %get3A_214 = arith.constant 32 : index
        %get3A_215 = tpu.vector_load %arg7[%get3A_212, %get3A_213, %get3A_214] {strides = array<i32>} : memref<2x512x64xf32, #tpu.memory_space<vmem>>, vector<1x1x16xf32>,
        %get3A_216 = vector.shape_cast %get3A_215 : vector<1x1x16xf32> to vector<16xf32>
        %get3A_217 = arith.index_cast %rem3A_176 : i32 to index
        %get3A_218 = arith.constant 32 : index
        %get3A_219 = tpu.vector_load %arg8[%get3A_217, %get3A_218] {strides = array<i32>} : memref<200x64xf32, #tpu.memory_space<vmem>>, vector<1x16xf32>,
        %get3A_220 = vector.shape_cast %get3A_219 : vector<1x16xf32> to vector<16xf32>
        %add3A_221 = arith.addf %get3A_216, %get3A_220 : vector<16xf32>
        %swap3A_222 = arith.constant 1 : i32
        %swap3A_223 = arith.index_cast %swap3A_222 : i32 to index
        %swap3A_224 = arith.index_cast %add3A_173 : i32 to index
        %swap3A_225 = arith.constant 32 : index
        %swap3A_226 = tpu.vector_load %arg7[%swap3A_223, %swap3A_224, %swap3A_225] {strides = array<i32>} : memref<2x512x64xf32, #tpu.memory_space<vmem>>, vector<1x1x16xf32>,
        %swap3A_227 = vector.shape_cast %swap3A_226 : vector<1x1x16xf32> to vector<16xf32>
        %swap3A_228 = vector.shape_cast %add3A_221 : vector<16xf32> to vector<1x1x16xf32>
        tpu.vector_store %arg7[%swap3A_223, %swap3A_224, %swap3A_225], %swap3A_228 {strides = array<i32>} : memref<2x512x64xf32, #tpu.memory_space<vmem>>, vector<1x1x16xf32>,
        %get3A_229 = arith.constant 1 : i32
        %get3A_230 = arith.index_cast %get3A_229 : i32 to index
        %get3A_231 = arith.index_cast %add3A_173 : i32 to index
        %get3A_232 = arith.constant 48 : index
        %get3A_233 = tpu.vector_load %arg7[%get3A_230, %get3A_231, %get3A_232] {strides = array<i32>} : memref<2x512x64xf32, #tpu.memory_space<vmem>>, vector<1x1x16xf32>,
        %get3A_234 = vector.shape_cast %get3A_233 : vector<1x1x16xf32> to vector<16xf32>
        %get3A_235 = arith.index_cast %rem3A_176 : i32 to index
        %get3A_236 = arith.constant 48 : index
        %get3A_237 = tpu.vector_load %arg8[%get3A_235, %get3A_236] {strides = array<i32>} : memref<200x64xf32, #tpu.memory_space<vmem>>, vector<1x16xf32>,
        %get3A_238 = vector.shape_cast %get3A_237 : vector<1x16xf32> to vector<16xf32>
        %add3A_239 = arith.addf %get3A_234, %get3A_238 : vector<16xf32>
        %swap3A_240 = arith.constant 1 : i32
        %swap3A_241 = arith.index_cast %swap3A_240 : i32 to index
        %swap3A_242 = arith.index_cast %add3A_173 : i32 to index
        %swap3A_243 = arith.constant 48 : index
        %swap3A_244 = tpu.vector_load %arg7[%swap3A_241, %swap3A_242, %swap3A_243] {strides = array<i32>} : memref<2x512x64xf32, #tpu.memory_space<vmem>>, vector<1x1x16xf32>,
        %swap3A_245 = vector.shape_cast %swap3A_244 : vector<1x1x16xf32> to vector<16xf32>
        %swap3A_246 = vector.shape_cast %add3A_239 : vector<16xf32> to vector<1x1x16xf32>
        tpu.vector_store %arg7[%swap3A_241, %swap3A_242, %swap3A_243], %swap3A_246 {strides = array<i32>} : memref<2x512x64xf32, #tpu.memory_space<vmem>>, vector<1x1x16xf32>,
        %add3A_247 = arith.constant 1 : i32
        %add3A_248 = arith.addi %mul3A_171, %add3A_247 : i32
        %add3A_249 = arith.addi %rem3A_146, %add3A_248 : i32
        %rem3A_250 = arith.constant 200 : i32
        %rem3A_251 = arith.remsi %add3A_249, %rem3A_250 : i32
        %get3A_252 = arith.constant 1 : i32
        %get3A_253 = arith.index_cast %get3A_252 : i32 to index
        %get3A_254 = arith.index_cast %add3A_248 : i32 to index
        %get3A_255 = arith.constant 0 : index
        %get3A_256 = tpu.vector_load %arg7[%get3A_253, %get3A_254, %get3A_255] {strides = array<i32>} : memref<2x512x64xf32, #tpu.memory_space<vmem>>, vector<1x1x16xf32>,
        %get3A_257 = vector.shape_cast %get3A_256 : vector<1x1x16xf32> to vector<16xf32>
        %get3A_258 = arith.index_cast %rem3A_251 : i32 to index
        %get3A_259 = arith.constant 0 : index
        %get3A_260 = tpu.vector_load %arg8[%get3A_258, %get3A_259] {strides = array<i32>} : memref<200x64xf32, #tpu.memory_space<vmem>>, vector<1x16xf32>,
        %get3A_261 = vector.shape_cast %get3A_260 : vector<1x16xf32> to vector<16xf32>
        %add3A_262 = arith.addf %get3A_257, %get3A_261 : vector<16xf32>
        %swap3A_263 = arith.constant 1 : i32
        %swap3A_264 = arith.index_cast %swap3A_263 : i32 to index
        %swap3A_265 = arith.index_cast %add3A_248 : i32 to index
        %swap3A_266 = arith.constant 0 : index
        %swap3A_267 = tpu.vector_load %arg7[%swap3A_264, %swap3A_265, %swap3A_266] {strides = array<i32>} : memref<2x512x64xf32, #tpu.memory_space<vmem>>, vector<1x1x16xf32>,
        %swap3A_268 = vector.shape_cast %swap3A_267 : vector<1x1x16xf32> to vector<16xf32>
        %swap3A_269 = vector.shape_cast %add3A_262 : vector<16xf32> to vector<1x1x16xf32>
        tpu.vector_store %arg7[%swap3A_264, %swap3A_265, %swap3A_266], %swap3A_269 {strides = array<i32>} : memref<2x512x64xf32, #tpu.memory_space<vmem>>, vector<1x1x16xf32>,
        %get3A_270 = arith.constant 1 : i32
        %get3A_271 = arith.index_cast %get3A_270 : i32 to index
        %get3A_272 = arith.index_cast %add3A_248 : i32 to index
        %get3A_273 = arith.constant 16 : index
        %get3A_274 = tpu.vector_load %arg7[%get3A_271, %get3A_272, %get3A_273] {strides = array<i32>} : memref<2x512x64xf32, #tpu.memory_space<vmem>>, vector<1x1x16xf32>,
        %get3A_275 = vector.shape_cast %get3A_274 : vector<1x1x16xf32> to vector<16xf32>
        %get3A_276 = arith.index_cast %rem3A_251 : i32 to index
        %get3A_277 = arith.constant 16 : index
        %get3A_278 = tpu.vector_load %arg8[%get3A_276, %get3A_277] {strides = array<i32>} : memref<200x64xf32, #tpu.memory_space<vmem>>, vector<1x16xf32>,
        %get3A_279 = vector.shape_cast %get3A_278 : vector<1x16xf32> to vector<16xf32>
        %add3A_280 = arith.addf %get3A_275, %get3A_279 : vector<16xf32>
        %swap3A_281 = arith.constant 1 : i32
        %swap3A_282 = arith.index_cast %swap3A_281 : i32 to index
        %swap3A_283 = arith.index_cast %add3A_248 : i32 to index
        %swap3A_284 = arith.constant 16 : index
        %swap3A_285 = tpu.vector_load %arg7[%swap3A_282, %swap3A_283, %swap3A_284] {strides = array<i32>} : memref<2x512x64xf32, #tpu.memory_space<vmem>>, vector<1x1x16xf32>,
        %swap3A_286 = vector.shape_cast %swap3A_285 : vector<1x1x16xf32> to vector<16xf32>
        %swap3A_287 = vector.shape_cast %add3A_280 : vector<16xf32> to vector<1x1x16xf32>
        tpu.vector_store %arg7[%swap3A_282, %swap3A_283, %swap3A_284], %swap3A_287 {strides = array<i32>} : memref<2x512x64xf32, #tpu.memory_space<vmem>>, vector<1x1x16xf32>,
        %get3A_288 = arith.constant 1 : i32
        %get3A_289 = arith.index_cast %get3A_288 : i32 to index
        %get3A_290 = arith.index_cast %add3A_248 : i32 to index
        %get3A_291 = arith.constant 32 : index
        %get3A_292 = tpu.vector_load %arg7[%get3A_289, %get3A_290, %get3A_291] {strides = array<i32>} : memref<2x512x64xf32, #tpu.memory_space<vmem>>, vector<1x1x16xf32>,
        %get3A_293 = vector.shape_cast %get3A_292 : vector<1x1x16xf32> to vector<16xf32>
        %get3A_294 = arith.index_cast %rem3A_251 : i32 to index
        %get3A_295 = arith.constant 32 : index
        %get3A_296 = tpu.vector_load %arg8[%get3A_294, %get3A_295] {strides = array<i32>} : memref<200x64xf32, #tpu.memory_space<vmem>>, vector<1x16xf32>,
        %get3A_297 = vector.shape_cast %get3A_296 : vector<1x16xf32> to vector<16xf32>
        %add3A_298 = arith.addf %get3A_293, %get3A_297 : vector<16xf32>
        %swap3A_299 = arith.constant 1 : i32
        %swap3A_300 = arith.index_cast %swap3A_299 : i32 to index
        %swap3A_301 = arith.index_cast %add3A_248 : i32 to index
        %swap3A_302 = arith.constant 32 : index
        %swap3A_303 = tpu.vector_load %arg7[%swap3A_300, %swap3A_301, %swap3A_302] {strides = array<i32>} : memref<2x512x64xf32, #tpu.memory_space<vmem>>, vector<1x1x16xf32>,
        %swap3A_304 = vector.shape_cast %swap3A_303 : vector<1x1x16xf32> to vector<16xf32>
        %swap3A_305 = vector.shape_cast %add3A_298 : vector<16xf32> to vector<1x1x16xf32>
        tpu.vector_store %arg7[%swap3A_300, %swap3A_301, %swap3A_302], %swap3A_305 {strides = array<i32>} : memref<2x512x64xf32, #tpu.memory_space<vmem>>, vector<1x1x16xf32>,
        %get3A_306 = arith.constant 1 : i32
        %get3A_307 = arith.index_cast %get3A_306 : i32 to index
        %get3A_308 = arith.index_cast %add3A_248 : i32 to index
        %get3A_309 = arith.constant 48 : index
        %get3A_310 = tpu.vector_load %arg7[%get3A_307, %get3A_308, %get3A_309] {strides = array<i32>} : memref<2x512x64xf32, #tpu.memory_space<vmem>>, vector<1x1x16xf32>,
        %get3A_311 = vector.shape_cast %get3A_310 : vector<1x1x16xf32> to vector<16xf32>
        %get3A_312 = arith.index_cast %rem3A_251 : i32 to index
        %get3A_313 = arith.constant 48 : index
        %get3A_314 = tpu.vector_load %arg8[%get3A_312, %get3A_313] {strides = array<i32>} : memref<200x64xf32, #tpu.memory_space<vmem>>, vector<1x16xf32>,
        %get3A_315 = vector.shape_cast %get3A_314 : vector<1x16xf32> to vector<16xf32>
        %add3A_316 = arith.addf %get3A_311, %get3A_315 : vector<16xf32>
        %swap3A_317 = arith.constant 1 : i32
        %swap3A_318 = arith.index_cast %swap3A_317 : i32 to index
        %swap3A_319 = arith.index_cast %add3A_248 : i32 to index
        %swap3A_320 = arith.constant 48 : index
        %swap3A_321 = tpu.vector_load %arg7[%swap3A_318, %swap3A_319, %swap3A_320] {strides = array<i32>} : memref<2x512x64xf32, #tpu.memory_space<vmem>>, vector<1x1x16xf32>,
        %swap3A_322 = vector.shape_cast %swap3A_321 : vector<1x1x16xf32> to vector<16xf32>
        %swap3A_323 = vector.shape_cast %add3A_316 : vector<16xf32> to vector<1x1x16xf32>
        tpu.vector_store %arg7[%swap3A_318, %swap3A_319, %swap3A_320], %swap3A_323 {strides = array<i32>} : memref<2x512x64xf32, #tpu.memory_space<vmem>>, vector<1x1x16xf32>,
        %add3A_324 = arith.constant 2 : i32
        %add3A_325 = arith.addi %mul3A_171, %add3A_324 : i32
        %add3A_326 = arith.addi %rem3A_146, %add3A_325 : i32
        %rem3A_327 = arith.constant 200 : i32
        %rem3A_328 = arith.remsi %add3A_326, %rem3A_327 : i32
        %get3A_329 = arith.constant 1 : i32
        %get3A_330 = arith.index_cast %get3A_329 : i32 to index
        %get3A_331 = arith.index_cast %add3A_325 : i32 to index
        %get3A_332 = arith.constant 0 : index
        %get3A_333 = tpu.vector_load %arg7[%get3A_330, %get3A_331, %get3A_332] {strides = array<i32>} : memref<2x512x64xf32, #tpu.memory_space<vmem>>, vector<1x1x16xf32>,
        %get3A_334 = vector.shape_cast %get3A_333 : vector<1x1x16xf32> to vector<16xf32>
        %get3A_335 = arith.index_cast %rem3A_328 : i32 to index
        %get3A_336 = arith.constant 0 : index
        %get3A_337 = tpu.vector_load %arg8[%get3A_335, %get3A_336] {strides = array<i32>} : memref<200x64xf32, #tpu.memory_space<vmem>>, vector<1x16xf32>,
        %get3A_338 = vector.shape_cast %get3A_337 : vector<1x16xf32> to vector<16xf32>
        %add3A_339 = arith.addf %get3A_334, %get3A_338 : vector<16xf32>
        %swap3A_340 = arith.constant 1 : i32
        %swap3A_341 = arith.index_cast %swap3A_340 : i32 to index
        %swap3A_342 = arith.index_cast %add3A_325 : i32 to index
        %swap3A_343 = arith.constant 0 : index
        %swap3A_344 = tpu.vector_load %arg7[%swap3A_341, %swap3A_342, %swap3A_343] {strides = array<i32>} : memref<2x512x64xf32, #tpu.memory_space<vmem>>, vector<1x1x16xf32>,
        %swap3A_345 = vector.shape_cast %swap3A_344 : vector<1x1x16xf32> to vector<16xf32>
        %swap3A_346 = vector.shape_cast %add3A_339 : vector<16xf32> to vector<1x1x16xf32>
        tpu.vector_store %arg7[%swap3A_341, %swap3A_342, %swap3A_343], %swap3A_346 {strides = array<i32>} : memref<2x512x64xf32, #tpu.memory_space<vmem>>, vector<1x1x16xf32>,
        %get3A_347 = arith.constant 1 : i32
        %get3A_348 = arith.index_cast %get3A_347 : i32 to index
        %get3A_349 = arith.index_cast %add3A_325 : i32 to index
        %get3A_350 = arith.constant 16 : index
        %get3A_351 = tpu.vector_load %arg7[%get3A_348, %get3A_349, %get3A_350] {strides = array<i32>} : memref<2x512x64xf32, #tpu.memory_space<vmem>>, vector<1x1x16xf32>,
        %get3A_352 = vector.shape_cast %get3A_351 : vector<1x1x16xf32> to vector<16xf32>
        %get3A_353 = arith.index_cast %rem3A_328 : i32 to index
        %get3A_354 = arith.constant 16 : index
        %get3A_355 = tpu.vector_load %arg8[%get3A_353, %get3A_354] {strides = array<i32>} : memref<200x64xf32, #tpu.memory_space<vmem>>, vector<1x16xf32>,
        %get3A_356 = vector.shape_cast %get3A_355 : vector<1x16xf32> to vector<16xf32>
        %add3A_357 = arith.addf %get3A_352, %get3A_356 : vector<16xf32>
        %swap3A_358 = arith.constant 1 : i32
        %swap3A_359 = arith.index_cast %swap3A_358 : i32 to index
        %swap3A_360 = arith.index_cast %add3A_325 : i32 to index
        %swap3A_361 = arith.constant 16 : index
        %swap3A_362 = tpu.vector_load %arg7[%swap3A_359, %swap3A_360, %swap3A_361] {strides = array<i32>} : memref<2x512x64xf32, #tpu.memory_space<vmem>>, vector<1x1x16xf32>,
        %swap3A_363 = vector.shape_cast %swap3A_362 : vector<1x1x16xf32> to vector<16xf32>
        %swap3A_364 = vector.shape_cast %add3A_357 : vector<16xf32> to vector<1x1x16xf32>
        tpu.vector_store %arg7[%swap3A_359, %swap3A_360, %swap3A_361], %swap3A_364 {strides = array<i32>} : memref<2x512x64xf32, #tpu.memory_space<vmem>>, vector<1x1x16xf32>,
        %get3A_365 = arith.constant 1 : i32
        %get3A_366 = arith.index_cast %get3A_365 : i32 to index
        %get3A_367 = arith.index_cast %add3A_325 : i32 to index
        %get3A_368 = arith.constant 32 : index
        %get3A_369 = tpu.vector_load %arg7[%get3A_366, %get3A_367, %get3A_368] {strides = array<i32>} : memref<2x512x64xf32, #tpu.memory_space<vmem>>, vector<1x1x16xf32>,
        %get3A_370 = vector.shape_cast %get3A_369 : vector<1x1x16xf32> to vector<16xf32>
        %get3A_371 = arith.index_cast %rem3A_328 : i32 to index
        %get3A_372 = arith.constant 32 : index
        %get3A_373 = tpu.vector_load %arg8[%get3A_371, %get3A_372] {strides = array<i32>} : memref<200x64xf32, #tpu.memory_space<vmem>>, vector<1x16xf32>,
        %get3A_374 = vector.shape_cast %get3A_373 : vector<1x16xf32> to vector<16xf32>
        %add3A_375 = arith.addf %get3A_370, %get3A_374 : vector<16xf32>
        %swap3A_376 = arith.constant 1 : i32
        %swap3A_377 = arith.index_cast %swap3A_376 : i32 to index
        %swap3A_378 = arith.index_cast %add3A_325 : i32 to index
        %swap3A_379 = arith.constant 32 : index
        %swap3A_380 = tpu.vector_load %arg7[%swap3A_377, %swap3A_378, %swap3A_379] {strides = array<i32>} : memref<2x512x64xf32, #tpu.memory_space<vmem>>, vector<1x1x16xf32>,
        %swap3A_381 = vector.shape_cast %swap3A_380 : vector<1x1x16xf32> to vector<16xf32>
        %swap3A_382 = vector.shape_cast %add3A_375 : vector<16xf32> to vector<1x1x16xf32>
        tpu.vector_store %arg7[%swap3A_377, %swap3A_378, %swap3A_379], %swap3A_382 {strides = array<i32>} : memref<2x512x64xf32, #tpu.memory_space<vmem>>, vector<1x1x16xf32>,
        %get3A_383 = arith.constant 1 : i32
        %get3A_384 = arith.index_cast %get3A_383 : i32 to index
        %get3A_385 = arith.index_cast %add3A_325 : i32 to index
        %get3A_386 = arith.constant 48 : index
        %get3A_387 = tpu.vector_load %arg7[%get3A_384, %get3A_385, %get3A_386] {strides = array<i32>} : memref<2x512x64xf32, #tpu.memory_space<vmem>>, vector<1x1x16xf32>,
        %get3A_388 = vector.shape_cast %get3A_387 : vector<1x1x16xf32> to vector<16xf32>
        %get3A_389 = arith.index_cast %rem3A_328 : i32 to index
        %get3A_390 = arith.constant 48 : index
        %get3A_391 = tpu.vector_load %arg8[%get3A_389, %get3A_390] {strides = array<i32>} : memref<200x64xf32, #tpu.memory_space<vmem>>, vector<1x16xf32>,
        %get3A_392 = vector.shape_cast %get3A_391 : vector<1x16xf32> to vector<16xf32>
        %add3A_393 = arith.addf %get3A_388, %get3A_392 : vector<16xf32>
        %swap3A_394 = arith.constant 1 : i32
        %swap3A_395 = arith.index_cast %swap3A_394 : i32 to index
        %swap3A_396 = arith.index_cast %add3A_325 : i32 to index
        %swap3A_397 = arith.constant 48 : index
        %swap3A_398 = tpu.vector_load %arg7[%swap3A_395, %swap3A_396, %swap3A_397] {strides = array<i32>} : memref<2x512x64xf32, #tpu.memory_space<vmem>>, vector<1x1x16xf32>,
        %swap3A_399 = vector.shape_cast %swap3A_398 : vector<1x1x16xf32> to vector<16xf32>
        %swap3A_400 = vector.shape_cast %add3A_393 : vector<16xf32> to vector<1x1x16xf32>
        tpu.vector_store %arg7[%swap3A_395, %swap3A_396, %swap3A_397], %swap3A_400 {strides = array<i32>} : memref<2x512x64xf32, #tpu.memory_space<vmem>>, vector<1x1x16xf32>,
        %add3A_401 = arith.constant 3 : i32
        %add3A_402 = arith.addi %mul3A_171, %add3A_401 : i32
        %add3A_403 = arith.addi %rem3A_146, %add3A_402 : i32
        %rem3A_404 = arith.constant 200 : i32
        %rem3A_405 = arith.remsi %add3A_403, %rem3A_404 : i32
        %get3A_406 = arith.constant 1 : i32
        %get3A_407 = arith.index_cast %get3A_406 : i32 to index
        %get3A_408 = arith.index_cast %add3A_402 : i32 to index
        %get3A_409 = arith.constant 0 : index
        %get3A_410 = tpu.vector_load %arg7[%get3A_407, %get3A_408, %get3A_409] {strides = array<i32>} : memref<2x512x64xf32, #tpu.memory_space<vmem>>, vector<1x1x16xf32>,
        %get3A_411 = vector.shape_cast %get3A_410 : vector<1x1x16xf32> to vector<16xf32>
        %get3A_412 = arith.index_cast %rem3A_405 : i32 to index
        %get3A_413 = arith.constant 0 : index
        %get3A_414 = tpu.vector_load %arg8[%get3A_412, %get3A_413] {strides = array<i32>} : memref<200x64xf32, #tpu.memory_space<vmem>>, vector<1x16xf32>,
        %get3A_415 = vector.shape_cast %get3A_414 : vector<1x16xf32> to vector<16xf32>
        %add3A_416 = arith.addf %get3A_411, %get3A_415 : vector<16xf32>
        %swap3A_417 = arith.constant 1 : i32
        %swap3A_418 = arith.index_cast %swap3A_417 : i32 to index
        %swap3A_419 = arith.index_cast %add3A_402 : i32 to index
        %swap3A_420 = arith.constant 0 : index
        %swap3A_421 = tpu.vector_load %arg7[%swap3A_418, %swap3A_419, %swap3A_420] {strides = array<i32>} : memref<2x512x64xf32, #tpu.memory_space<vmem>>, vector<1x1x16xf32>,
        %swap3A_422 = vector.shape_cast %swap3A_421 : vector<1x1x16xf32> to vector<16xf32>
        %swap3A_423 = vector.shape_cast %add3A_416 : vector<16xf32> to vector<1x1x16xf32>
        tpu.vector_store %arg7[%swap3A_418, %swap3A_419, %swap3A_420], %swap3A_423 {strides = array<i32>} : memref<2x512x64xf32, #tpu.memory_space<vmem>>, vector<1x1x16xf32>,
        %get3A_424 = arith.constant 1 : i32
        %get3A_425 = arith.index_cast %get3A_424 : i32 to index
        %get3A_426 = arith.index_cast %add3A_402 : i32 to index
        %get3A_427 = arith.constant 16 : index
        %get3A_428 = tpu.vector_load %arg7[%get3A_425, %get3A_426, %get3A_427] {strides = array<i32>} : memref<2x512x64xf32, #tpu.memory_space<vmem>>, vector<1x1x16xf32>,
        %get3A_429 = vector.shape_cast %get3A_428 : vector<1x1x16xf32> to vector<16xf32>
        %get3A_430 = arith.index_cast %rem3A_405 : i32 to index
        %get3A_431 = arith.constant 16 : index
        %get3A_432 = tpu.vector_load %arg8[%get3A_430, %get3A_431] {strides = array<i32>} : memref<200x64xf32, #tpu.memory_space<vmem>>, vector<1x16xf32>,
        %get3A_433 = vector.shape_cast %get3A_432 : vector<1x16xf32> to vector<16xf32>
        %add3A_434 = arith.addf %get3A_429, %get3A_433 : vector<16xf32>
        %swap3A_435 = arith.constant 1 : i32
        %swap3A_436 = arith.index_cast %swap3A_435 : i32 to index
        %swap3A_437 = arith.index_cast %add3A_402 : i32 to index
        %swap3A_438 = arith.constant 16 : index
        %swap3A_439 = tpu.vector_load %arg7[%swap3A_436, %swap3A_437, %swap3A_438] {strides = array<i32>} : memref<2x512x64xf32, #tpu.memory_space<vmem>>, vector<1x1x16xf32>,
        %swap3A_440 = vector.shape_cast %swap3A_439 : vector<1x1x16xf32> to vector<16xf32>
        %swap3A_441 = vector.shape_cast %add3A_434 : vector<16xf32> to vector<1x1x16xf32>
        tpu.vector_store %arg7[%swap3A_436, %swap3A_437, %swap3A_438], %swap3A_441 {strides = array<i32>} : memref<2x512x64xf32, #tpu.memory_space<vmem>>, vector<1x1x16xf32>,
        %get3A_442 = arith.constant 1 : i32
        %get3A_443 = arith.index_cast %get3A_442 : i32 to index
        %get3A_444 = arith.index_cast %add3A_402 : i32 to index
        %get3A_445 = arith.constant 32 : index
        %get3A_446 = tpu.vector_load %arg7[%get3A_443, %get3A_444, %get3A_445] {strides = array<i32>} : memref<2x512x64xf32, #tpu.memory_space<vmem>>, vector<1x1x16xf32>,
        %get3A_447 = vector.shape_cast %get3A_446 : vector<1x1x16xf32> to vector<16xf32>
        %get3A_448 = arith.index_cast %rem3A_405 : i32 to index
        %get3A_449 = arith.constant 32 : index
        %get3A_450 = tpu.vector_load %arg8[%get3A_448, %get3A_449] {strides = array<i32>} : memref<200x64xf32, #tpu.memory_space<vmem>>, vector<1x16xf32>,
        %get3A_451 = vector.shape_cast %get3A_450 : vector<1x16xf32> to vector<16xf32>
        %add3A_452 = arith.addf %get3A_447, %get3A_451 : vector<16xf32>
        %swap3A_453 = arith.constant 1 : i32
        %swap3A_454 = arith.index_cast %swap3A_453 : i32 to index
        %swap3A_455 = arith.index_cast %add3A_402 : i32 to index
        %swap3A_456 = arith.constant 32 : index
        %swap3A_457 = tpu.vector_load %arg7[%swap3A_454, %swap3A_455, %swap3A_456] {strides = array<i32>} : memref<2x512x64xf32, #tpu.memory_space<vmem>>, vector<1x1x16xf32>,
        %swap3A_458 = vector.shape_cast %swap3A_457 : vector<1x1x16xf32> to vector<16xf32>
        %swap3A_459 = vector.shape_cast %add3A_452 : vector<16xf32> to vector<1x1x16xf32>
        tpu.vector_store %arg7[%swap3A_454, %swap3A_455, %swap3A_456], %swap3A_459 {strides = array<i32>} : memref<2x512x64xf32, #tpu.memory_space<vmem>>, vector<1x1x16xf32>,
        %get3A_460 = arith.constant 1 : i32
        %get3A_461 = arith.index_cast %get3A_460 : i32 to index
        %get3A_462 = arith.index_cast %add3A_402 : i32 to index
        %get3A_463 = arith.constant 48 : index
        %get3A_464 = tpu.vector_load %arg7[%get3A_461, %get3A_462, %get3A_463] {strides = array<i32>} : memref<2x512x64xf32, #tpu.memory_space<vmem>>, vector<1x1x16xf32>,
        %get3A_465 = vector.shape_cast %get3A_464 : vector<1x1x16xf32> to vector<16xf32>
        %get3A_466 = arith.index_cast %rem3A_405 : i32 to index
        %get3A_467 = arith.constant 48 : index
        %get3A_468 = tpu.vector_load %arg8[%get3A_466, %get3A_467] {strides = array<i32>} : memref<200x64xf32, #tpu.memory_space<vmem>>, vector<1x16xf32>,
        %get3A_469 = vector.shape_cast %get3A_468 : vector<1x16xf32> to vector<16xf32>
        %add3A_470 = arith.addf %get3A_465, %get3A_469 : vector<16xf32>
        %swap3A_471 = arith.constant 1 : i32
        %swap3A_472 = arith.index_cast %swap3A_471 : i32 to index
        %swap3A_473 = arith.index_cast %add3A_402 : i32 to index
        %swap3A_474 = arith.constant 48 : index
        %swap3A_475 = tpu.vector_load %arg7[%swap3A_472, %swap3A_473, %swap3A_474] {strides = array<i32>} : memref<2x512x64xf32, #tpu.memory_space<vmem>>, vector<1x1x16xf32>,
        %swap3A_476 = vector.shape_cast %swap3A_475 : vector<1x1x16xf32> to vector<16xf32>
        %swap3A_477 = vector.shape_cast %add3A_470 : vector<16xf32> to vector<1x1x16xf32>
        tpu.vector_store %arg7[%swap3A_472, %swap3A_473, %swap3A_474], %swap3A_477 {strides = array<i32>} : memref<2x512x64xf32, #tpu.memory_space<vmem>>, vector<1x1x16xf32>,
        %add3A_478 = arith.constant 4 : i32
        %add3A_479 = arith.addi %mul3A_171, %add3A_478 : i32
        %add3A_480 = arith.addi %rem3A_146, %add3A_479 : i32
        %rem3A_481 = arith.constant 200 : i32
        %rem3A_482 = arith.remsi %add3A_480, %rem3A_481 : i32
        %get3A_483 = arith.constant 1 : i32
        %get3A_484 = arith.index_cast %get3A_483 : i32 to index
        %get3A_485 = arith.index_cast %add3A_479 : i32 to index
        %get3A_486 = arith.constant 0 : index
        %get3A_487 = tpu.vector_load %arg7[%get3A_484, %get3A_485, %get3A_486] {strides = array<i32>} : memref<2x512x64xf32, #tpu.memory_space<vmem>>, vector<1x1x16xf32>,
        %get3A_488 = vector.shape_cast %get3A_487 : vector<1x1x16xf32> to vector<16xf32>
        %get3A_489 = arith.index_cast %rem3A_482 : i32 to index
        %get3A_490 = arith.constant 0 : index
        %get3A_491 = tpu.vector_load %arg8[%get3A_489, %get3A_490] {strides = array<i32>} : memref<200x64xf32, #tpu.memory_space<vmem>>, vector<1x16xf32>,
        %get3A_492 = vector.shape_cast %get3A_491 : vector<1x16xf32> to vector<16xf32>
        %add3A_493 = arith.addf %get3A_488, %get3A_492 : vector<16xf32>
        %swap3A_494 = arith.constant 1 : i32
        %swap3A_495 = arith.index_cast %swap3A_494 : i32 to index
        %swap3A_496 = arith.index_cast %add3A_479 : i32 to index
        %swap3A_497 = arith.constant 0 : index
        %swap3A_498 = tpu.vector_load %arg7[%swap3A_495, %swap3A_496, %swap3A_497] {strides = array<i32>} : memref<2x512x64xf32, #tpu.memory_space<vmem>>, vector<1x1x16xf32>,
        %swap3A_499 = vector.shape_cast %swap3A_498 : vector<1x1x16xf32> to vector<16xf32>
        %swap3A_500 = vector.shape_cast %add3A_493 : vector<16xf32> to vector<1x1x16xf32>
        tpu.vector_store %arg7[%swap3A_495, %swap3A_496, %swap3A_497], %swap3A_500 {strides = array<i32>} : memref<2x512x64xf32, #tpu.memory_space<vmem>>, vector<1x1x16xf32>,
        %get3A_501 = arith.constant 1 : i32
        %get3A_502 = arith.index_cast %get3A_501 : i32 to index
        %get3A_503 = arith.index_cast %add3A_479 : i32 to index
        %get3A_504 = arith.constant 16 : index
        %get3A_505 = tpu.vector_load %arg7[%get3A_502, %get3A_503, %get3A_504] {strides = array<i32>} : memref<2x512x64xf32, #tpu.memory_space<vmem>>, vector<1x1x16xf32>,
        %get3A_506 = vector.shape_cast %get3A_505 : vector<1x1x16xf32> to vector<16xf32>
        %get3A_507 = arith.index_cast %rem3A_482 : i32 to index
        %get3A_508 = arith.constant 16 : index
        %get3A_509 = tpu.vector_load %arg8[%get3A_507, %get3A_508] {strides = array<i32>} : memref<200x64xf32, #tpu.memory_space<vmem>>, vector<1x16xf32>,
        %get3A_510 = vector.shape_cast %get3A_509 : vector<1x16xf32> to vector<16xf32>
        %add3A_511 = arith.addf %get3A_506, %get3A_510 : vector<16xf32>
        %swap3A_512 = arith.constant 1 : i32
        %swap3A_513 = arith.index_cast %swap3A_512 : i32 to index
        %swap3A_514 = arith.index_cast %add3A_479 : i32 to index
        %swap3A_515 = arith.constant 16 : index
        %swap3A_516 = tpu.vector_load %arg7[%swap3A_513, %swap3A_514, %swap3A_515] {strides = array<i32>} : memref<2x512x64xf32, #tpu.memory_space<vmem>>, vector<1x1x16xf32>,
        %swap3A_517 = vector.shape_cast %swap3A_516 : vector<1x1x16xf32> to vector<16xf32>
        %swap3A_518 = vector.shape_cast %add3A_511 : vector<16xf32> to vector<1x1x16xf32>
        tpu.vector_store %arg7[%swap3A_513, %swap3A_514, %swap3A_515], %swap3A_518 {strides = array<i32>} : memref<2x512x64xf32, #tpu.memory_space<vmem>>, vector<1x1x16xf32>,
        %get3A_519 = arith.constant 1 : i32
        %get3A_520 = arith.index_cast %get3A_519 : i32 to index
        %get3A_521 = arith.index_cast %add3A_479 : i32 to index
        %get3A_522 = arith.constant 32 : index
        %get3A_523 = tpu.vector_load %arg7[%get3A_520, %get3A_521, %get3A_522] {strides = array<i32>} : memref<2x512x64xf32, #tpu.memory_space<vmem>>, vector<1x1x16xf32>,
        %get3A_524 = vector.shape_cast %get3A_523 : vector<1x1x16xf32> to vector<16xf32>
        %get3A_525 = arith.index_cast %rem3A_482 : i32 to index
        %get3A_526 = arith.constant 32 : index
        %get3A_527 = tpu.vector_load %arg8[%get3A_525, %get3A_526] {strides = array<i32>} : memref<200x64xf32, #tpu.memory_space<vmem>>, vector<1x16xf32>,
        %get3A_528 = vector.shape_cast %get3A_527 : vector<1x16xf32> to vector<16xf32>
        %add3A_529 = arith.addf %get3A_524, %get3A_528 : vector<16xf32>
        %swap3A_530 = arith.constant 1 : i32
        %swap3A_531 = arith.index_cast %swap3A_530 : i32 to index
        %swap3A_532 = arith.index_cast %add3A_479 : i32 to index
        %swap3A_533 = arith.constant 32 : index
        %swap3A_534 = tpu.vector_load %arg7[%swap3A_531, %swap3A_532, %swap3A_533] {strides = array<i32>} : memref<2x512x64xf32, #tpu.memory_space<vmem>>, vector<1x1x16xf32>,
        %swap3A_535 = vector.shape_cast %swap3A_534 : vector<1x1x16xf32> to vector<16xf32>
        %swap3A_536 = vector.shape_cast %add3A_529 : vector<16xf32> to vector<1x1x16xf32>
        tpu.vector_store %arg7[%swap3A_531, %swap3A_532, %swap3A_533], %swap3A_536 {strides = array<i32>} : memref<2x512x64xf32, #tpu.memory_space<vmem>>, vector<1x1x16xf32>,
        %get3A_537 = arith.constant 1 : i32
        %get3A_538 = arith.index_cast %get3A_537 : i32 to index
        %get3A_539 = arith.index_cast %add3A_479 : i32 to index
        %get3A_540 = arith.constant 48 : index
        %get3A_541 = tpu.vector_load %arg7[%get3A_538, %get3A_539, %get3A_540] {strides = array<i32>} : memref<2x512x64xf32, #tpu.memory_space<vmem>>, vector<1x1x16xf32>,
        %get3A_542 = vector.shape_cast %get3A_541 : vector<1x1x16xf32> to vector<16xf32>
        %get3A_543 = arith.index_cast %rem3A_482 : i32 to index
        %get3A_544 = arith.constant 48 : index
        %get3A_545 = tpu.vector_load %arg8[%get3A_543, %get3A_544] {strides = array<i32>} : memref<200x64xf32, #tpu.memory_space<vmem>>, vector<1x16xf32>,
        %get3A_546 = vector.shape_cast %get3A_545 : vector<1x16xf32> to vector<16xf32>
        %add3A_547 = arith.addf %get3A_542, %get3A_546 : vector<16xf32>
        %swap3A_548 = arith.constant 1 : i32
        %swap3A_549 = arith.index_cast %swap3A_548 : i32 to index
        %swap3A_550 = arith.index_cast %add3A_479 : i32 to index
        %swap3A_551 = arith.constant 48 : index
        %swap3A_552 = tpu.vector_load %arg7[%swap3A_549, %swap3A_550, %swap3A_551] {strides = array<i32>} : memref<2x512x64xf32, #tpu.memory_space<vmem>>, vector<1x1x16xf32>,
        %swap3A_553 = vector.shape_cast %swap3A_552 : vector<1x1x16xf32> to vector<16xf32>
        %swap3A_554 = vector.shape_cast %add3A_547 : vector<16xf32> to vector<1x1x16xf32>
        tpu.vector_store %arg7[%swap3A_549, %swap3A_550, %swap3A_551], %swap3A_554 {strides = array<i32>} : memref<2x512x64xf32, #tpu.memory_space<vmem>>, vector<1x1x16xf32>,
        %add3A_555 = arith.constant 5 : i32
        %add3A_556 = arith.addi %mul3A_171, %add3A_555 : i32
        %add3A_557 = arith.addi %rem3A_146, %add3A_556 : i32
        %rem3A_558 = arith.constant 200 : i32
        %rem3A_559 = arith.remsi %add3A_557, %rem3A_558 : i32
        %get3A_560 = arith.constant 1 : i32
        %get3A_561 = arith.index_cast %get3A_560 : i32 to index
        %get3A_562 = arith.index_cast %add3A_556 : i32 to index
        %get3A_563 = arith.constant 0 : index
        %get3A_564 = tpu.vector_load %arg7[%get3A_561, %get3A_562, %get3A_563] {strides = array<i32>} : memref<2x512x64xf32, #tpu.memory_space<vmem>>, vector<1x1x16xf32>,
        %get3A_565 = vector.shape_cast %get3A_564 : vector<1x1x16xf32> to vector<16xf32>
        %get3A_566 = arith.index_cast %rem3A_559 : i32 to index
        %get3A_567 = arith.constant 0 : index
        %get3A_568 = tpu.vector_load %arg8[%get3A_566, %get3A_567] {strides = array<i32>} : memref<200x64xf32, #tpu.memory_space<vmem>>, vector<1x16xf32>,
        %get3A_569 = vector.shape_cast %get3A_568 : vector<1x16xf32> to vector<16xf32>
        %add3A_570 = arith.addf %get3A_565, %get3A_569 : vector<16xf32>
        %swap3A_571 = arith.constant 1 : i32
        %swap3A_572 = arith.index_cast %swap3A_571 : i32 to index
        %swap3A_573 = arith.index_cast %add3A_556 : i32 to index
        %swap3A_574 = arith.constant 0 : index
        %swap3A_575 = tpu.vector_load %arg7[%swap3A_572, %swap3A_573, %swap3A_574] {strides = array<i32>} : memref<2x512x64xf32, #tpu.memory_space<vmem>>, vector<1x1x16xf32>,
        %swap3A_576 = vector.shape_cast %swap3A_575 : vector<1x1x16xf32> to vector<16xf32>
        %swap3A_577 = vector.shape_cast %add3A_570 : vector<16xf32> to vector<1x1x16xf32>
        tpu.vector_store %arg7[%swap3A_572, %swap3A_573, %swap3A_574], %swap3A_577 {strides = array<i32>} : memref<2x512x64xf32, #tpu.memory_space<vmem>>, vector<1x1x16xf32>,
        %get3A_578 = arith.constant 1 : i32
        %get3A_579 = arith.index_cast %get3A_578 : i32 to index
        %get3A_580 = arith.index_cast %add3A_556 : i32 to index
        %get3A_581 = arith.constant 16 : index
        %get3A_582 = tpu.vector_load %arg7[%get3A_579, %get3A_580, %get3A_581] {strides = array<i32>} : memref<2x512x64xf32, #tpu.memory_space<vmem>>, vector<1x1x16xf32>,
        %get3A_583 = vector.shape_cast %get3A_582 : vector<1x1x16xf32> to vector<16xf32>
        %get3A_584 = arith.index_cast %rem3A_559 : i32 to index
        %get3A_585 = arith.constant 16 : index
        %get3A_586 = tpu.vector_load %arg8[%get3A_584, %get3A_585] {strides = array<i32>} : memref<200x64xf32, #tpu.memory_space<vmem>>, vector<1x16xf32>,
        %get3A_587 = vector.shape_cast %get3A_586 : vector<1x16xf32> to vector<16xf32>
        %add3A_588 = arith.addf %get3A_583, %get3A_587 : vector<16xf32>
        %swap3A_589 = arith.constant 1 : i32
        %swap3A_590 = arith.index_cast %swap3A_589 : i32 to index
        %swap3A_591 = arith.index_cast %add3A_556 : i32 to index
        %swap3A_592 = arith.constant 16 : index
        %swap3A_593 = tpu.vector_load %arg7[%swap3A_590, %swap3A_591, %swap3A_592] {strides = array<i32>} : memref<2x512x64xf32, #tpu.memory_space<vmem>>, vector<1x1x16xf32>,
        %swap3A_594 = vector.shape_cast %swap3A_593 : vector<1x1x16xf32> to vector<16xf32>
        %swap3A_595 = vector.shape_cast %add3A_588 : vector<16xf32> to vector<1x1x16xf32>
        tpu.vector_store %arg7[%swap3A_590, %swap3A_591, %swap3A_592], %swap3A_595 {strides = array<i32>} : memref<2x512x64xf32, #tpu.memory_space<vmem>>, vector<1x1x16xf32>,
        %get3A_596 = arith.constant 1 : i32
        %get3A_597 = arith.index_cast %get3A_596 : i32 to index
        %get3A_598 = arith.index_cast %add3A_556 : i32 to index
        %get3A_599 = arith.constant 32 : index
        %get3A_600 = tpu.vector_load %arg7[%get3A_597, %get3A_598, %get3A_599] {strides = array<i32>} : memref<2x512x64xf32, #tpu.memory_space<vmem>>, vector<1x1x16xf32>,
        %get3A_601 = vector.shape_cast %get3A_600 : vector<1x1x16xf32> to vector<16xf32>
        %get3A_602 = arith.index_cast %rem3A_559 : i32 to index
        %get3A_603 = arith.constant 32 : index
        %get3A_604 = tpu.vector_load %arg8[%get3A_602, %get3A_603] {strides = array<i32>} : memref<200x64xf32, #tpu.memory_space<vmem>>, vector<1x16xf32>,
        %get3A_605 = vector.shape_cast %get3A_604 : vector<1x16xf32> to vector<16xf32>
        %add3A_606 = arith.addf %get3A_601, %get3A_605 : vector<16xf32>
        %swap3A_607 = arith.constant 1 : i32
        %swap3A_608 = arith.index_cast %swap3A_607 : i32 to index
        %swap3A_609 = arith.index_cast %add3A_556 : i32 to index
        %swap3A_610 = arith.constant 32 : index
        %swap3A_611 = tpu.vector_load %arg7[%swap3A_608, %swap3A_609, %swap3A_610] {strides = array<i32>} : memref<2x512x64xf32, #tpu.memory_space<vmem>>, vector<1x1x16xf32>,
        %swap3A_612 = vector.shape_cast %swap3A_611 : vector<1x1x16xf32> to vector<16xf32>
        %swap3A_613 = vector.shape_cast %add3A_606 : vector<16xf32> to vector<1x1x16xf32>
        tpu.vector_store %arg7[%swap3A_608, %swap3A_609, %swap3A_610], %swap3A_613 {strides = array<i32>} : memref<2x512x64xf32, #tpu.memory_space<vmem>>, vector<1x1x16xf32>,
        %get3A_614 = arith.constant 1 : i32
        %get3A_615 = arith.index_cast %get3A_614 : i32 to index
        %get3A_616 = arith.index_cast %add3A_556 : i32 to index
        %get3A_617 = arith.constant 48 : index
        %get3A_618 = tpu.vector_load %arg7[%get3A_615, %get3A_616, %get3A_617] {strides = array<i32>} : memref<2x512x64xf32, #tpu.memory_space<vmem>>, vector<1x1x16xf32>,
        %get3A_619 = vector.shape_cast %get3A_618 : vector<1x1x16xf32> to vector<16xf32>
        %get3A_620 = arith.index_cast %rem3A_559 : i32 to index
        %get3A_621 = arith.constant 48 : index
        %get3A_622 = tpu.vector_load %arg8[%get3A_620, %get3A_621] {strides = array<i32>} : memref<200x64xf32, #tpu.memory_space<vmem>>, vector<1x16xf32>,
        %get3A_623 = vector.shape_cast %get3A_622 : vector<1x16xf32> to vector<16xf32>
        %add3A_624 = arith.addf %get3A_619, %get3A_623 : vector<16xf32>
        %swap3A_625 = arith.constant 1 : i32
        %swap3A_626 = arith.index_cast %swap3A_625 : i32 to index
        %swap3A_627 = arith.index_cast %add3A_556 : i32 to index
        %swap3A_628 = arith.constant 48 : index
        %swap3A_629 = tpu.vector_load %arg7[%swap3A_626, %swap3A_627, %swap3A_628] {strides = array<i32>} : memref<2x512x64xf32, #tpu.memory_space<vmem>>, vector<1x1x16xf32>,
        %swap3A_630 = vector.shape_cast %swap3A_629 : vector<1x1x16xf32> to vector<16xf32>
        %swap3A_631 = vector.shape_cast %add3A_624 : vector<16xf32> to vector<1x1x16xf32>
        tpu.vector_store %arg7[%swap3A_626, %swap3A_627, %swap3A_628], %swap3A_631 {strides = array<i32>} : memref<2x512x64xf32, #tpu.memory_space<vmem>>, vector<1x1x16xf32>,
        %add3A_632 = arith.constant 6 : i32
        %add3A_633 = arith.addi %mul3A_171, %add3A_632 : i32
        %add3A_634 = arith.addi %rem3A_146, %add3A_633 : i32
        %rem3A_635 = arith.constant 200 : i32
        %rem3A_636 = arith.remsi %add3A_634, %rem3A_635 : i32
        %get3A_637 = arith.constant 1 : i32
        %get3A_638 = arith.index_cast %get3A_637 : i32 to index
        %get3A_639 = arith.index_cast %add3A_633 : i32 to index
        %get3A_640 = arith.constant 0 : index
        %get3A_641 = tpu.vector_load %arg7[%get3A_638, %get3A_639, %get3A_640] {strides = array<i32>} : memref<2x512x64xf32, #tpu.memory_space<vmem>>, vector<1x1x16xf32>,
        %get3A_642 = vector.shape_cast %get3A_641 : vector<1x1x16xf32> to vector<16xf32>
        %get3A_643 = arith.index_cast %rem3A_636 : i32 to index
        %get3A_644 = arith.constant 0 : index
        %get3A_645 = tpu.vector_load %arg8[%get3A_643, %get3A_644] {strides = array<i32>} : memref<200x64xf32, #tpu.memory_space<vmem>>, vector<1x16xf32>,
        %get3A_646 = vector.shape_cast %get3A_645 : vector<1x16xf32> to vector<16xf32>
        %add3A_647 = arith.addf %get3A_642, %get3A_646 : vector<16xf32>
        %swap3A_648 = arith.constant 1 : i32
        %swap3A_649 = arith.index_cast %swap3A_648 : i32 to index
        %swap3A_650 = arith.index_cast %add3A_633 : i32 to index
        %swap3A_651 = arith.constant 0 : index
        %swap3A_652 = tpu.vector_load %arg7[%swap3A_649, %swap3A_650, %swap3A_651] {strides = array<i32>} : memref<2x512x64xf32, #tpu.memory_space<vmem>>, vector<1x1x16xf32>,
        %swap3A_653 = vector.shape_cast %swap3A_652 : vector<1x1x16xf32> to vector<16xf32>
        %swap3A_654 = vector.shape_cast %add3A_647 : vector<16xf32> to vector<1x1x16xf32>
        tpu.vector_store %arg7[%swap3A_649, %swap3A_650, %swap3A_651], %swap3A_654 {strides = array<i32>} : memref<2x512x64xf32, #tpu.memory_space<vmem>>, vector<1x1x16xf32>,
        %get3A_655 = arith.constant 1 : i32
        %get3A_656 = arith.index_cast %get3A_655 : i32 to index
        %get3A_657 = arith.index_cast %add3A_633 : i32 to index
        %get3A_658 = arith.constant 16 : index
        %get3A_659 = tpu.vector_load %arg7[%get3A_656, %get3A_657, %get3A_658] {strides = array<i32>} : memref<2x512x64xf32, #tpu.memory_space<vmem>>, vector<1x1x16xf32>,
        %get3A_660 = vector.shape_cast %get3A_659 : vector<1x1x16xf32> to vector<16xf32>
        %get3A_661 = arith.index_cast %rem3A_636 : i32 to index
        %get3A_662 = arith.constant 16 : index
        %get3A_663 = tpu.vector_load %arg8[%get3A_661, %get3A_662] {strides = array<i32>} : memref<200x64xf32, #tpu.memory_space<vmem>>, vector<1x16xf32>,
        %get3A_664 = vector.shape_cast %get3A_663 : vector<1x16xf32> to vector<16xf32>
        %add3A_665 = arith.addf %get3A_660, %get3A_664 : vector<16xf32>
        %swap3A_666 = arith.constant 1 : i32
        %swap3A_667 = arith.index_cast %swap3A_666 : i32 to index
        %swap3A_668 = arith.index_cast %add3A_633 : i32 to index
        %swap3A_669 = arith.constant 16 : index
        %swap3A_670 = tpu.vector_load %arg7[%swap3A_667, %swap3A_668, %swap3A_669] {strides = array<i32>} : memref<2x512x64xf32, #tpu.memory_space<vmem>>, vector<1x1x16xf32>,
        %swap3A_671 = vector.shape_cast %swap3A_670 : vector<1x1x16xf32> to vector<16xf32>
        %swap3A_672 = vector.shape_cast %add3A_665 : vector<16xf32> to vector<1x1x16xf32>
        tpu.vector_store %arg7[%swap3A_667, %swap3A_668, %swap3A_669], %swap3A_672 {strides = array<i32>} : memref<2x512x64xf32, #tpu.memory_space<vmem>>, vector<1x1x16xf32>,
        %get3A_673 = arith.constant 1 : i32
        %get3A_674 = arith.index_cast %get3A_673 : i32 to index
        %get3A_675 = arith.index_cast %add3A_633 : i32 to index
        %get3A_676 = arith.constant 32 : index
        %get3A_677 = tpu.vector_load %arg7[%get3A_674, %get3A_675, %get3A_676] {strides = array<i32>} : memref<2x512x64xf32, #tpu.memory_space<vmem>>, vector<1x1x16xf32>,
        %get3A_678 = vector.shape_cast %get3A_677 : vector<1x1x16xf32> to vector<16xf32>
        %get3A_679 = arith.index_cast %rem3A_636 : i32 to index
        %get3A_680 = arith.constant 32 : index
        %get3A_681 = tpu.vector_load %arg8[%get3A_679, %get3A_680] {strides = array<i32>} : memref<200x64xf32, #tpu.memory_space<vmem>>, vector<1x16xf32>,
        %get3A_682 = vector.shape_cast %get3A_681 : vector<1x16xf32> to vector<16xf32>
        %add3A_683 = arith.addf %get3A_678, %get3A_682 : vector<16xf32>
        %swap3A_684 = arith.constant 1 : i32
        %swap3A_685 = arith.index_cast %swap3A_684 : i32 to index
        %swap3A_686 = arith.index_cast %add3A_633 : i32 to index
        %swap3A_687 = arith.constant 32 : index
        %swap3A_688 = tpu.vector_load %arg7[%swap3A_685, %swap3A_686, %swap3A_687] {strides = array<i32>} : memref<2x512x64xf32, #tpu.memory_space<vmem>>, vector<1x1x16xf32>,
        %swap3A_689 = vector.shape_cast %swap3A_688 : vector<1x1x16xf32> to vector<16xf32>
        %swap3A_690 = vector.shape_cast %add3A_683 : vector<16xf32> to vector<1x1x16xf32>
        tpu.vector_store %arg7[%swap3A_685, %swap3A_686, %swap3A_687], %swap3A_690 {strides = array<i32>} : memref<2x512x64xf32, #tpu.memory_space<vmem>>, vector<1x1x16xf32>,
        %get3A_691 = arith.constant 1 : i32
        %get3A_692 = arith.index_cast %get3A_691 : i32 to index
        %get3A_693 = arith.index_cast %add3A_633 : i32 to index
        %get3A_694 = arith.constant 48 : index
        %get3A_695 = tpu.vector_load %arg7[%get3A_692, %get3A_693, %get3A_694] {strides = array<i32>} : memref<2x512x64xf32, #tpu.memory_space<vmem>>, vector<1x1x16xf32>,
        %get3A_696 = vector.shape_cast %get3A_695 : vector<1x1x16xf32> to vector<16xf32>
        %get3A_697 = arith.index_cast %rem3A_636 : i32 to index
        %get3A_698 = arith.constant 48 : index
        %get3A_699 = tpu.vector_load %arg8[%get3A_697, %get3A_698] {strides = array<i32>} : memref<200x64xf32, #tpu.memory_space<vmem>>, vector<1x16xf32>,
        %get3A_700 = vector.shape_cast %get3A_699 : vector<1x16xf32> to vector<16xf32>
        %add3A_701 = arith.addf %get3A_696, %get3A_700 : vector<16xf32>
        %swap3A_702 = arith.constant 1 : i32
        %swap3A_703 = arith.index_cast %swap3A_702 : i32 to index
        %swap3A_704 = arith.index_cast %add3A_633 : i32 to index
        %swap3A_705 = arith.constant 48 : index
        %swap3A_706 = tpu.vector_load %arg7[%swap3A_703, %swap3A_704, %swap3A_705] {strides = array<i32>} : memref<2x512x64xf32, #tpu.memory_space<vmem>>, vector<1x1x16xf32>,
        %swap3A_707 = vector.shape_cast %swap3A_706 : vector<1x1x16xf32> to vector<16xf32>
        %swap3A_708 = vector.shape_cast %add3A_701 : vector<16xf32> to vector<1x1x16xf32>
        tpu.vector_store %arg7[%swap3A_703, %swap3A_704, %swap3A_705], %swap3A_708 {strides = array<i32>} : memref<2x512x64xf32, #tpu.memory_space<vmem>>, vector<1x1x16xf32>,
        %add3A_709 = arith.constant 7 : i32
        %add3A_710 = arith.addi %mul3A_171, %add3A_709 : i32
        %add3A_711 = arith.addi %rem3A_146, %add3A_710 : i32
        %rem3A_712 = arith.constant 200 : i32
        %rem3A_713 = arith.remsi %add3A_711, %rem3A_712 : i32
        %get3A_714 = arith.constant 1 : i32
        %get3A_715 = arith.index_cast %get3A_714 : i32 to index
        %get3A_716 = arith.index_cast %add3A_710 : i32 to index
        %get3A_717 = arith.constant 0 : index
        %get3A_718 = tpu.vector_load %arg7[%get3A_715, %get3A_716, %get3A_717] {strides = array<i32>} : memref<2x512x64xf32, #tpu.memory_space<vmem>>, vector<1x1x16xf32>,
        %get3A_719 = vector.shape_cast %get3A_718 : vector<1x1x16xf32> to vector<16xf32>
        %get3A_720 = arith.index_cast %rem3A_713 : i32 to index
        %get3A_721 = arith.constant 0 : index
        %get3A_722 = tpu.vector_load %arg8[%get3A_720, %get3A_721] {strides = array<i32>} : memref<200x64xf32, #tpu.memory_space<vmem>>, vector<1x16xf32>,
        %get3A_723 = vector.shape_cast %get3A_722 : vector<1x16xf32> to vector<16xf32>
        %add3A_724 = arith.addf %get3A_719, %get3A_723 : vector<16xf32>
        %swap3A_725 = arith.constant 1 : i32
        %swap3A_726 = arith.index_cast %swap3A_725 : i32 to index
        %swap3A_727 = arith.index_cast %add3A_710 : i32 to index
        %swap3A_728 = arith.constant 0 : index
        %swap3A_729 = tpu.vector_load %arg7[%swap3A_726, %swap3A_727, %swap3A_728] {strides = array<i32>} : memref<2x512x64xf32, #tpu.memory_space<vmem>>, vector<1x1x16xf32>,
        %swap3A_730 = vector.shape_cast %swap3A_729 : vector<1x1x16xf32> to vector<16xf32>
        %swap3A_731 = vector.shape_cast %add3A_724 : vector<16xf32> to vector<1x1x16xf32>
        tpu.vector_store %arg7[%swap3A_726, %swap3A_727, %swap3A_728], %swap3A_731 {strides = array<i32>} : memref<2x512x64xf32, #tpu.memory_space<vmem>>, vector<1x1x16xf32>,
        %get3A_732 = arith.constant 1 : i32
        %get3A_733 = arith.index_cast %get3A_732 : i32 to index
        %get3A_734 = arith.index_cast %add3A_710 : i32 to index
        %get3A_735 = arith.constant 16 : index
        %get3A_736 = tpu.vector_load %arg7[%get3A_733, %get3A_734, %get3A_735] {strides = array<i32>} : memref<2x512x64xf32, #tpu.memory_space<vmem>>, vector<1x1x16xf32>,
        %get3A_737 = vector.shape_cast %get3A_736 : vector<1x1x16xf32> to vector<16xf32>
        %get3A_738 = arith.index_cast %rem3A_713 : i32 to index
        %get3A_739 = arith.constant 16 : index
        %get3A_740 = tpu.vector_load %arg8[%get3A_738, %get3A_739] {strides = array<i32>} : memref<200x64xf32, #tpu.memory_space<vmem>>, vector<1x16xf32>,
        %get3A_741 = vector.shape_cast %get3A_740 : vector<1x16xf32> to vector<16xf32>
        %add3A_742 = arith.addf %get3A_737, %get3A_741 : vector<16xf32>
        %swap3A_743 = arith.constant 1 : i32
        %swap3A_744 = arith.index_cast %swap3A_743 : i32 to index
        %swap3A_745 = arith.index_cast %add3A_710 : i32 to index
        %swap3A_746 = arith.constant 16 : index
        %swap3A_747 = tpu.vector_load %arg7[%swap3A_744, %swap3A_745, %swap3A_746] {strides = array<i32>} : memref<2x512x64xf32, #tpu.memory_space<vmem>>, vector<1x1x16xf32>,
        %swap3A_748 = vector.shape_cast %swap3A_747 : vector<1x1x16xf32> to vector<16xf32>
        %swap3A_749 = vector.shape_cast %add3A_742 : vector<16xf32> to vector<1x1x16xf32>
        tpu.vector_store %arg7[%swap3A_744, %swap3A_745, %swap3A_746], %swap3A_749 {strides = array<i32>} : memref<2x512x64xf32, #tpu.memory_space<vmem>>, vector<1x1x16xf32>,
        %get3A_750 = arith.constant 1 : i32
        %get3A_751 = arith.index_cast %get3A_750 : i32 to index
        %get3A_752 = arith.index_cast %add3A_710 : i32 to index
        %get3A_753 = arith.constant 32 : index
        %get3A_754 = tpu.vector_load %arg7[%get3A_751, %get3A_752, %get3A_753] {strides = array<i32>} : memref<2x512x64xf32, #tpu.memory_space<vmem>>, vector<1x1x16xf32>,
        %get3A_755 = vector.shape_cast %get3A_754 : vector<1x1x16xf32> to vector<16xf32>
        %get3A_756 = arith.index_cast %rem3A_713 : i32 to index
        %get3A_757 = arith.constant 32 : index
        %get3A_758 = tpu.vector_load %arg8[%get3A_756, %get3A_757] {strides = array<i32>} : memref<200x64xf32, #tpu.memory_space<vmem>>, vector<1x16xf32>,
        %get3A_759 = vector.shape_cast %get3A_758 : vector<1x16xf32> to vector<16xf32>
        %add3A_760 = arith.addf %get3A_755, %get3A_759 : vector<16xf32>
        %swap3A_761 = arith.constant 1 : i32
        %swap3A_762 = arith.index_cast %swap3A_761 : i32 to index
        %swap3A_763 = arith.index_cast %add3A_710 : i32 to index
        %swap3A_764 = arith.constant 32 : index
        %swap3A_765 = tpu.vector_load %arg7[%swap3A_762, %swap3A_763, %swap3A_764] {strides = array<i32>} : memref<2x512x64xf32, #tpu.memory_space<vmem>>, vector<1x1x16xf32>,
        %swap3A_766 = vector.shape_cast %swap3A_765 : vector<1x1x16xf32> to vector<16xf32>
        %swap3A_767 = vector.shape_cast %add3A_760 : vector<16xf32> to vector<1x1x16xf32>
        tpu.vector_store %arg7[%swap3A_762, %swap3A_763, %swap3A_764], %swap3A_767 {strides = array<i32>} : memref<2x512x64xf32, #tpu.memory_space<vmem>>, vector<1x1x16xf32>,
        %get3A_768 = arith.constant 1 : i32
        %get3A_769 = arith.index_cast %get3A_768 : i32 to index
        %get3A_770 = arith.index_cast %add3A_710 : i32 to index
        %get3A_771 = arith.constant 48 : index
        %get3A_772 = tpu.vector_load %arg7[%get3A_769, %get3A_770, %get3A_771] {strides = array<i32>} : memref<2x512x64xf32, #tpu.memory_space<vmem>>, vector<1x1x16xf32>,
        %get3A_773 = vector.shape_cast %get3A_772 : vector<1x1x16xf32> to vector<16xf32>
        %get3A_774 = arith.index_cast %rem3A_713 : i32 to index
        %get3A_775 = arith.constant 48 : index
        %get3A_776 = tpu.vector_load %arg8[%get3A_774, %get3A_775] {strides = array<i32>} : memref<200x64xf32, #tpu.memory_space<vmem>>, vector<1x16xf32>,
        %get3A_777 = vector.shape_cast %get3A_776 : vector<1x16xf32> to vector<16xf32>
        %add3A_778 = arith.addf %get3A_773, %get3A_777 : vector<16xf32>
        %swap3A_779 = arith.constant 1 : i32
        %swap3A_780 = arith.index_cast %swap3A_779 : i32 to index
        %swap3A_781 = arith.index_cast %add3A_710 : i32 to index
        %swap3A_782 = arith.constant 48 : index
        %swap3A_783 = tpu.vector_load %arg7[%swap3A_780, %swap3A_781, %swap3A_782] {strides = array<i32>} : memref<2x512x64xf32, #tpu.memory_space<vmem>>, vector<1x1x16xf32>,
        %swap3A_784 = vector.shape_cast %swap3A_783 : vector<1x1x16xf32> to vector<16xf32>
        %swap3A_785 = vector.shape_cast %add3A_778 : vector<16xf32> to vector<1x1x16xf32>
        tpu.vector_store %arg7[%swap3A_780, %swap3A_781, %swap3A_782], %swap3A_785 {strides = array<i32>} : memref<2x512x64xf32, #tpu.memory_space<vmem>>, vector<1x1x16xf32>,
      }
      %scan3A_152 = arith.constant 64 : i32
      %mul3A_153 = arith.constant 512 : i32
      %mul3A_154 = arith.muli %add3A_122, %mul3A_153 : i32
      %add3A_155 = arith.addi %mul3A_2, %mul3A_154 : i32
      %dma_start3A_156 = arith.constant 1 : i32
      %dma_start3A_157 = arith.constant 0 : i32
      %dma_start3A_158 = arith.constant 0 : i32
      %dma_start3A_159 = tpu.memref_slice %arg7[%dma_start3A_156, %dma_start3A_157, %dma_start3A_158] : memref<2x512x64xf32, #tpu.memory_space<vmem>> -> memref<1x512x64xf32, #tpu.memory_space<vmem>>
      %dma_start3A_160 = tpu.memref_squeeze %dma_start3A_159 : memref<1x512x64xf32, #tpu.memory_space<vmem>> -> memref<512x64xf32, #tpu.memory_space<vmem>>
      %dma_start3A_161 = arith.constant 0 : i32
      %dma_start3A_162 = tpu.memref_slice %arg5[%add3A_155, %dma_start3A_161] : memref<819200x64xf32, #tpu.memory_space<hbm>> -> memref<512x64xf32, #tpu.memory_space<hbm>>
      %dma_start3A_163 = arith.constant 0 : i32
      %dma_start3A_164 = tpu.memref_slice %arg5[%add3A_155, %dma_start3A_163] : memref<819200x64xf32, #tpu.memory_space<hbm>> -> memref<512x64xf32, #tpu.memory_space<hbm>>
      %dma_start3A_165 = arith.constant 0 : i32
      %dma_start3A_166 = arith.constant 0 : i32
      %dma_start3A_167 = tpu.memref_slice %arg7[%dma_start3A_156, %dma_start3A_165, %dma_start3A_166] : memref<2x512x64xf32, #tpu.memory_space<vmem>> -> memref<1x512x64xf32, #tpu.memory_space<vmem>>
      %dma_start3A_168 = tpu.memref_squeeze %dma_start3A_167 : memref<1x512x64xf32, #tpu.memory_space<vmem>> -> memref<512x64xf32, #tpu.memory_space<vmem>>
      tpu.enqueue_dma source(%dma_start3A_168 : memref<512x64xf32, #tpu.memory_space<vmem>>) target(%dma_start3A_164 : memref<512x64xf32, #tpu.memory_space<hbm>>) target_semaphore(%arg12 : memref<!tpu.dma_semaphore, #tpu.memory_space<semaphore_mem>>)
    }
    %scan3A_46 = arith.constant 25 : i32
    %dma_wait3A = arith.constant 0 : i32
    %dma_wait3A_47 = arith.constant 0 : i32
    %dma_wait3A_48 = arith.constant 0 : i32
    %dma_wait3A_49 = tpu.memref_slice %arg7[%dma_wait3A, %dma_wait3A_47, %dma_wait3A_48] : memref<2x512x64xf32, #tpu.memory_space<vmem>> -> memref<1x512x64xf32, #tpu.memory_space<vmem>>
    %dma_wait3A_50 = tpu.memref_squeeze %dma_wait3A_49 : memref<1x512x64xf32, #tpu.memory_space<vmem>> -> memref<512x64xf32, #tpu.memory_space<vmem>>
    %dma_wait3A_51 = arith.constant 0 : i32
    %dma_wait3A_52 = tpu.memref_slice %arg5[%mul3A_2, %dma_wait3A_51] : memref<819200x64xf32, #tpu.memory_space<hbm>> -> memref<512x64xf32, #tpu.memory_space<hbm>>
    %dma_wait3A_53 = arith.constant 0 : i32
    %dma_wait3A_54 = tpu.memref_slice %arg5[%mul3A_2, %dma_wait3A_53] : memref<819200x64xf32, #tpu.memory_space<hbm>> -> memref<512x64xf32, #tpu.memory_space<hbm>>
    %dma_wait3A_55 = arith.constant 0 : i32
    %dma_wait3A_56 = arith.constant 0 : i32
    %dma_wait3A_57 = tpu.memref_slice %arg7[%dma_wait3A, %dma_wait3A_55, %dma_wait3A_56] : memref<2x512x64xf32, #tpu.memory_space<vmem>> -> memref<1x512x64xf32, #tpu.memory_space<vmem>>
    %dma_wait3A_58 = tpu.memref_squeeze %dma_wait3A_57 : memref<1x512x64xf32, #tpu.memory_space<vmem>> -> memref<512x64xf32, #tpu.memory_space<vmem>>
    tpu.wait_dma2 semaphore(%arg11 : memref<!tpu.dma_semaphore, #tpu.memory_space<semaphore_mem>>) src(%dma_wait3A_58 : memref<512x64xf32, #tpu.memory_space<vmem>>) dst(%dma_wait3A_54 : memref<512x64xf32, #tpu.memory_space<hbm>>)
    %dma_wait3A_59 = arith.constant 1 : i32
    %dma_wait3A_60 = arith.constant 0 : i32
    %dma_wait3A_61 = arith.constant 0 : i32
    %dma_wait3A_62 = tpu.memref_slice %arg7[%dma_wait3A_59, %dma_wait3A_60, %dma_wait3A_61] : memref<2x512x64xf32, #tpu.memory_space<vmem>> -> memref<1x512x64xf32, #tpu.memory_space<vmem>>
    %dma_wait3A_63 = tpu.memref_squeeze %dma_wait3A_62 : memref<1x512x64xf32, #tpu.memory_space<vmem>> -> memref<512x64xf32, #tpu.memory_space<vmem>>
    %dma_wait3A_64 = arith.constant 0 : i32
    %dma_wait3A_65 = tpu.memref_slice %arg5[%mul3A_2, %dma_wait3A_64] : memref<819200x64xf32, #tpu.memory_space<hbm>> -> memref<512x64xf32, #tpu.memory_space<hbm>>
    %dma_wait3A_66 = arith.constant 0 : i32
    %dma_wait3A_67 = tpu.memref_slice %arg5[%mul3A_2, %dma_wait3A_66] : memref<819200x64xf32, #tpu.memory_space<hbm>> -> memref<512x64xf32, #tpu.memory_space<hbm>>
    %dma_wait3A_68 = arith.constant 0 : i32
    %dma_wait3A_69 = arith.constant 0 : i32
    %dma_wait3A_70 = tpu.memref_slice %arg7[%dma_wait3A_59, %dma_wait3A_68, %dma_wait3A_69] : memref<2x512x64xf32, #tpu.memory_space<vmem>> -> memref<1x512x64xf32, #tpu.memory_space<vmem>>
    %dma_wait3A_71 = tpu.memref_squeeze %dma_wait3A_70 : memref<1x512x64xf32, #tpu.memory_space<vmem>> -> memref<512x64xf32, #tpu.memory_space<vmem>>
    tpu.wait_dma2 semaphore(%arg12 : memref<!tpu.dma_semaphore, #tpu.memory_space<semaphore_mem>>) src(%dma_wait3A_71 : memref<512x64xf32, #tpu.memory_space<vmem>>) dst(%dma_wait3A_67 : memref<512x64xf32, #tpu.memory_space<hbm>>)
    return
  }
}

</mosaic_0001>

<sc_bundles>
// kernel: kernel.3.cloned.1.call-start
scs
__scs_entry_jumppad:
0x0: {  	(pc) =	sbr.rel $0x88, $3  }
0x1: {  	(tag) =	ssettag $0x0;
	lr =	simm.s32 $0x1  }
0x2: {  	[smem:$0x3F9E] =	sst lr;
	_ =	strace $0xD0000000  }
0x3: {  	_ = 	snop  }
0x4: {  	_ = 	snop  }
0x5: {  	_ = 	snop  }
0x6: {  	_ = 	snop  }
0x7: {  	_ = 	snop  }
__scs_overlays_trampoline_lowered:
0x8: {  	[smem:$0x3FAD] =	sst s0  }
0x9: {  	[smem:$0x3FAE] =	sst s1  }
0xa: {  	[smem:$0x3FAF] =	sst s2  }
0xb: {  	[smem:$0x3FB0] =	sst s3  }
0xc: {  	[smem:$0x3FB1] =	sst s4  }
0xd: {  	[smem:$0x3FB2] =	sst s5  }
0xe: {  	[smem:$0x3FB3] =	sst s6  }
0xf: {  	[smem:$0x3FB4] =	sst s7  }
0x10: {  	[smem:$0x3FB5] =	sst s8  }
0x11: {  	[smem:$0x3FB6] =	sst s9;
	s0 =	simm.s32 @!p0 $0x0  }
0x12: {  	s1 =	sld [smem:$0x3F9C];
	s0 =	simm.s32 @p0 $0x1  }
0x13: {  	[smem:$0x3FB7] =	sst s0;
	s0 =	simm.s32 @!p1 $0x0  }
0x14: {  	s2 =	sld [smem:$0x3F9B];
	s0 =	simm.s32 @p1 $0x1  }
0x15: {  	[smem:$0x3FB8] =	sst s0;
	s0 =	simm.s32 @!p2 $0x0  }
0x16: {  	s3 =	sld [smem:$0x3FDB];
	s0 =	simm.s32 @p2 $0x1  }
0x17: {  	s4 =	simm.s32 $0x1BF5;
	[smem:$0x3FBA] =	sst s0  }
0x18: {  	s0 =	sld [smem:$0x3F9D];
	_ =	swait.ge [sflag:s4], $0x0  }
0x19: {  	s7 =	sld [smem:$0x3F9E]  }
0x1a: {  	s8 =	sadd.s32 $0xFFFFE003, lr  }
0x1b: {  	s9 =	sadd.s32 $0xFFFFFEF7, lr;
	s5 =	simm.s32 $0xFFFFFFFF;
	p2 =	slt.u32 s8, $0xFFFFF086  }
0x1c: {  	p1 =	slt.u32 s9, $0xF7A;
	s5 =	simm.s32 @!p2 $0x0  }
0x1d: {  	s5 =	simm.s32 @p1 $0x1;
	p0 =	seq.s32 s7, s2  }
0x1e: {  	s7 =	smul.u32 @!p0 $0xF7A, s2;
	p2 =	seq.s32 @!p0 s5, $0x0  }
0x1f: {  	s9 =	smul.u32 $0xF7A, s1;
	s8 =	simm.s32 @!p0 $0x1BF5;
	p2 =	por !p2, p0  }
0x20: {  	[sflag:s8] =	ssyncset.s32 @!p0 $0xFFFFF086;
	s6 =	sadd.s32 @!p0 s3, s7;
	s7 =	simm.s32 @!p0 $0x108  }
0x21: {  	s3 =	sadd.s32 s3, s9;
	s6 =	sadd.s32 @!p0 $0x88, s6;
	s7 =	simm.s32 @p2 $0x1082  }
0x22: {  	[simem:s7], [sflag:s8] =	dma.local @!p0 [hbm:s6], $0xF7A  }
0x23: {  	s9 =	sor.u32 $0xD0000000, s2;
	s6 =	simm.s32 $0x108;
	_ =	swait.ge @!p0 [sflag:s8], $0x0  }
0x24: {  	s3 =	sadd.s32 $0x88, s3;
	s6 =	simm.s32 @!p1 $0x1082;
	[sflag:s4] =	ssyncset.s32 $0xFFFFF086  }
0x25: {  	[simem:s6], [sflag:s4] =	dma.local [hbm:s3], $0xF7A  }
0x26: {  	[smem:$0x3F9E] =	sst s1;
	(tag) =	ssettag s2;
	_ =	strace s9  }
0x27: {  	s1 =	sld [smem:$0x3FAE]  }
0x28: {  	s2 =	sld [smem:$0x3FAF]  }
0x29: {  	s4 =	sld [smem:$0x3FB1]  }
0x2a: {  	p0 =	seq.s32 s5, $0x0;
	s5 =	sld [smem:$0x3FB2]  }
0x2b: {  	s6 =	sld [smem:$0x3FB3]  }
0x2c: {  	s7 =	sld [smem:$0x3FB4]  }
0x2d: {  	s3 =	simm.s32 $0x108;
	s8 =	sld [smem:$0x3FB5]  }
0x2e: {  	s3 =	simm.s32 @!p0 $0x1082;
	s9 =	sld [smem:$0x3FB6]  }
0x2f: {  	lr =	sadd.s32 s0, s3;
	s0 =	sld [smem:$0x3FAD]  }
0x30: {  	s3 =	sld [smem:$0x3FB0]  }
0x31: {  	[smem:$0x3FB9] =	sst s10  }
0x32: {  	s10 =	sld [smem:$0x3FB7];
	_ =	sdelay $0x3  }
0x33: {  	p0 =	seq.s32 s10, $0x1;
	s10 =	sld [smem:$0x3FB9];
	_ =	sdelay $0x3  }
0x34: {  	[smem:$0x3FB9] =	sst s10  }
0x35: {  	s10 =	sld [smem:$0x3FB8];
	_ =	sdelay $0x3  }
0x36: {  	p1 =	seq.s32 s10, $0x1;
	s10 =	sld [smem:$0x3FB9];
	_ =	sdelay $0x3  }
0x37: {  	[smem:$0x3FB9] =	sst s10  }
0x38: {  	s10 =	sld [smem:$0x3FBA]  }
0x39: {  	_ = 	snop;
	(pc) =	sbr.ind lr, $3  }
0x3a: {  	_ = 	snop  }
0x3b: {  	_ = 	snop  }
0x3c: {  	p2 =	seq.s32 s10, $0x1;
	s10 =	sld [smem:$0x3FB9]  }
0x3d: {  	_ =	shalt  }
0x3e: {  	_ =	shalt  }
0x3f: {  	_ =	shalt  }
0x40: {  	_ =	shalt  }
0x41: {  	_ =	shalt  }
0x42: {  	_ =	shalt  }
0x43: {  	_ =	shalt  }
0x44: {  	_ =	shalt  }
0x45: {  	_ =	shalt  }
0x46: {  	_ =	shalt  }
0x47: {  	_ =	shalt  }
0x48: {  	_ =	shalt  }
0x49: {  	_ =	shalt  }
0x4a: {  	_ =	shalt  }
0x4b: {  	_ =	shalt  }
0x4c: {  	_ =	shalt  }
0x4d: {  	_ =	shalt  }
0x4e: {  	_ =	shalt  }
0x4f: {  	_ =	shalt  }
0x50: {  	_ =	shalt  }
0x51: {  	_ =	shalt  }
0x52: {  	_ =	shalt  }
0x53: {  	_ =	shalt  }
0x54: {  	_ =	shalt  }
0x55: {  	_ =	shalt  }
0x56: {  	_ =	shalt  }
0x57: {  	_ =	shalt  }
0x58: {  	_ =	shalt  }
0x59: {  	_ =	shalt  }
0x5a: {  	_ =	shalt  }
0x5b: {  	_ =	shalt  }
0x5c: {  	_ =	shalt  }
0x5d: {  	_ =	shalt  }
0x5e: {  	_ =	shalt  }
0x5f: {  	_ =	shalt  }
0x60: {  	_ =	shalt  }
0x61: {  	_ =	shalt  }
0x62: {  	_ =	shalt  }
0x63: {  	_ =	shalt  }
0x64: {  	_ =	shalt  }
0x65: {  	_ =	shalt  }
0x66: {  	_ =	shalt  }
0x67: {  	_ =	shalt  }
0x68: {  	_ =	shalt  }
0x69: {  	_ =	shalt  }
0x6a: {  	_ =	shalt  }
0x6b: {  	_ =	shalt  }
0x6c: {  	_ =	shalt  }
0x6d: {  	_ =	shalt  }
0x6e: {  	_ =	shalt  }
0x6f: {  	_ =	shalt  }
0x70: {  	_ =	shalt  }
0x71: {  	_ =	shalt  }
0x72: {  	_ =	shalt  }
0x73: {  	_ =	shalt  }
0x74: {  	_ =	shalt  }
0x75: {  	_ =	shalt  }
0x76: {  	_ =	shalt  }
0x77: {  	_ =	shalt  }
0x78: {  	_ =	shalt  }
0x79: {  	_ =	shalt  }
0x7a: {  	_ =	shalt  }
0x7b: {  	_ =	shalt  }
0x7c: {  	_ =	shalt  }
0x7d: {  	_ =	shalt  }
0x7e: {  	_ =	shalt  }
0x7f: {  	_ =	shalt  }
0x80: {  	_ =	shalt  }
0x81: {  	_ =	shalt  }
0x82: {  	_ =	shalt  }
0x83: {  	_ =	shalt  }
0x84: {  	_ =	shalt  }
0x85: {  	_ =	shalt  }
0x86: {  	_ =	shalt  }
0x87: {  	_ =	shalt  }
.Lfunc_end0:
.L_simem_size_0:
called_computation.1_lowered:
.L_overlay_start_0:
0x88: {  	s2 =	sld [smem:$0x3FD9]  }
0x89: {  	s3 =	sld [smem:$0x3FFE];
	_ =	sdelay $0x1  }
0x8a: {  	s1 =	srdreg.scid  }
0x8b: {  	s0 =	sand.u32 $0x1, s1  }
0x8c: {  	s17 =	sshll.u32 s0, $0xA;
	s2 =	sadd.s32 s3, s2  }
0x8d: {  	s2 =	sadd.s32 s2, s17  }
0x8e: {  	[smem:$0x3FC5] =	sst s2  }
0x8f: {  	_ = 	snop  }
0x90: {  	s2 =	sld [smem:$0x3FD0];
	(tm) =	ssettm $0x1  }
0x91: {  	s18 =	sld [smem:$0x3FFB];
	_ =	sdelay $0x3  }
0x92: {  	_ =	strace s18  }
0x93: {  	s3 =	sld [smem:$0x3FFC];
	_ =	sdelay $0x3  }
0x94: {  	_ =	strace s3  }
0x95: {  	s3 =	sld [smem:$0x3FFD];
	_ =	sdelay $0x3  }
0x96: {  	_ =	strace s3  }
0x97: {  	_ =	strace $0x8FFFFFFF  }
0x98: {  	s19 =	sld [smem:$0x3FDB];
	_ =	sdelay $0x1  }
0x99: {  	s4 =	simm.s32 $_scs_section_size  }
0x9a: {  	s5 =	simm.s32 $_size__tile_overlayer_lowered;
	s6 =	simm.s32 $_tile_overlayer_lowered  }
0x9b: {  	s22 =	simm.s32 $0x1BFF;
	s21 =	sshll.u32 s6, $0x1;
	s3 =	sadd.s32 s4, s19  }
0x9c: {  	s7 =	simm.s32 $0x0;
	s20 =	sshll.u32 s5, $0x1;
	s5 =	sadd.s32 s21, s3  }
0x9d: {  	[timem:s7], [sflag:s22] =	dma.local [hbm:s5], s20  }
0x9e: {  	_ =	swait.ge [sflag:s22], s20  }
0x9f: {  	s4 =	ssub.s32 $0x0, s20;
	[sflag:s22] =	ssyncset.done $0x0  }
0xa0: {  	[sflag:s22] =	ssyncadd.s32 s4;
	_ =	sdelay $0x1  }
0xa1: {  	s23 =	simm.s32 $0x1B8B  }
0xa2: {  	_ =	swait.ge [sflag:s23], $0x1  }
0xa3: {  	[sflag:s23] =	ssyncset.done $0x0  }
0xa4: {  	s25 =	simm.s32 $0x1B8E;
	s24 =	sld [smem:$0x3FFE];
	[sflag:s23] =	ssyncadd.s32 $0xFFFFFFFF  }
0xa5: {  	s26 =	simm.s32 $execute0_lowered;
	[smem:$0x3FD2] =	sst s25  }
0xa6: {  	s5 =	sshll.u32 s26, $0x1;
	_ =	strace $0x80000046;
	[dreg:$0x1] =	wrdreg $0xFFFFFFFF  }
0xa7: {  	s28 =	simm.s32 $_size_execute0_lowered;
	s3 =	sadd.s32 s3, s5;
	[dreg:$0x0] =	wrdreg $0x0  }
0xa8: {  	s5 =	sshll.u32 s28, $0x1;
	[dreg:$0x2] =	wrdreg s3  }
0xa9: {  	[dreg:$0x3] =	wrdreg s5  }
0xaa: {  	[dreg:$0x4] =	wrdreg $0xC0  }
0xab: {  	_ =	task [dreg:s7], $0x5FFFF  }
0xac: {  	[dreg:$0x1] =	wrdreg $0xFFFFFFFF  }
0xad: {  	[dreg:$0x0] =	wrdreg $0x60  }
0xae: {  	[dreg:$0x2] =	wrdreg s24  }
0xaf: {  	[dreg:$0x3] =	wrdreg s2  }
0xb0: {  	[dreg:$0x4] =	wrdreg $0x9  }
0xb1: {  	_ =	task.clear_ibuf [dreg:s7], $0x5FFFF;
	_ =	strace $0x90000046  }
0xb2: {  	s29 =	simm.s32 $0x9;
	_ =	strace $0x80000048  }
0xb3: {  	_ =	swait.ge [sflag:s29], $0x1  }
0xb4: {  	[sflag:s29] =	ssyncadd.s32 $0xFFFFFFFF  }
0xb5: {  	_ =	strace $0x90000048  }
0xb6: {  	_ =	sfence  }
0xb7: {  	s30 =	sld [smem:$0x0];
	_ =	sdelay $0x2  }
0xb8: {  	s31 =	sshll.u32 s1, $0xD;
	s1 =	sshrl.u32 s1, $0x2  }
0xb9: {  	s3 =	sand.u32 $0x4000, s31;
	s1 =	sadd.s32 s1, s30  }
0xba: {  	s0 =	sor.u32 s3, s0;
	s1 =	sshll.u32 s1, $0x11  }
0xbb: {  	s0 =	sor.u32 s1, s0  }
0xbc: {  	s0 =	sadd.s32 $0x8F2B, s0  }
0xbd: {  	[sflag:s0] =	ssyncadd.remote.s32 $0x1  }
0xbe: {  	_ =	sfence.sel $0xFFFF  }
0xbf: {  	[dreg:$0x0] =	wrdreg $0xFFFFFFFF;
	(pc) =	sbr.abs _section_cstart, $3  }
0xc0: {  	[dreg:$0x1] =	wrdreg $0xFFFFFFFF  }
0xc1: {  	_ =	task.clear_ibuf [dreg:s7], $0x2FFFF;
	_ =	strace $0x9FFFFFFF  }
0xc2: {  	(tm) =	ssettm $0x7FFFFFFF  }
0xc3: {  	_ =	shalt  }
tec
execute0_lowered:
.L_overlay_start_1:
0x0: {  	(tag) =	ssettag $0x1  }
0x1: {  	s0 =	srdreg.scid  }
0x2: {  	s1 =	stileid.u32;
	s2 =	rddreg [dreg:$0x0]  }
0x3: {  	s4 =	simm.s32 $0x0;
	s0 =	sand.u32 $0x1, s0;
	s1 =	sshll.u32 s1, $0x1  }
0x4: {  	[smem:$0x7FF] =	sst s4;
	s1 =	sor.u32 s0, s1;
	s0 =	ssub.s32 $0x2, s0  }
0x5: {  	s5 =	sadd.s32 $0xF43000, s2;
	s25 =	smul.u32 $0x6400, s1;
	s3 =	sshrl.u32 s0, $0x1  }
0x6: {  	_ =	strace $0x80000047;
	[dreg:$0x4] =	wrdreg s5;
	s0 =	ssub.s32 s0, s3  }
0x7: {  	s1 =	sshrl.u32 s25, $0x3;
	s0 =	smax.u32 s0, $0x1;
	[dreg:$0x3] =	wrdreg s25  }
0x8: {  	s1 =	sadd.s32 s1, s2;
	s2 =	sadd.s32 $0x19C00, s2;
	[dreg:$0x7] =	wrdreg s0  }
0x9: {  	[dreg:$0x5] =	wrdreg s2;
	s1 =	sadd.s32 $0xC00, s1  }
0xa: {  	s5 =	simm.s32 $0xE400;
	s2 =	simm.s32 $0x0;
	[dreg:$0x6] =	wrdreg s1  }
.LBB2_1:
0xb: {  	[dreg:$0x8] =	wrdreg s2;
	s1 =	simm.s32 $0x16400  }
0xc: {  	s0 =	rddreg [dreg:$0x5];
	s26 =	simm.s32 $0x16400;
	s16 =	simm.s32 $0x5  }
0xd: {  	s25 =	simm.s32 $0x80;
	s2 =	simm.s32 $0x6400;
	s6 =	simm.s32 $0x8400  }
0xe: {  	s7 =	simm.s32 $0x100;
	s8 =	simm.s32 $0xA400;
	s9 =	simm.s32 $0x180  }
0xf: {  	s10 =	simm.s32 $0xC400;
	s31 =	simm.s32 $0x16440;
	s29 =	simm.s32 $0x16480  }
0x10: {  	s23 =	simm.s32 $0x16540;
	s17 =	simm.s32 $0x165F0;
	s12 =	simm.s32 $0x7  }
0x11: {  	s19 =	simm.s32 $0x16580;
	s15 =	simm.s32 $0x6;
	s18 =	simm.s32 $0x200  }
0x12: {  	[tilespmem:s1], [sflag:$0x5] =	stream.linear.gather [hbm4b:s0+s4], $0x3200, $0x38;
	[tilespmem:$0x19600] =	vst v63  }
0x13: {  	s28 =	simm.s32 $0x1E5F0;
	s20 =	simm.s32 $0x207;
	_ =	swait.ge [sflag:s16], $0x3200  }
0x14: {  	s11 =	simm.s32 $0x1E400;
	s13 =	simm.s32 $0x1E440;
	[sflag:s16] =	ssyncset.done $0x0  }
0x15: {  	s21 =	simm.s32 $0x201;
	s24 =	rddreg [dreg:$0x6];
	[sflag:s16] =	ssyncadd.s32 $0xFFFFCE00  }
0x16: {  	[tilespmem:s4], [sflag:$0x5] =	stream.linear.gather [hbm4b:s24+s4], $0x6400, $0x38;
	[tilespmem:$0x19600] =	vst v63  }
0x17: {  	s14 =	simm.s32 $0x1E5B0;
	_ =	swait.ge [sflag:s16], $0x6400;
	[dreg:$0x14] =	wrdreg s11  }
0x18: {  	s22 =	simm.s32 $0x1E570;
	s30 =	simm.s32 $0x205;
	[dreg:$0x15] =	wrdreg s13  }
0x19: {  	s0 =	simm.s32 $0x202;
	[dreg:$0x17] =	wrdreg s14;
	[sflag:s16] =	ssyncset.done $0x0  }
0x1a: {  	s1 =	simm.s32 $0x204;
	s3 =	rddreg [dreg:$0x4];
	[sflag:s16] =	ssyncadd.s32 $0xFFFF9C00  }
0x1b: {  	[tilespmem:s2], [sflag:$0x1] =	stream.indirect.gather [hbm4b:s3+s25], $0x40, s4, s25, $0xb8;
	[tilespmem:$0x19600] =	vst v63  }
0x1c: {  	s24 =	simm.s32 $0x206;
	[dreg:$0x19] =	wrdreg s22;
	s13 =	simm.s32 $0x4  }
0x1d: {  	[tilespmem:s6], [sflag:$0x1] =	stream.indirect.gather [hbm4b:s3+s25], $0x40, s25, s25, $0xb8;
	[tilespmem:$0x19600] =	vst v63  }
0x1e: {  	s14 =	simm.s32 $0x3;
	s22 =	simm.s32 $0x2;
	s11 =	simm.s32 $0x1  }
0x1f: {  	[tilespmem:s8], [sflag:$0x1] =	stream.indirect.gather [hbm4b:s3+s25], $0x40, s7, s25, $0xb8;
	[tilespmem:$0x19600] =	vst v63  }
0x20: {  	s2 =	simm.s32 $0x1E530;
	s4 =	simm.s32 $0x1E4F0;
	s6 =	simm.s32 $0x0  }
0x21: {  	[tilespmem:s10], [sflag:$0x1] =	stream.indirect.gather [hbm4b:s3+s25], $0x40, s9, s25, $0xb8;
	[tilespmem:$0x19600] =	vst v63  }
0x22: {  	s7 =	simm.s32 $0x164C0;
	s8 =	simm.s32 $0x16530;
	s25 =	simm.s32 $0x1E480  }
0x23: {  	s3 =	simm.s32 $0x203;
	s9 =	simm.s32 $0x0;
	[dreg:$0x1b] =	wrdreg s25  }
.LBB2_2:
0x24: {  	[dreg:$0x1c] =	wrdreg s0  }
0x25: {  	[dreg:$0x1d] =	wrdreg s1  }
0x26: {  	[dreg:$0x1e] =	wrdreg s3;
	p0 =	seq.s32 s6, $0x0  }
0x27: {  	[dreg:$0x12] =	wrdreg s28;
	s3 =	simm.s32 @!p0 $0x4  }
0x28: {  	s25 =	smulhi.u32 $0x51EB851F, s9;
	_ =	swait.ge @!p0 [sflag:s3], $0x8000  }
0x29: {  	s0 =	sshll.u32 s6, $0xA;
	[smem:$0x7F5] =	sst s6  }
0x2a: {  	s1 =	sshrl.u32 s25, $0x6;
	s25 =	sor.u32 $0x200, s0;
	[smem:$0x7F6] =	sst s0  }
0x2b: {  	[sflag:s3] =	ssyncset.done @!p0 $0x0;
	s10 =	smul.u32 $0xC8, s1;
	s0 =	rddreg [dreg:$0x4]  }
0x2c: {  	s6 =	simm.s32 $0x80;
	[smem:$0x7F7] =	sst s9;
	[sflag:s3] =	ssyncadd.s32 @!p0 $0xFFFF8000  }
0x2d: {  	[tilespmem:s5], [sflag:$0x2] =	stream.indirect.gather [hbm4b:s0+s6], $0x40, s25, s6, $0xb8;
	[tilespmem:$0x19600] =	vst v63  }
0x2e: {  	s28 =	ssub.s32 s9, s10;
	s5 =	sadd.s32 $0x80, s25;
	s9 =	simm.s32 $0x10400  }
0x2f: {  	[tilespmem:s9], [sflag:$0x2] =	stream.indirect.gather [hbm4b:s0+s6], $0x40, s5, s6, $0xb8;
	[tilespmem:$0x19600] =	vst v63  }
0x30: {  	s3 =	sadd.s32 $0x100, s25;
	s5 =	smulhi.u32 $0x51EB851F, s28;
	s9 =	simm.s32 $0x12400  }
0x31: {  	[tilespmem:s9], [sflag:$0x2] =	stream.indirect.gather [hbm4b:s0+s6], $0x40, s3, s6, $0xb8;
	[tilespmem:$0x19600] =	vst v63  }
0x32: {  	s1 =	smul.u32 $0xFFFF3800, s1;
	[smem:$0x7F8] =	sst s25;
	s5 =	sshrl.u32 s5, $0x6  }
0x33: {  	s9 =	sadd.s32 $0x180, s25;
	s25 =	simm.s32 $0x14400;
	s3 =	smul.u32 $0xFFFF3800, s5  }
0x34: {  	[tilespmem:s25], [sflag:$0x2] =	stream.indirect.gather [hbm4b:s0+s6], $0x40, s9, s6, $0xb8;
	[tilespmem:$0x19600] =	vst v63  }
0x35: {  	s6 =	simm.s32 $0x1;
	s9 =	sshra.s32 s1, $0x2  }
0x36: {  	s0 =	smov.u32 s26;
	_ =	swait.ge [sflag:s6], $0x8000;
	s3 =	sshra.s32 s3, $0x2  }
0x37: {  	[sflag:s6] =	ssyncset.done $0x0;
	s25 =	sadd.s32 s3, s26;
	s26 =	smov.u32 s11  }
0x38: {  	s11 =	simm.s32 $0x0;
	[sflag:s6] =	ssyncadd.s32 $0xFFFF8000;
	s1 =	sadd.s32 s9, s25  }
0x39: {  	v0 =	vld [tilespmem:s11+$0x6400];
	s1 =	sadd.s32 $0x0, s1  }
0x3a: {  	v1 =	vld [tilespmem:s1+$0x0];
	_ =	sdelay $0x4  }
0x3b: {  	v0 =	vadd.f32 v1, v0;
	_ =	sdelay $0x1  }
0x3c: {  	[tilespmem:s11+$0x6400] =	vst v0;
	v0 =	vld [tilespmem:s11+$0x6410]  }
0x3d: {  	v1 =	vld [tilespmem:s1+$0x10];
	_ =	sdelay $0x4  }
0x3e: {  	v0 =	vadd.f32 v1, v0;
	_ =	sdelay $0x1  }
0x3f: {  	[tilespmem:s11+$0x6410] =	vst v0;
	v0 =	vld [tilespmem:s11+$0x6420]  }
0x40: {  	v1 =	vld [tilespmem:s1+$0x20];
	_ =	sdelay $0x4  }
0x41: {  	v0 =	vadd.f32 v1, v0  }
0x42: {  	[smem:$0x7F9] =	sst s26;
	s26 =	ssub.s32 s26, s10  }
0x43: {  	s3 =	smulhi.u32 $0x51EB851F, s26;
	[tilespmem:s11+$0x6420] =	vst v0;
	v0 =	vld [tilespmem:s11+$0x6430]  }
0x44: {  	v1 =	vld [tilespmem:s1+$0x30]  }
0x45: {  	s5 =	sshrl.u32 s3, $0x6  }
0x46: {  	s1 =	smul.u32 $0xFFFF3800, s5;
	_ =	sdelay $0x1  }
0x47: {  	s1 =	sshra.s32 s1, $0x2  }
0x48: {  	s1 =	sadd.s32 s1, s31;
	v0 =	vadd.f32 v1, v0  }
0x49: {  	s1 =	sadd.s32 s9, s1  }
0x4a: {  	s1 =	sadd.s32 $0x0, s1;
	[tilespmem:s11+$0x6430] =	vst v0;
	v0 =	vld [tilespmem:s11+$0x6440]  }
0x4b: {  	v1 =	vld [tilespmem:s1+$0x0];
	_ =	sdelay $0x4  }
0x4c: {  	v0 =	vadd.f32 v1, v0;
	_ =	sdelay $0x1  }
0x4d: {  	[tilespmem:s11+$0x6440] =	vst v0;
	v0 =	vld [tilespmem:s11+$0x6450]  }
0x4e: {  	v1 =	vld [tilespmem:s1+$0x10];
	_ =	sdelay $0x4  }
0x4f: {  	v0 =	vadd.f32 v1, v0;
	_ =	sdelay $0x1  }
0x50: {  	[tilespmem:s11+$0x6450] =	vst v0;
	v0 =	vld [tilespmem:s11+$0x6460]  }
0x51: {  	v1 =	vld [tilespmem:s1+$0x20];
	_ =	sdelay $0x4  }
0x52: {  	v0 =	vadd.f32 v1, v0  }
0x53: {  	s5 =	ssub.s32 s22, s10  }
0x54: {  	s6 =	smulhi.u32 $0x51EB851F, s5;
	[tilespmem:s11+$0x6460] =	vst v0;
	v0 =	vld [tilespmem:s11+$0x6470]  }
0x55: {  	v1 =	vld [tilespmem:s1+$0x30]  }
0x56: {  	[smem:$0x7FA] =	sst s22;
	s22 =	sshrl.u32 s6, $0x6  }
0x57: {  	s1 =	smul.u32 $0xFFFF3800, s22;
	_ =	sdelay $0x1  }
0x58: {  	s1 =	sshra.s32 s1, $0x2  }
0x59: {  	s1 =	sadd.s32 s1, s29;
	v0 =	vadd.f32 v1, v0  }
0x5a: {  	s1 =	sadd.s32 s9, s1  }
0x5b: {  	s1 =	sadd.s32 $0x0, s1;
	[tilespmem:s11+$0x6470] =	vst v0;
	v0 =	vld [tilespmem:s11+$0x6480]  }
0x5c: {  	v1 =	vld [tilespmem:s1+$0x0];
	_ =	sdelay $0x4  }
0x5d: {  	v0 =	vadd.f32 v1, v0;
	_ =	sdelay $0x1  }
0x5e: {  	[tilespmem:s11+$0x6480] =	vst v0;
	v0 =	vld [tilespmem:s11+$0x6490]  }
0x5f: {  	v1 =	vld [tilespmem:s1+$0x10];
	_ =	sdelay $0x4  }
0x60: {  	v0 =	vadd.f32 v1, v0;
	_ =	sdelay $0x1  }
0x61: {  	[tilespmem:s11+$0x6490] =	vst v0;
	v0 =	vld [tilespmem:s11+$0x64A0]  }
0x62: {  	v1 =	vld [tilespmem:s1+$0x20];
	_ =	sdelay $0x4  }
0x63: {  	v0 =	vadd.f32 v1, v0  }
0x64: {  	[smem:$0x7FB] =	sst s14;
	s14 =	ssub.s32 s14, s10  }
0x65: {  	s25 =	smulhi.u32 $0x51EB851F, s14;
	[tilespmem:s11+$0x64A0] =	vst v0;
	v0 =	vld [tilespmem:s11+$0x64B0]  }
0x66: {  	v1 =	vld [tilespmem:s1+$0x30]  }
0x67: {  	s3 =	sshrl.u32 s25, $0x6  }
0x68: {  	s1 =	smul.u32 $0xFFFF3800, s3;
	_ =	sdelay $0x1  }
0x69: {  	s1 =	sshra.s32 s1, $0x2  }
0x6a: {  	s1 =	sadd.s32 s1, s7;
	v0 =	vadd.f32 v1, v0  }
0x6b: {  	s1 =	sadd.s32 s9, s1  }
0x6c: {  	s1 =	sadd.s32 $0x0, s1;
	[tilespmem:s11+$0x64B0] =	vst v0;
	v0 =	vld [tilespmem:s11+$0x64C0]  }
0x6d: {  	v1 =	vld [tilespmem:s1+$0x0];
	_ =	sdelay $0x4  }
0x6e: {  	v0 =	vadd.f32 v1, v0;
	_ =	sdelay $0x1  }
0x6f: {  	[tilespmem:s11+$0x64C0] =	vst v0;
	v0 =	vld [tilespmem:s11+$0x64D0]  }
0x70: {  	v1 =	vld [tilespmem:s1+$0x10];
	_ =	sdelay $0x4  }
0x71: {  	v0 =	vadd.f32 v1, v0;
	_ =	sdelay $0x1  }
0x72: {  	[tilespmem:s11+$0x64D0] =	vst v0;
	v0 =	vld [tilespmem:s11+$0x64E0]  }
0x73: {  	v1 =	vld [tilespmem:s1+$0x20];
	_ =	sdelay $0x4  }
0x74: {  	v0 =	vadd.f32 v1, v0  }
0x75: {  	[dreg:$0x1f] =	wrdreg s13;
	s13 =	ssub.s32 s13, s10  }
0x76: {  	s6 =	smulhi.u32 $0x51EB851F, s13;
	[tilespmem:s11+$0x64E0] =	vst v0;
	v0 =	vld [tilespmem:s11+$0x64F0]  }
0x77: {  	v1 =	vld [tilespmem:s1+$0x30]  }
0x78: {  	s22 =	sshrl.u32 s6, $0x6  }
0x79: {  	s1 =	smul.u32 $0xFFFF3800, s22;
	_ =	sdelay $0x1  }
0x7a: {  	s1 =	sshra.s32 s1, $0x2  }
0x7b: {  	s1 =	sadd.s32 s1, s8;
	v0 =	vadd.f32 v1, v0  }
0x7c: {  	s1 =	sadd.s32 s9, s1  }
0x7d: {  	s1 =	sadd.s32 $0x0, s1;
	[tilespmem:s11+$0x64F0] =	vst v0;
	v0 =	vld [tilespmem:s11+$0x6500]  }
0x7e: {  	v1 =	vld [tilespmem:s1+$0xFFFFFFD0];
	_ =	sdelay $0x4  }
0x7f: {  	v0 =	vadd.f32 v1, v0;
	_ =	sdelay $0x1  }
0x80: {  	[tilespmem:s11+$0x6500] =	vst v0;
	v0 =	vld [tilespmem:s11+$0x6510]  }
0x81: {  	v1 =	vld [tilespmem:s1+$0xFFFFFFE0];
	_ =	sdelay $0x4  }
0x82: {  	v0 =	vadd.f32 v1, v0;
	_ =	sdelay $0x1  }
0x83: {  	[tilespmem:s11+$0x6510] =	vst v0;
	v0 =	vld [tilespmem:s11+$0x6520]  }
0x84: {  	v1 =	vld [tilespmem:s1+$0xFFFFFFF0];
	_ =	sdelay $0x4  }
0x85: {  	v0 =	vadd.f32 v1, v0  }
0x86: {  	s6 =	ssub.s32 s16, s10  }
0x87: {  	s25 =	smulhi.u32 $0x51EB851F, s6;
	[tilespmem:s11+$0x6520] =	vst v0;
	v0 =	vld [tilespmem:s11+$0x6530]  }
0x88: {  	v1 =	vld [tilespmem:s1+$0x0]  }
0x89: {  	[dreg:$0x9] =	wrdreg s16;
	s16 =	sshrl.u32 s25, $0x6  }
0x8a: {  	s1 =	smul.u32 $0xFFFF3800, s16;
	_ =	sdelay $0x1  }
0x8b: {  	s1 =	sshra.s32 s1, $0x2  }
0x8c: {  	s1 =	sadd.s32 s1, s23;
	v0 =	vadd.f32 v1, v0  }
0x8d: {  	s1 =	sadd.s32 s9, s1  }
0x8e: {  	s1 =	sadd.s32 $0x0, s1;
	[tilespmem:s11+$0x6530] =	vst v0;
	v0 =	vld [tilespmem:s11+$0x6540]  }
0x8f: {  	v1 =	vld [tilespmem:s1+$0x0];
	_ =	sdelay $0x4  }
0x90: {  	v0 =	vadd.f32 v1, v0;
	_ =	sdelay $0x1  }
0x91: {  	[tilespmem:s11+$0x6540] =	vst v0;
	v0 =	vld [tilespmem:s11+$0x6550]  }
0x92: {  	v1 =	vld [tilespmem:s1+$0x10];
	_ =	sdelay $0x4  }
0x93: {  	v0 =	vadd.f32 v1, v0;
	_ =	sdelay $0x1  }
0x94: {  	[tilespmem:s11+$0x6550] =	vst v0;
	v0 =	vld [tilespmem:s11+$0x6560]  }
0x95: {  	v1 =	vld [tilespmem:s1+$0x20];
	_ =	sdelay $0x4  }
0x96: {  	v0 =	vadd.f32 v1, v0  }
0x97: {  	s3 =	ssub.s32 s15, s10  }
0x98: {  	s22 =	smulhi.u32 $0x51EB851F, s3;
	[tilespmem:s11+$0x6560] =	vst v0;
	v0 =	vld [tilespmem:s11+$0x6570]  }
0x99: {  	v1 =	vld [tilespmem:s1+$0x30]  }
0x9a: {  	s25 =	sshrl.u32 s22, $0x6  }
0x9b: {  	s1 =	smul.u32 $0xFFFF3800, s25;
	_ =	sdelay $0x1  }
0x9c: {  	s1 =	sshra.s32 s1, $0x2  }
0x9d: {  	s1 =	sadd.s32 s1, s19;
	v0 =	vadd.f32 v1, v0  }
0x9e: {  	s1 =	sadd.s32 s9, s1  }
0x9f: {  	s1 =	sadd.s32 $0x0, s1;
	[tilespmem:s11+$0x6570] =	vst v0;
	v0 =	vld [tilespmem:s11+$0x6580]  }
0xa0: {  	v1 =	vld [tilespmem:s1+$0x0];
	_ =	sdelay $0x4  }
0xa1: {  	v0 =	vadd.f32 v1, v0;
	_ =	sdelay $0x1  }
0xa2: {  	[tilespmem:s11+$0x6580] =	vst v0;
	v0 =	vld [tilespmem:s11+$0x6590]  }
0xa3: {  	v1 =	vld [tilespmem:s1+$0x10];
	_ =	sdelay $0x4  }
0xa4: {  	v0 =	vadd.f32 v1, v0;
	_ =	sdelay $0x1  }
0xa5: {  	[tilespmem:s11+$0x6590] =	vst v0;
	v0 =	vld [tilespmem:s11+$0x65A0]  }
0xa6: {  	v1 =	vld [tilespmem:s1+$0x20];
	_ =	sdelay $0x4  }
0xa7: {  	v0 =	vadd.f32 v1, v0  }
0xa8: {  	s25 =	ssub.s32 s12, s10  }
0xa9: {  	s10 =	smulhi.u32 $0x51EB851F, s25;
	[tilespmem:s11+$0x65A0] =	vst v0;
	v0 =	vld [tilespmem:s11+$0x65B0]  }
0xaa: {  	v1 =	vld [tilespmem:s1+$0x30]  }
0xab: {  	[dreg:$0x10] =	wrdreg s15;
	s15 =	sshrl.u32 s10, $0x6  }
0xac: {  	s1 =	smul.u32 $0xFFFF3800, s15;
	_ =	sdelay $0x1  }
0xad: {  	s1 =	sshra.s32 s1, $0x2  }
0xae: {  	s1 =	sadd.s32 s1, s17;
	v0 =	vadd.f32 v1, v0  }
0xaf: {  	s1 =	sadd.s32 s9, s1  }
0xb0: {  	[dreg:$0xe] =	wrdreg s12;
	s12 =	smov.u32 s31;
	s31 =	sadd.s32 $0x0, s1;
	[tilespmem:s11+$0x65B0] =	vst v0;
	v0 =	vld [tilespmem:s11+$0x65C0]  }
0xb1: {  	v1 =	vld [tilespmem:s31+$0xFFFFFFD0];
	_ =	sdelay $0x4  }
0xb2: {  	v0 =	vadd.f32 v1, v0;
	_ =	sdelay $0x1  }
0xb3: {  	[tilespmem:s11+$0x65C0] =	vst v0;
	v0 =	vld [tilespmem:s11+$0x65D0]  }
0xb4: {  	v1 =	vld [tilespmem:s31+$0xFFFFFFE0];
	_ =	sdelay $0x4  }
0xb5: {  	[dreg:$0x13] =	wrdreg s20;
	s16 =	smulhi.u32 $0x51EB851F, s18;
	v0 =	vadd.f32 v1, v0  }
0xb6: {  	[dreg:$0x11] =	wrdreg s18  }
0xb7: {  	[dreg:$0x16] =	wrdreg s21;
	s1 =	sshrl.u32 s16, $0x6;
	[tilespmem:s11+$0x65D0] =	vst v0;
	v0 =	vld [tilespmem:s11+$0x65E0]  }
0xb8: {  	[dreg:$0x18] =	wrdreg s24;
	s16 =	smul.u32 $0xC8, s1;
	v1 =	vld [tilespmem:s31+$0xFFFFFFF0]  }
0xb9: {  	[dreg:$0x1a] =	wrdreg s30;
	s1 =	smul.u32 $0xFFFF3800, s1  }
0xba: {  	s10 =	rddreg [dreg:$0x1d];
	s15 =	smov.u32 s29;
	s29 =	sadd.s32 $0x8, s28  }
0xbb: {  	s28 =	simm.s32 $0x800;
	[smem:$0x7FC] =	sst s1;
	s22 =	ssub.s32 s20, s16  }
0xbc: {  	s18 =	ssub.s32 s18, s16;
	s21 =	ssub.s32 s21, s16;
	s20 =	rddreg [dreg:$0x1c]  }
0xbd: {  	s24 =	ssub.s32 s24, s16;
	s10 =	ssub.s32 s10, s16;
	s1 =	rddreg [dreg:$0x1e];
	v0 =	vadd.f32 v1, v0  }
0xbe: {  	[smem:$0x7FD] =	sst s18;
	s18 =	ssub.s32 s30, s16;
	s20 =	ssub.s32 s20, s16  }
0xbf: {  	s16 =	ssub.s32 s1, s16;
	s1 =	smulhi.u32 $0x51EB851F, s29;
	s30 =	simm.s32 $0x1000;
	[tilespmem:s11+$0x65E0] =	vst v0;
	v0 =	vld [tilespmem:s11+$0x65F0]  }
.LBB2_3:
0xc0: {  	p0 =	sne.s32 s30, $0x1F800;
	v1 =	vld [tilespmem:s31+$0x0]  }
0xc1: {  	s1 =	sshrl.u32 s1, $0x6  }
0xc2: {  	s1 =	smul.u32 $0xFFFF3800, s1;
	_ =	sdelay $0x1  }
0xc3: {  	s1 =	sshra.s32 s1, $0x2  }
0xc4: {  	s1 =	sadd.s32 s1, s0;
	v0 =	vadd.f32 v1, v0  }
0xc5: {  	s31 =	sshra.s32 s28, $0x2;
	s28 =	smov.u32 s30;
	s1 =	sadd.s32 s9, s1  }
0xc6: {  	v1 =	vld [tilespmem:s31+$0x6400];
	s1 =	sadd.s32 s31, s1;
	[tilespmem:s11+$0x65F0] =	vst v0;
	s11 =	smov.u32 s31  }
0xc7: {  	v0 =	vld [tilespmem:s1+$0x0];
	_ =	sdelay $0x4  }
0xc8: {  	v0 =	vadd.f32 v0, v1;
	_ =	sdelay $0x1  }
0xc9: {  	[tilespmem:s11+$0x6400] =	vst v0;
	v0 =	vld [tilespmem:s11+$0x6410]  }
0xca: {  	v1 =	vld [tilespmem:s1+$0x10];
	_ =	sdelay $0x4  }
0xcb: {  	v0 =	vadd.f32 v1, v0;
	_ =	sdelay $0x1  }
0xcc: {  	[tilespmem:s11+$0x6410] =	vst v0;
	v0 =	vld [tilespmem:s11+$0x6420]  }
0xcd: {  	v1 =	vld [tilespmem:s1+$0x20];
	_ =	sdelay $0x4  }
0xce: {  	v0 =	vadd.f32 v1, v0  }
0xcf: {  	s26 =	sadd.s32 $0x8, s26  }
0xd0: {  	s31 =	smulhi.u32 $0x51EB851F, s26;
	[tilespmem:s11+$0x6420] =	vst v0;
	v0 =	vld [tilespmem:s11+$0x6430]  }
0xd1: {  	v1 =	vld [tilespmem:s1+$0x30]  }
0xd2: {  	s1 =	sshrl.u32 s31, $0x6  }
0xd3: {  	s1 =	smul.u32 $0xFFFF3800, s1;
	_ =	sdelay $0x1  }
0xd4: {  	s1 =	sshra.s32 s1, $0x2  }
0xd5: {  	s1 =	sadd.s32 s1, s12;
	v0 =	vadd.f32 v1, v0  }
0xd6: {  	s1 =	sadd.s32 s9, s1  }
0xd7: {  	s1 =	sadd.s32 s11, s1;
	[tilespmem:s11+$0x6430] =	vst v0;
	v0 =	vld [tilespmem:s11+$0x6440]  }
0xd8: {  	v1 =	vld [tilespmem:s1+$0x0];
	_ =	sdelay $0x4  }
0xd9: {  	v0 =	vadd.f32 v1, v0;
	_ =	sdelay $0x1  }
0xda: {  	[tilespmem:s11+$0x6440] =	vst v0;
	v0 =	vld [tilespmem:s11+$0x6450]  }
0xdb: {  	v1 =	vld [tilespmem:s1+$0x10];
	_ =	sdelay $0x4  }
0xdc: {  	v0 =	vadd.f32 v1, v0;
	_ =	sdelay $0x1  }
0xdd: {  	[tilespmem:s11+$0x6450] =	vst v0;
	v0 =	vld [tilespmem:s11+$0x6460]  }
0xde: {  	v1 =	vld [tilespmem:s1+$0x20];
	_ =	sdelay $0x4  }
0xdf: {  	v0 =	vadd.f32 v1, v0  }
0xe0: {  	s5 =	sadd.s32 $0x8, s5  }
0xe1: {  	s31 =	smulhi.u32 $0x51EB851F, s5;
	[tilespmem:s11+$0x6460] =	vst v0;
	v0 =	vld [tilespmem:s11+$0x6470]  }
0xe2: {  	v1 =	vld [tilespmem:s1+$0x30]  }
0xe3: {  	s1 =	sshrl.u32 s31, $0x6  }
0xe4: {  	s1 =	smul.u32 $0xFFFF3800, s1;
	_ =	sdelay $0x1  }
0xe5: {  	s1 =	sshra.s32 s1, $0x2  }
0xe6: {  	s1 =	sadd.s32 s1, s15;
	v0 =	vadd.f32 v1, v0  }
0xe7: {  	s1 =	sadd.s32 s9, s1  }
0xe8: {  	s1 =	sadd.s32 s11, s1;
	[tilespmem:s11+$0x6470] =	vst v0;
	v0 =	vld [tilespmem:s11+$0x6480]  }
0xe9: {  	v1 =	vld [tilespmem:s1+$0x0];
	_ =	sdelay $0x4  }
0xea: {  	v0 =	vadd.f32 v1, v0;
	_ =	sdelay $0x1  }
0xeb: {  	[tilespmem:s11+$0x6480] =	vst v0;
	v0 =	vld [tilespmem:s11+$0x6490]  }
0xec: {  	v1 =	vld [tilespmem:s1+$0x10];
	_ =	sdelay $0x4  }
0xed: {  	v0 =	vadd.f32 v1, v0;
	_ =	sdelay $0x1  }
0xee: {  	[tilespmem:s11+$0x6490] =	vst v0;
	v0 =	vld [tilespmem:s11+$0x64A0]  }
0xef: {  	v1 =	vld [tilespmem:s1+$0x20];
	_ =	sdelay $0x4  }
0xf0: {  	v0 =	vadd.f32 v1, v0  }
0xf1: {  	s14 =	sadd.s32 $0x8, s14  }
0xf2: {  	s31 =	smulhi.u32 $0x51EB851F, s14;
	[tilespmem:s11+$0x64A0] =	vst v0;
	v0 =	vld [tilespmem:s11+$0x64B0]  }
0xf3: {  	v1 =	vld [tilespmem:s1+$0x30]  }
0xf4: {  	s1 =	sshrl.u32 s31, $0x6  }
0xf5: {  	s1 =	smul.u32 $0xFFFF3800, s1;
	_ =	sdelay $0x1  }
0xf6: {  	s1 =	sshra.s32 s1, $0x2  }
0xf7: {  	s1 =	sadd.s32 s1, s7;
	v0 =	vadd.f32 v1, v0  }
0xf8: {  	s1 =	sadd.s32 s9, s1  }
0xf9: {  	s1 =	sadd.s32 s11, s1;
	[tilespmem:s11+$0x64B0] =	vst v0;
	v0 =	vld [tilespmem:s11+$0x64C0]  }
0xfa: {  	v1 =	vld [tilespmem:s1+$0x0];
	_ =	sdelay $0x4  }
0xfb: {  	v0 =	vadd.f32 v1, v0;
	_ =	sdelay $0x1  }
0xfc: {  	[tilespmem:s11+$0x64C0] =	vst v0;
	v0 =	vld [tilespmem:s11+$0x64D0]  }
0xfd: {  	v1 =	vld [tilespmem:s1+$0x10];
	_ =	sdelay $0x4  }
0xfe: {  	v0 =	vadd.f32 v1, v0;
	_ =	sdelay $0x1  }
0xff: {  	[tilespmem:s11+$0x64D0] =	vst v0;
	v0 =	vld [tilespmem:s11+$0x64E0]  }
0x100: {  	v1 =	vld [tilespmem:s1+$0x20];
	_ =	sdelay $0x4  }
0x101: {  	v0 =	vadd.f32 v1, v0  }
0x102: {  	s13 =	sadd.s32 $0x8, s13  }
0x103: {  	s31 =	smulhi.u32 $0x51EB851F, s13;
	[tilespmem:s11+$0x64E0] =	vst v0;
	v0 =	vld [tilespmem:s11+$0x64F0]  }
0x104: {  	v1 =	vld [tilespmem:s1+$0x30]  }
0x105: {  	s1 =	sshrl.u32 s31, $0x6  }
0x106: {  	s1 =	smul.u32 $0xFFFF3800, s1;
	_ =	sdelay $0x1  }
0x107: {  	s1 =	sshra.s32 s1, $0x2  }
0x108: {  	s1 =	sadd.s32 s1, s8;
	v0 =	vadd.f32 v1, v0  }
0x109: {  	s1 =	sadd.s32 s9, s1  }
0x10a: {  	s1 =	sadd.s32 s11, s1;
	[tilespmem:s11+$0x64F0] =	vst v0;
	v0 =	vld [tilespmem:s11+$0x6500]  }
0x10b: {  	v1 =	vld [tilespmem:s1+$0xFFFFFFD0];
	_ =	sdelay $0x4  }
0x10c: {  	v0 =	vadd.f32 v1, v0;
	_ =	sdelay $0x1  }
0x10d: {  	[tilespmem:s11+$0x6500] =	vst v0;
	v0 =	vld [tilespmem:s11+$0x6510]  }
0x10e: {  	v1 =	vld [tilespmem:s1+$0xFFFFFFE0];
	_ =	sdelay $0x4  }
0x10f: {  	v0 =	vadd.f32 v1, v0;
	_ =	sdelay $0x1  }
0x110: {  	[tilespmem:s11+$0x6510] =	vst v0;
	v0 =	vld [tilespmem:s11+$0x6520]  }
0x111: {  	v1 =	vld [tilespmem:s1+$0xFFFFFFF0];
	_ =	sdelay $0x4  }
0x112: {  	v0 =	vadd.f32 v1, v0  }
0x113: {  	s6 =	sadd.s32 $0x8, s6  }
0x114: {  	s31 =	smulhi.u32 $0x51EB851F, s6;
	[tilespmem:s11+$0x6520] =	vst v0;
	v0 =	vld [tilespmem:s11+$0x6530]  }
0x115: {  	v1 =	vld [tilespmem:s1+$0x0]  }
0x116: {  	s1 =	sshrl.u32 s31, $0x6  }
0x117: {  	s1 =	smul.u32 $0xFFFF3800, s1;
	_ =	sdelay $0x1  }
0x118: {  	s1 =	sshra.s32 s1, $0x2  }
0x119: {  	s1 =	sadd.s32 s1, s23;
	v0 =	vadd.f32 v1, v0  }
0x11a: {  	s1 =	sadd.s32 s9, s1  }
0x11b: {  	s1 =	sadd.s32 s11, s1;
	[tilespmem:s11+$0x6530] =	vst v0;
	v0 =	vld [tilespmem:s11+$0x6540]  }
0x11c: {  	v1 =	vld [tilespmem:s1+$0x0];
	_ =	sdelay $0x4  }
0x11d: {  	v0 =	vadd.f32 v1, v0;
	_ =	sdelay $0x1  }
0x11e: {  	[tilespmem:s11+$0x6540] =	vst v0;
	v0 =	vld [tilespmem:s11+$0x6550]  }
0x11f: {  	v1 =	vld [tilespmem:s1+$0x10];
	_ =	sdelay $0x4  }
0x120: {  	v0 =	vadd.f32 v1, v0;
	_ =	sdelay $0x1  }
0x121: {  	[tilespmem:s11+$0x6550] =	vst v0;
	v0 =	vld [tilespmem:s11+$0x6560]  }
0x122: {  	v1 =	vld [tilespmem:s1+$0x20];
	_ =	sdelay $0x4  }
0x123: {  	v0 =	vadd.f32 v1, v0  }
0x124: {  	s3 =	sadd.s32 $0x8, s3  }
0x125: {  	s31 =	smulhi.u32 $0x51EB851F, s3;
	[tilespmem:s11+$0x6560] =	vst v0;
	v0 =	vld [tilespmem:s11+$0x6570]  }
0x126: {  	v1 =	vld [tilespmem:s1+$0x30]  }
0x127: {  	s1 =	sshrl.u32 s31, $0x6  }
0x128: {  	s1 =	smul.u32 $0xFFFF3800, s1;
	_ =	sdelay $0x1  }
0x129: {  	s1 =	sshra.s32 s1, $0x2  }
0x12a: {  	s1 =	sadd.s32 s1, s19;
	v0 =	vadd.f32 v1, v0  }
0x12b: {  	s1 =	sadd.s32 s9, s1  }
0x12c: {  	s1 =	sadd.s32 s11, s1;
	[tilespmem:s11+$0x6570] =	vst v0;
	v0 =	vld [tilespmem:s11+$0x6580]  }
0x12d: {  	v1 =	vld [tilespmem:s1+$0x0];
	_ =	sdelay $0x4  }
0x12e: {  	v0 =	vadd.f32 v1, v0;
	_ =	sdelay $0x1  }
0x12f: {  	[tilespmem:s11+$0x6580] =	vst v0;
	v0 =	vld [tilespmem:s11+$0x6590]  }
0x130: {  	v1 =	vld [tilespmem:s1+$0x10];
	_ =	sdelay $0x4  }
0x131: {  	v0 =	vadd.f32 v1, v0;
	_ =	sdelay $0x1  }
0x132: {  	[tilespmem:s11+$0x6590] =	vst v0;
	v0 =	vld [tilespmem:s11+$0x65A0]  }
0x133: {  	v1 =	vld [tilespmem:s1+$0x20];
	_ =	sdelay $0x4  }
0x134: {  	v0 =	vadd.f32 v1, v0  }
0x135: {  	s25 =	sadd.s32 $0x8, s25  }
0x136: {  	s31 =	smulhi.u32 $0x51EB851F, s25;
	[tilespmem:s11+$0x65A0] =	vst v0;
	v0 =	vld [tilespmem:s11+$0x65B0]  }
0x137: {  	v1 =	vld [tilespmem:s1+$0x30]  }
0x138: {  	s1 =	sshrl.u32 s31, $0x6  }
0x139: {  	s1 =	smul.u32 $0xFFFF3800, s1;
	_ =	sdelay $0x1  }
0x13a: {  	s1 =	sshra.s32 s1, $0x2  }
0x13b: {  	s1 =	sadd.s32 s1, s17;
	v0 =	vadd.f32 v1, v0  }
0x13c: {  	s1 =	sadd.s32 s9, s1  }
0x13d: {  	s31 =	sadd.s32 s11, s1;
	[tilespmem:s11+$0x65B0] =	vst v0;
	v0 =	vld [tilespmem:s11+$0x65C0]  }
0x13e: {  	v1 =	vld [tilespmem:s31+$0xFFFFFFD0];
	_ =	sdelay $0x4  }
0x13f: {  	v0 =	vadd.f32 v1, v0;
	_ =	sdelay $0x1  }
0x140: {  	[tilespmem:s11+$0x65C0] =	vst v0;
	v0 =	vld [tilespmem:s11+$0x65D0]  }
0x141: {  	v1 =	vld [tilespmem:s31+$0xFFFFFFE0];
	_ =	sdelay $0x4  }
0x142: {  	v0 =	vadd.f32 v1, v0;
	_ =	sdelay $0x1  }
0x143: {  	[tilespmem:s11+$0x65D0] =	vst v0;
	v0 =	vld [tilespmem:s11+$0x65E0]  }
0x144: {  	v1 =	vld [tilespmem:s31+$0xFFFFFFF0];
	_ =	sdelay $0x2  }
.Ltmp0:
0x145: {  	(pc) =	sbr.rel @p0 .LBB2_3-.Ltmp0, $4  }
0x146: {  	_ = 	snop  }
0x147: {  	v0 =	vadd.f32 v1, v0  }
0x148: {  	s29 =	sadd.s32 $0x8, s29  }
0x149: {  	s30 =	sadd.s32 $0x800, s30;
	s1 =	smulhi.u32 $0x51EB851F, s29;
	[tilespmem:s11+$0x65E0] =	vst v0;
	v0 =	vld [tilespmem:s11+$0x65F0]  }
0x14a: {  	v1 =	vld [tilespmem:s31+$0x0]  }
0x14b: {  	s1 =	sshrl.u32 s1, $0x6  }
0x14c: {  	s1 =	smul.u32 $0xFFFF3800, s1;
	_ =	sdelay $0x1  }
0x14d: {  	s1 =	sshra.s32 s1, $0x2  }
0x14e: {  	s1 =	sadd.s32 s1, s0;
	v0 =	vadd.f32 v1, v0  }
0x14f: {  	s28 =	sshra.s32 s28, $0x2;
	s1 =	sadd.s32 s9, s1  }
0x150: {  	v1 =	vld [tilespmem:s28+$0x6400];
	[tilespmem:s11+$0x65F0] =	vst v0;
	s1 =	sadd.s32 s28, s1  }
0x151: {  	v0 =	vld [tilespmem:s1+$0x0];
	_ =	sdelay $0x4  }
0x152: {  	v0 =	vadd.f32 v0, v1;
	_ =	sdelay $0x1  }
0x153: {  	[tilespmem:s28+$0x6400] =	vst v0;
	v0 =	vld [tilespmem:s28+$0x6410]  }
0x154: {  	v1 =	vld [tilespmem:s1+$0x10];
	_ =	sdelay $0x4  }
0x155: {  	v0 =	vadd.f32 v1, v0;
	_ =	sdelay $0x1  }
0x156: {  	[tilespmem:s28+$0x6410] =	vst v0;
	v0 =	vld [tilespmem:s28+$0x6420]  }
0x157: {  	v1 =	vld [tilespmem:s1+$0x20];
	_ =	sdelay $0x4  }
0x158: {  	v0 =	vadd.f32 v1, v0  }
0x159: {  	s30 =	sadd.s32 $0x8, s26  }
0x15a: {  	s11 =	smulhi.u32 $0x51EB851F, s30;
	v1 =	vld [tilespmem:s28+$0x6430];
	[tilespmem:s28+$0x6420] =	vst v0  }
0x15b: {  	v0 =	vld [tilespmem:s1+$0x30]  }
0x15c: {  	s1 =	sshrl.u32 s11, $0x6  }
0x15d: {  	s1 =	smul.u32 $0xFFFF3800, s1;
	_ =	sdelay $0x1  }
0x15e: {  	s1 =	sshra.s32 s1, $0x2  }
0x15f: {  	s1 =	sadd.s32 s1, s12;
	v0 =	vadd.f32 v0, v1  }
0x160: {  	s1 =	sadd.s32 s9, s1  }
0x161: {  	s1 =	sadd.s32 s28, s1;
	[tilespmem:s28+$0x6430] =	vst v0;
	v0 =	vld [tilespmem:s28+$0x6440]  }
0x162: {  	v1 =	vld [tilespmem:s1+$0x0];
	_ =	sdelay $0x4  }
0x163: {  	v0 =	vadd.f32 v1, v0;
	_ =	sdelay $0x1  }
0x164: {  	[tilespmem:s28+$0x6440] =	vst v0;
	v0 =	vld [tilespmem:s28+$0x6450]  }
0x165: {  	v1 =	vld [tilespmem:s1+$0x10];
	_ =	sdelay $0x4  }
0x166: {  	v0 =	vadd.f32 v1, v0;
	_ =	sdelay $0x1  }
0x167: {  	[tilespmem:s28+$0x6450] =	vst v0;
	v0 =	vld [tilespmem:s28+$0x6460]  }
0x168: {  	v1 =	vld [tilespmem:s1+$0x20];
	_ =	sdelay $0x4  }
0x169: {  	v0 =	vadd.f32 v1, v0  }
0x16a: {  	s5 =	sadd.s32 $0x8, s5  }
0x16b: {  	s26 =	smulhi.u32 $0x51EB851F, s5;
	v1 =	vld [tilespmem:s28+$0x6470];
	[tilespmem:s28+$0x6460] =	vst v0  }
0x16c: {  	v0 =	vld [tilespmem:s1+$0x30]  }
0x16d: {  	s1 =	sshrl.u32 s26, $0x6  }
0x16e: {  	s1 =	smul.u32 $0xFFFF3800, s1;
	_ =	sdelay $0x1  }
0x16f: {  	s1 =	sshra.s32 s1, $0x2  }
0x170: {  	s1 =	sadd.s32 s1, s15;
	v0 =	vadd.f32 v0, v1  }
0x171: {  	s1 =	sadd.s32 s9, s1  }
0x172: {  	s1 =	sadd.s32 s28, s1;
	[tilespmem:s28+$0x6470] =	vst v0;
	v0 =	vld [tilespmem:s28+$0x6480]  }
0x173: {  	v1 =	vld [tilespmem:s1+$0x0];
	_ =	sdelay $0x4  }
0x174: {  	v0 =	vadd.f32 v1, v0;
	_ =	sdelay $0x1  }
0x175: {  	[tilespmem:s28+$0x6480] =	vst v0;
	v0 =	vld [tilespmem:s28+$0x6490]  }
0x176: {  	v1 =	vld [tilespmem:s1+$0x10];
	_ =	sdelay $0x4  }
0x177: {  	v0 =	vadd.f32 v1, v0;
	_ =	sdelay $0x1  }
0x178: {  	[tilespmem:s28+$0x6490] =	vst v0;
	v0 =	vld [tilespmem:s28+$0x64A0]  }
0x179: {  	v1 =	vld [tilespmem:s1+$0x20];
	_ =	sdelay $0x4  }
0x17a: {  	v0 =	vadd.f32 v1, v0  }
0x17b: {  	s30 =	sadd.s32 $0x8, s14  }
0x17c: {  	s5 =	smulhi.u32 $0x51EB851F, s30;
	v1 =	vld [tilespmem:s28+$0x64B0];
	[tilespmem:s28+$0x64A0] =	vst v0  }
0x17d: {  	v0 =	vld [tilespmem:s1+$0x30]  }
0x17e: {  	s1 =	sshrl.u32 s5, $0x6  }
0x17f: {  	s1 =	smul.u32 $0xFFFF3800, s1;
	_ =	sdelay $0x1  }
0x180: {  	s1 =	sshra.s32 s1, $0x2  }
0x181: {  	s1 =	sadd.s32 s1, s7;
	v0 =	vadd.f32 v0, v1  }
0x182: {  	s1 =	sadd.s32 s9, s1  }
0x183: {  	s1 =	sadd.s32 s28, s1;
	[tilespmem:s28+$0x64B0] =	vst v0;
	v0 =	vld [tilespmem:s28+$0x64C0]  }
0x184: {  	v1 =	vld [tilespmem:s1+$0x0];
	_ =	sdelay $0x4  }
0x185: {  	v0 =	vadd.f32 v1, v0;
	_ =	sdelay $0x1  }
0x186: {  	[tilespmem:s28+$0x64C0] =	vst v0;
	v0 =	vld [tilespmem:s28+$0x64D0]  }
0x187: {  	v1 =	vld [tilespmem:s1+$0x10];
	_ =	sdelay $0x4  }
0x188: {  	v0 =	vadd.f32 v1, v0;
	_ =	sdelay $0x1  }
0x189: {  	[tilespmem:s28+$0x64D0] =	vst v0;
	v0 =	vld [tilespmem:s28+$0x64E0]  }
0x18a: {  	v1 =	vld [tilespmem:s1+$0x20];
	_ =	sdelay $0x4  }
0x18b: {  	v0 =	vadd.f32 v1, v0  }
0x18c: {  	[dreg:$0xa] =	wrdreg s7;
	s7 =	sadd.s32 $0x8, s13  }
0x18d: {  	s11 =	smulhi.u32 $0x51EB851F, s7;
	v1 =	vld [tilespmem:s28+$0x64F0];
	[tilespmem:s28+$0x64E0] =	vst v0  }
0x18e: {  	v0 =	vld [tilespmem:s1+$0x30]  }
0x18f: {  	s1 =	sshrl.u32 s11, $0x6  }
0x190: {  	s1 =	smul.u32 $0xFFFF3800, s1;
	_ =	sdelay $0x1  }
0x191: {  	s1 =	sshra.s32 s1, $0x2  }
0x192: {  	s1 =	sadd.s32 s1, s8;
	v0 =	vadd.f32 v0, v1  }
0x193: {  	s1 =	sadd.s32 s9, s1  }
0x194: {  	s1 =	sadd.s32 s28, s1;
	[tilespmem:s28+$0x64F0] =	vst v0;
	v0 =	vld [tilespmem:s28+$0x6500]  }
0x195: {  	v1 =	vld [tilespmem:s1+$0xFFFFFFD0];
	_ =	sdelay $0x4  }
0x196: {  	v0 =	vadd.f32 v1, v0;
	_ =	sdelay $0x1  }
0x197: {  	[tilespmem:s28+$0x6500] =	vst v0;
	v0 =	vld [tilespmem:s28+$0x6510]  }
0x198: {  	v1 =	vld [tilespmem:s1+$0xFFFFFFE0];
	_ =	sdelay $0x4  }
0x199: {  	v0 =	vadd.f32 v1, v0;
	_ =	sdelay $0x1  }
0x19a: {  	[tilespmem:s28+$0x6510] =	vst v0;
	v0 =	vld [tilespmem:s28+$0x6520]  }
0x19b: {  	v1 =	vld [tilespmem:s1+$0xFFFFFFF0];
	_ =	sdelay $0x4  }
0x19c: {  	v0 =	vadd.f32 v1, v0  }
0x19d: {  	s13 =	sadd.s32 $0x8, s6  }
0x19e: {  	s14 =	smulhi.u32 $0x51EB851F, s13;
	v1 =	vld [tilespmem:s28+$0x6530];
	[tilespmem:s28+$0x6520] =	vst v0  }
0x19f: {  	v0 =	vld [tilespmem:s1+$0x0]  }
0x1a0: {  	s1 =	sshrl.u32 s14, $0x6  }
0x1a1: {  	s1 =	smul.u32 $0xFFFF3800, s1;
	_ =	sdelay $0x1  }
0x1a2: {  	s1 =	sshra.s32 s1, $0x2  }
0x1a3: {  	s1 =	sadd.s32 s1, s23;
	v0 =	vadd.f32 v0, v1  }
0x1a4: {  	s1 =	sadd.s32 s9, s1  }
0x1a5: {  	s1 =	sadd.s32 s28, s1;
	[tilespmem:s28+$0x6530] =	vst v0;
	v0 =	vld [tilespmem:s28+$0x6540]  }
0x1a6: {  	v1 =	vld [tilespmem:s1+$0x0];
	_ =	sdelay $0x4  }
0x1a7: {  	v0 =	vadd.f32 v1, v0;
	_ =	sdelay $0x1  }
0x1a8: {  	[tilespmem:s28+$0x6540] =	vst v0;
	v0 =	vld [tilespmem:s28+$0x6550]  }
0x1a9: {  	v1 =	vld [tilespmem:s1+$0x10];
	_ =	sdelay $0x4  }
0x1aa: {  	v0 =	vadd.f32 v1, v0;
	_ =	sdelay $0x1  }
0x1ab: {  	[tilespmem:s28+$0x6550] =	vst v0;
	v0 =	vld [tilespmem:s28+$0x6560]  }
0x1ac: {  	v1 =	vld [tilespmem:s1+$0x20];
	_ =	sdelay $0x4  }
0x1ad: {  	v0 =	vadd.f32 v1, v0  }
0x1ae: {  	s3 =	sadd.s32 $0x8, s3  }
0x1af: {  	s26 =	smulhi.u32 $0x51EB851F, s3;
	v1 =	vld [tilespmem:s28+$0x6570];
	[tilespmem:s28+$0x6560] =	vst v0  }
0x1b0: {  	v0 =	vld [tilespmem:s1+$0x30]  }
0x1b1: {  	s1 =	sshrl.u32 s26, $0x6  }
0x1b2: {  	s1 =	smul.u32 $0xFFFF3800, s1;
	_ =	sdelay $0x1  }
0x1b3: {  	s1 =	sshra.s32 s1, $0x2  }
0x1b4: {  	s1 =	sadd.s32 s1, s19;
	v0 =	vadd.f32 v0, v1  }
0x1b5: {  	s1 =	sadd.s32 s9, s1  }
0x1b6: {  	s1 =	sadd.s32 s28, s1;
	[tilespmem:s28+$0x6570] =	vst v0;
	v0 =	vld [tilespmem:s28+$0x6580]  }
0x1b7: {  	v1 =	vld [tilespmem:s1+$0x0];
	_ =	sdelay $0x4  }
0x1b8: {  	v0 =	vadd.f32 v1, v0;
	_ =	sdelay $0x1  }
0x1b9: {  	[tilespmem:s28+$0x6580] =	vst v0;
	v0 =	vld [tilespmem:s28+$0x6590]  }
0x1ba: {  	v1 =	vld [tilespmem:s1+$0x10];
	_ =	sdelay $0x4  }
0x1bb: {  	v0 =	vadd.f32 v1, v0;
	_ =	sdelay $0x1  }
0x1bc: {  	[tilespmem:s28+$0x6590] =	vst v0;
	v0 =	vld [tilespmem:s28+$0x65A0]  }
0x1bd: {  	v1 =	vld [tilespmem:s1+$0x20];
	_ =	sdelay $0x4  }
0x1be: {  	v0 =	vadd.f32 v1, v0  }
0x1bf: {  	s30 =	sadd.s32 $0x8, s25  }
0x1c0: {  	s3 =	smulhi.u32 $0x51EB851F, s30;
	[tilespmem:s28+$0x65A0] =	vst v0;
	v0 =	vld [tilespmem:s28+$0x65B0]  }
0x1c1: {  	v1 =	vld [tilespmem:s1+$0x30]  }
0x1c2: {  	s5 =	sshrl.u32 s3, $0x6  }
0x1c3: {  	s1 =	smul.u32 $0xFFFF3800, s5;
	_ =	sdelay $0x1  }
0x1c4: {  	s1 =	sshra.s32 s1, $0x2  }
0x1c5: {  	s1 =	sadd.s32 s1, s17;
	v0 =	vadd.f32 v1, v0  }
0x1c6: {  	s1 =	sadd.s32 s9, s1  }
0x1c7: {  	s1 =	sadd.s32 s28, s1;
	[tilespmem:s28+$0x65B0] =	vst v0;
	v0 =	vld [tilespmem:s28+$0x65C0]  }
0x1c8: {  	v1 =	vld [tilespmem:s1+$0xFFFFFFD0];
	_ =	sdelay $0x4  }
0x1c9: {  	v0 =	vadd.f32 v1, v0;
	_ =	sdelay $0x1  }
0x1ca: {  	[tilespmem:s28+$0x65C0] =	vst v0;
	v0 =	vld [tilespmem:s28+$0x65D0]  }
0x1cb: {  	v1 =	vld [tilespmem:s1+$0xFFFFFFE0];
	_ =	sdelay $0x4  }
0x1cc: {  	v0 =	vadd.f32 v1, v0;
	_ =	sdelay $0x1  }
0x1cd: {  	[tilespmem:s28+$0x65D0] =	vst v0;
	v0 =	vld [tilespmem:s28+$0x65E0]  }
0x1ce: {  	v1 =	vld [tilespmem:s1+$0xFFFFFFF0];
	_ =	sdelay $0x4  }
0x1cf: {  	v0 =	vadd.f32 v1, v0;
	_ =	sdelay $0x1  }
0x1d0: {  	[tilespmem:s28+$0x65E0] =	vst v0;
	v0 =	vld [tilespmem:s28+$0x65F0]  }
0x1d1: {  	[dreg:$0xb] =	wrdreg s8;
	v1 =	vld [tilespmem:s1+$0x0]  }
0x1d2: {  	[dreg:$0xc] =	wrdreg s23  }
0x1d3: {  	s7 =	sld [smem:$0x7F6]  }
0x1d4: {  	s25 =	rddreg [dreg:$0x3]  }
0x1d5: {  	s9 =	sld [smem:$0x7F5]  }
0x1d6: {  	[dreg:$0xf] =	wrdreg s19;
	s6 =	sadd.s32 s25, s7;
	v0 =	vadd.f32 v1, v0  }
0x1d7: {  	s29 =	simm.s32 $0x0;
	s14 =	rddreg [dreg:$0x1];
	s1 =	sshll.u32 s6, $0x3  }
0x1d8: {  	s8 =	simm.s32 $0x6400;
	p0 =	seq.s32 s9, $0x18;
	s1 =	sadd.s32 s14, s1;
	[tilespmem:s28+$0x65F0] =	vst v0  }
0x1d9: {  	[hbm4b:s1+s29] =	stream.linear.scatter [tilespmem:s8], [sflag:$0x3], $0x8000, $0x38;
	[tilespmem:$0x19600] =	vst v63  }
0x1da: {  	[dreg:$0xd] =	wrdreg s17;
	s1 =	simm.s32 @!p0 $0x3  }
0x1db: {  	_ =	swait.ge @!p0 [sflag:s1], $0x8000  }
0x1dc: {  	s3 =	simm.s32 @!p0 $0x80;
	s5 =	simm.s32 @!p0 $0x6400;
	[sflag:s1] =	ssyncset.done @!p0 $0x0  }
0x1dd: {  	s8 =	rddreg [dreg:$0x4];
	[sflag:s1] =	ssyncadd.s32 @!p0 $0xFFFF8000;
	s1 =	sadd.s32 @!p0 $0x400, s7  }
0x1de: {  	[tilespmem:s5], [sflag:$0x1] =	stream.indirect.gather @!p0 [hbm4b:s8+s3], $0x40, s1, s3, $0xb8;
	[tilespmem:$0x19600] =	vst v63  }
0x1df: {  	s9 =	sld [smem:$0x7FD];
	s1 =	sadd.s32 @!p0 $0x480, s7;
	s5 =	simm.s32 @!p0 $0x8400  }
0x1e0: {  	[tilespmem:s5], [sflag:$0x1] =	stream.indirect.gather @!p0 [hbm4b:s8+s3], $0x40, s1, s3, $0xb8;
	[tilespmem:$0x19600] =	vst v63  }
0x1e1: {  	s17 =	simm.s32 $0x2;
	s1 =	sadd.s32 @!p0 $0x500, s7;
	s5 =	simm.s32 @!p0 $0xA400  }
0x1e2: {  	[tilespmem:s5], [sflag:$0x1] =	stream.indirect.gather @!p0 [hbm4b:s8+s3], $0x40, s1, s3, $0xb8;
	[tilespmem:$0x19600] =	vst v63  }
0x1e3: {  	s6 =	simm.s32 @!p0 $0xC400;
	s11 =	smulhi.u32 $0x51EB851F, s9;
	s5 =	sadd.s32 @!p0 $0x580, s7  }
0x1e4: {  	[tilespmem:s6], [sflag:$0x1] =	stream.indirect.gather @!p0 [hbm4b:s8+s3], $0x40, s5, s3, $0xb8;
	[tilespmem:$0x19600] =	vst v63  }
0x1e5: {  	s13 =	sshrl.u32 s11, $0x6;
	_ =	swait.ge [sflag:s17], $0x8000  }
0x1e6: {  	s1 =	smul.u32 $0xFFFF3800, s13;
	s19 =	sld [smem:$0x7FC]  }
0x1e7: {  	_ = 	snop  }
0x1e8: {  	s1 =	sshra.s32 s1, $0x2;
	s7 =	rddreg [dreg:$0x14]  }
0x1e9: {  	[sflag:s17] =	ssyncset.done $0x0;
	s1 =	sadd.s32 s1, s7;
	s3 =	sshra.s32 s19, $0x2  }
0x1ea: {  	s5 =	simm.s32 $0x0;
	[sflag:s17] =	ssyncadd.s32 $0xFFFF8000;
	s1 =	sadd.s32 s3, s1  }
0x1eb: {  	v0 =	vld [tilespmem:s5+$0xE400];
	s1 =	sadd.s32 $0x0, s1  }
0x1ec: {  	v1 =	vld [tilespmem:s1+$0x0];
	_ =	sdelay $0x4  }
0x1ed: {  	v0 =	vadd.f32 v1, v0;
	_ =	sdelay $0x1  }
0x1ee: {  	[tilespmem:s5+$0xE400] =	vst v0;
	v0 =	vld [tilespmem:s5+$0xE410]  }
0x1ef: {  	v1 =	vld [tilespmem:s1+$0x10];
	_ =	sdelay $0x4  }
0x1f0: {  	v0 =	vadd.f32 v1, v0;
	_ =	sdelay $0x1  }
0x1f1: {  	[tilespmem:s5+$0xE410] =	vst v0;
	v0 =	vld [tilespmem:s5+$0xE420]  }
0x1f2: {  	v1 =	vld [tilespmem:s1+$0x20];
	_ =	sdelay $0x4  }
0x1f3: {  	v0 =	vadd.f32 v1, v0;
	_ =	sdelay $0x1  }
0x1f4: {  	s23 =	smulhi.u32 $0x51EB851F, s21;
	[tilespmem:s5+$0xE420] =	vst v0;
	v0 =	vld [tilespmem:s5+$0xE430]  }
0x1f5: {  	v1 =	vld [tilespmem:s1+$0x30]  }
0x1f6: {  	s26 =	sshrl.u32 s23, $0x6  }
0x1f7: {  	s1 =	smul.u32 $0xFFFF3800, s26;
	_ =	sdelay $0x1  }
0x1f8: {  	s8 =	rddreg [dreg:$0x15];
	s1 =	sshra.s32 s1, $0x2  }
0x1f9: {  	s1 =	sadd.s32 s1, s8;
	v0 =	vadd.f32 v1, v0  }
0x1fa: {  	s1 =	sadd.s32 s3, s1  }
0x1fb: {  	s1 =	sadd.s32 $0x0, s1;
	[tilespmem:s5+$0xE430] =	vst v0;
	v0 =	vld [tilespmem:s5+$0xE440]  }
0x1fc: {  	v1 =	vld [tilespmem:s1+$0x0];
	_ =	sdelay $0x4  }
0x1fd: {  	v0 =	vadd.f32 v1, v0;
	_ =	sdelay $0x1  }
0x1fe: {  	[tilespmem:s5+$0xE440] =	vst v0;
	v0 =	vld [tilespmem:s5+$0xE450]  }
0x1ff: {  	v1 =	vld [tilespmem:s1+$0x10];
	_ =	sdelay $0x4  }
0x200: {  	v0 =	vadd.f32 v1, v0;
	_ =	sdelay $0x1  }
0x201: {  	[tilespmem:s5+$0xE450] =	vst v0;
	v0 =	vld [tilespmem:s5+$0xE460]  }
0x202: {  	v1 =	vld [tilespmem:s1+$0x20];
	_ =	sdelay $0x4  }
0x203: {  	v0 =	vadd.f32 v1, v0;
	_ =	sdelay $0x1  }
0x204: {  	s30 =	smulhi.u32 $0x51EB851F, s20;
	[tilespmem:s5+$0xE460] =	vst v0;
	v0 =	vld [tilespmem:s5+$0xE470]  }
0x205: {  	v1 =	vld [tilespmem:s1+$0x30]  }
0x206: {  	s11 =	sshrl.u32 s30, $0x6  }
0x207: {  	s1 =	smul.u32 $0xFFFF3800, s11;
	_ =	sdelay $0x1  }
0x208: {  	s23 =	rddreg [dreg:$0x1b];
	s1 =	sshra.s32 s1, $0x2  }
0x209: {  	s1 =	sadd.s32 s1, s23;
	v0 =	vadd.f32 v1, v0  }
0x20a: {  	s1 =	sadd.s32 s3, s1  }
0x20b: {  	s1 =	sadd.s32 $0x0, s1;
	[tilespmem:s5+$0xE470] =	vst v0;
	v0 =	vld [tilespmem:s5+$0xE480]  }
0x20c: {  	v1 =	vld [tilespmem:s1+$0x0];
	_ =	sdelay $0x4  }
0x20d: {  	v0 =	vadd.f32 v1, v0;
	_ =	sdelay $0x1  }
0x20e: {  	[tilespmem:s5+$0xE480] =	vst v0;
	v0 =	vld [tilespmem:s5+$0xE490]  }
0x20f: {  	v1 =	vld [tilespmem:s1+$0x10];
	_ =	sdelay $0x4  }
0x210: {  	v0 =	vadd.f32 v1, v0;
	_ =	sdelay $0x1  }
0x211: {  	[tilespmem:s5+$0xE490] =	vst v0;
	v0 =	vld [tilespmem:s5+$0xE4A0]  }
0x212: {  	v1 =	vld [tilespmem:s1+$0x20];
	_ =	sdelay $0x4  }
0x213: {  	v0 =	vadd.f32 v1, v0;
	_ =	sdelay $0x1  }
0x214: {  	s13 =	smulhi.u32 $0x51EB851F, s16;
	[tilespmem:s5+$0xE4A0] =	vst v0;
	v0 =	vld [tilespmem:s5+$0xE4B0]  }
0x215: {  	v1 =	vld [tilespmem:s1+$0x30]  }
0x216: {  	s17 =	sshrl.u32 s13, $0x6  }
0x217: {  	s1 =	smul.u32 $0xFFFF3800, s17;
	_ =	sdelay $0x1  }
0x218: {  	s1 =	sshra.s32 s1, $0x2  }
0x219: {  	s1 =	sadd.s32 s1, s4;
	v0 =	vadd.f32 v1, v0  }
0x21a: {  	s1 =	sadd.s32 s3, s1  }
0x21b: {  	s1 =	sadd.s32 $0x0, s1;
	[tilespmem:s5+$0xE4B0] =	vst v0;
	v0 =	vld [tilespmem:s5+$0xE4C0]  }
0x21c: {  	v1 =	vld [tilespmem:s1+$0xFFFFFFD0];
	_ =	sdelay $0x4  }
0x21d: {  	v0 =	vadd.f32 v1, v0;
	_ =	sdelay $0x1  }
0x21e: {  	[tilespmem:s5+$0xE4C0] =	vst v0;
	v0 =	vld [tilespmem:s5+$0xE4D0]  }
0x21f: {  	v1 =	vld [tilespmem:s1+$0xFFFFFFE0];
	_ =	sdelay $0x4  }
0x220: {  	v0 =	vadd.f32 v1, v0;
	_ =	sdelay $0x1  }
0x221: {  	[tilespmem:s5+$0xE4D0] =	vst v0;
	v0 =	vld [tilespmem:s5+$0xE4E0]  }
0x222: {  	v1 =	vld [tilespmem:s1+$0xFFFFFFF0];
	_ =	sdelay $0x4  }
0x223: {  	v0 =	vadd.f32 v1, v0;
	_ =	sdelay $0x1  }
0x224: {  	s19 =	smulhi.u32 $0x51EB851F, s10;
	[tilespmem:s5+$0xE4E0] =	vst v0;
	v0 =	vld [tilespmem:s5+$0xE4F0]  }
0x225: {  	v1 =	vld [tilespmem:s1+$0x0]  }
0x226: {  	s26 =	sshrl.u32 s19, $0x6  }
0x227: {  	s1 =	smul.u32 $0xFFFF3800, s26;
	_ =	sdelay $0x1  }
0x228: {  	s1 =	sshra.s32 s1, $0x2  }
0x229: {  	s1 =	sadd.s32 s1, s2;
	v0 =	vadd.f32 v1, v0  }
0x22a: {  	s1 =	sadd.s32 s3, s1  }
0x22b: {  	s1 =	sadd.s32 $0x0, s1;
	[tilespmem:s5+$0xE4F0] =	vst v0;
	v0 =	vld [tilespmem:s5+$0xE500]  }
0x22c: {  	v1 =	vld [tilespmem:s1+$0xFFFFFFD0];
	_ =	sdelay $0x4  }
0x22d: {  	v0 =	vadd.f32 v1, v0;
	_ =	sdelay $0x1  }
0x22e: {  	[tilespmem:s5+$0xE500] =	vst v0;
	v0 =	vld [tilespmem:s5+$0xE510]  }
0x22f: {  	v1 =	vld [tilespmem:s1+$0xFFFFFFE0];
	_ =	sdelay $0x4  }
0x230: {  	v0 =	vadd.f32 v1, v0;
	_ =	sdelay $0x1  }
0x231: {  	[tilespmem:s5+$0xE510] =	vst v0;
	v0 =	vld [tilespmem:s5+$0xE520]  }
0x232: {  	v1 =	vld [tilespmem:s1+$0xFFFFFFF0];
	_ =	sdelay $0x4  }
0x233: {  	v0 =	vadd.f32 v1, v0;
	_ =	sdelay $0x1  }
0x234: {  	s30 =	smulhi.u32 $0x51EB851F, s18;
	[tilespmem:s5+$0xE520] =	vst v0;
	v0 =	vld [tilespmem:s5+$0xE530]  }
0x235: {  	v1 =	vld [tilespmem:s1+$0x0]  }
0x236: {  	s11 =	sshrl.u32 s30, $0x6  }
0x237: {  	s1 =	smul.u32 $0xFFFF3800, s11;
	_ =	sdelay $0x1  }
0x238: {  	s19 =	rddreg [dreg:$0x19];
	s1 =	sshra.s32 s1, $0x2  }
0x239: {  	s1 =	sadd.s32 s1, s19;
	v0 =	vadd.f32 v1, v0  }
0x23a: {  	s1 =	sadd.s32 s3, s1  }
0x23b: {  	s1 =	sadd.s32 $0x0, s1;
	[tilespmem:s5+$0xE530] =	vst v0;
	v0 =	vld [tilespmem:s5+$0xE540]  }
0x23c: {  	v1 =	vld [tilespmem:s1+$0xFFFFFFD0];
	_ =	sdelay $0x4  }
0x23d: {  	v0 =	vadd.f32 v1, v0;
	_ =	sdelay $0x1  }
0x23e: {  	[tilespmem:s5+$0xE540] =	vst v0;
	v0 =	vld [tilespmem:s5+$0xE550]  }
0x23f: {  	v1 =	vld [tilespmem:s1+$0xFFFFFFE0];
	_ =	sdelay $0x4  }
0x240: {  	v0 =	vadd.f32 v1, v0;
	_ =	sdelay $0x1  }
0x241: {  	[tilespmem:s5+$0xE550] =	vst v0;
	v0 =	vld [tilespmem:s5+$0xE560]  }
0x242: {  	v1 =	vld [tilespmem:s1+$0xFFFFFFF0];
	_ =	sdelay $0x4  }
0x243: {  	v0 =	vadd.f32 v1, v0;
	_ =	sdelay $0x1  }
0x244: {  	s13 =	smulhi.u32 $0x51EB851F, s24;
	[tilespmem:s5+$0xE560] =	vst v0;
	v0 =	vld [tilespmem:s5+$0xE570]  }
0x245: {  	v1 =	vld [tilespmem:s1+$0x0]  }
0x246: {  	s17 =	sshrl.u32 s13, $0x6  }
0x247: {  	s1 =	smul.u32 $0xFFFF3800, s17;
	_ =	sdelay $0x1  }
0x248: {  	s17 =	rddreg [dreg:$0x17];
	s1 =	sshra.s32 s1, $0x2  }
0x249: {  	s1 =	sadd.s32 s1, s17;
	v0 =	vadd.f32 v1, v0  }
0x24a: {  	s1 =	sadd.s32 s3, s1  }
0x24b: {  	s1 =	sadd.s32 $0x0, s1;
	[tilespmem:s5+$0xE570] =	vst v0;
	v0 =	vld [tilespmem:s5+$0xE580]  }
0x24c: {  	v1 =	vld [tilespmem:s1+$0xFFFFFFD0];
	_ =	sdelay $0x4  }
0x24d: {  	v0 =	vadd.f32 v1, v0;
	_ =	sdelay $0x1  }
0x24e: {  	[tilespmem:s5+$0xE580] =	vst v0;
	v0 =	vld [tilespmem:s5+$0xE590]  }
0x24f: {  	v1 =	vld [tilespmem:s1+$0xFFFFFFE0];
	_ =	sdelay $0x4  }
0x250: {  	v0 =	vadd.f32 v1, v0;
	_ =	sdelay $0x1  }
0x251: {  	[tilespmem:s5+$0xE590] =	vst v0;
	v0 =	vld [tilespmem:s5+$0xE5A0]  }
0x252: {  	v1 =	vld [tilespmem:s1+$0xFFFFFFF0];
	_ =	sdelay $0x4  }
0x253: {  	v0 =	vadd.f32 v1, v0;
	_ =	sdelay $0x1  }
0x254: {  	s26 =	smulhi.u32 $0x51EB851F, s22;
	[tilespmem:s5+$0xE5A0] =	vst v0;
	v0 =	vld [tilespmem:s5+$0xE5B0]  }
0x255: {  	v1 =	vld [tilespmem:s1+$0x0]  }
0x256: {  	s30 =	sshrl.u32 s26, $0x6  }
0x257: {  	s1 =	smul.u32 $0xFFFF3800, s30;
	_ =	sdelay $0x1  }
0x258: {  	s28 =	rddreg [dreg:$0x12];
	s1 =	sshra.s32 s1, $0x2  }
0x259: {  	s1 =	sadd.s32 s1, s28;
	v0 =	vadd.f32 v1, v0  }
0x25a: {  	s1 =	sadd.s32 s3, s1  }
0x25b: {  	s13 =	sadd.s32 $0x0, s1;
	[tilespmem:s5+$0xE5B0] =	vst v0;
	v0 =	vld [tilespmem:s5+$0xE5C0]  }
0x25c: {  	v1 =	vld [tilespmem:s13+$0xFFFFFFD0];
	_ =	sdelay $0x4  }
0x25d: {  	v0 =	vadd.f32 v1, v0;
	_ =	sdelay $0x1  }
0x25e: {  	[tilespmem:s5+$0xE5C0] =	vst v0;
	v0 =	vld [tilespmem:s5+$0xE5D0]  }
0x25f: {  	v1 =	vld [tilespmem:s13+$0xFFFFFFE0];
	_ =	sdelay $0x4  }
0x260: {  	v0 =	vadd.f32 v1, v0;
	_ =	sdelay $0x1  }
0x261: {  	[tilespmem:s5+$0xE5D0] =	vst v0;
	v0 =	vld [tilespmem:s5+$0xE5E0]  }
0x262: {  	v1 =	vld [tilespmem:s13+$0xFFFFFFF0];
	_ =	sdelay $0x4  }
0x263: {  	v0 =	vadd.f32 v1, v0  }
0x264: {  	s31 =	smov.u32 s12;
	s9 =	sadd.s32 $0x8, s9;
	s6 =	simm.s32 $0x800  }
0x265: {  	s26 =	smov.u32 s0;
	s11 =	simm.s32 $0x1000;
	s1 =	smulhi.u32 $0x51EB851F, s9;
	[tilespmem:s5+$0xE5E0] =	vst v0;
	v0 =	vld [tilespmem:s5+$0xE5F0]  }
.LBB2_5:
0x266: {  	p0 =	sne.s32 s11, $0x1F800;
	v1 =	vld [tilespmem:s13+$0x0]  }
0x267: {  	s1 =	sshrl.u32 s1, $0x6  }
0x268: {  	s1 =	smul.u32 $0xFFFF3800, s1;
	_ =	sdelay $0x1  }
0x269: {  	s1 =	sshra.s32 s1, $0x2  }
0x26a: {  	s1 =	sadd.s32 s1, s7;
	v0 =	vadd.f32 v1, v0  }
0x26b: {  	s13 =	sshra.s32 s6, $0x2;
	s6 =	smov.u32 s11;
	s1 =	sadd.s32 s3, s1  }
0x26c: {  	v1 =	vld [tilespmem:s13+$0xE400];
	s1 =	sadd.s32 s13, s1;
	[tilespmem:s5+$0xE5F0] =	vst v0;
	s5 =	smov.u32 s13  }
0x26d: {  	v0 =	vld [tilespmem:s1+$0x0];
	_ =	sdelay $0x4  }
0x26e: {  	v0 =	vadd.f32 v0, v1;
	_ =	sdelay $0x1  }
0x26f: {  	[tilespmem:s5+$0xE400] =	vst v0;
	v0 =	vld [tilespmem:s5+$0xE410]  }
0x270: {  	v1 =	vld [tilespmem:s1+$0x10];
	_ =	sdelay $0x4  }
0x271: {  	v0 =	vadd.f32 v1, v0;
	_ =	sdelay $0x1  }
0x272: {  	[tilespmem:s5+$0xE410] =	vst v0;
	v0 =	vld [tilespmem:s5+$0xE420]  }
0x273: {  	v1 =	vld [tilespmem:s1+$0x20];
	_ =	sdelay $0x4  }
0x274: {  	v0 =	vadd.f32 v1, v0  }
0x275: {  	s21 =	sadd.s32 $0x8, s21  }
0x276: {  	s13 =	smulhi.u32 $0x51EB851F, s21;
	[tilespmem:s5+$0xE420] =	vst v0;
	v0 =	vld [tilespmem:s5+$0xE430]  }
0x277: {  	v1 =	vld [tilespmem:s1+$0x30]  }
0x278: {  	s1 =	sshrl.u32 s13, $0x6  }
0x279: {  	s1 =	smul.u32 $0xFFFF3800, s1;
	_ =	sdelay $0x1  }
0x27a: {  	s1 =	sshra.s32 s1, $0x2  }
0x27b: {  	s1 =	sadd.s32 s1, s8;
	v0 =	vadd.f32 v1, v0  }
0x27c: {  	s1 =	sadd.s32 s3, s1  }
0x27d: {  	s1 =	sadd.s32 s5, s1;
	[tilespmem:s5+$0xE430] =	vst v0;
	v0 =	vld [tilespmem:s5+$0xE440]  }
0x27e: {  	v1 =	vld [tilespmem:s1+$0x0];
	_ =	sdelay $0x4  }
0x27f: {  	v0 =	vadd.f32 v1, v0;
	_ =	sdelay $0x1  }
0x280: {  	[tilespmem:s5+$0xE440] =	vst v0;
	v0 =	vld [tilespmem:s5+$0xE450]  }
0x281: {  	v1 =	vld [tilespmem:s1+$0x10];
	_ =	sdelay $0x4  }
0x282: {  	v0 =	vadd.f32 v1, v0;
	_ =	sdelay $0x1  }
0x283: {  	[tilespmem:s5+$0xE450] =	vst v0;
	v0 =	vld [tilespmem:s5+$0xE460]  }
0x284: {  	v1 =	vld [tilespmem:s1+$0x20];
	_ =	sdelay $0x4  }
0x285: {  	v0 =	vadd.f32 v1, v0  }
0x286: {  	s20 =	sadd.s32 $0x8, s20  }
0x287: {  	s13 =	smulhi.u32 $0x51EB851F, s20;
	[tilespmem:s5+$0xE460] =	vst v0;
	v0 =	vld [tilespmem:s5+$0xE470]  }
0x288: {  	v1 =	vld [tilespmem:s1+$0x30]  }
0x289: {  	s1 =	sshrl.u32 s13, $0x6  }
0x28a: {  	s1 =	smul.u32 $0xFFFF3800, s1;
	_ =	sdelay $0x1  }
0x28b: {  	s1 =	sshra.s32 s1, $0x2  }
0x28c: {  	s1 =	sadd.s32 s1, s23;
	v0 =	vadd.f32 v1, v0  }
0x28d: {  	s1 =	sadd.s32 s3, s1  }
0x28e: {  	s1 =	sadd.s32 s5, s1;
	[tilespmem:s5+$0xE470] =	vst v0;
	v0 =	vld [tilespmem:s5+$0xE480]  }
0x28f: {  	v1 =	vld [tilespmem:s1+$0x0];
	_ =	sdelay $0x4  }
0x290: {  	v0 =	vadd.f32 v1, v0;
	_ =	sdelay $0x1  }
0x291: {  	[tilespmem:s5+$0xE480] =	vst v0;
	v0 =	vld [tilespmem:s5+$0xE490]  }
0x292: {  	v1 =	vld [tilespmem:s1+$0x10];
	_ =	sdelay $0x4  }
0x293: {  	v0 =	vadd.f32 v1, v0;
	_ =	sdelay $0x1  }
0x294: {  	[tilespmem:s5+$0xE490] =	vst v0;
	v0 =	vld [tilespmem:s5+$0xE4A0]  }
0x295: {  	v1 =	vld [tilespmem:s1+$0x20];
	_ =	sdelay $0x4  }
0x296: {  	v0 =	vadd.f32 v1, v0  }
0x297: {  	s16 =	sadd.s32 $0x8, s16  }
0x298: {  	s13 =	smulhi.u32 $0x51EB851F, s16;
	[tilespmem:s5+$0xE4A0] =	vst v0;
	v0 =	vld [tilespmem:s5+$0xE4B0]  }
0x299: {  	v1 =	vld [tilespmem:s1+$0x30]  }
0x29a: {  	s1 =	sshrl.u32 s13, $0x6  }
0x29b: {  	s1 =	smul.u32 $0xFFFF3800, s1;
	_ =	sdelay $0x1  }
0x29c: {  	s1 =	sshra.s32 s1, $0x2  }
0x29d: {  	s1 =	sadd.s32 s1, s4;
	v0 =	vadd.f32 v1, v0  }
0x29e: {  	s1 =	sadd.s32 s3, s1  }
0x29f: {  	s1 =	sadd.s32 s5, s1;
	[tilespmem:s5+$0xE4B0] =	vst v0;
	v0 =	vld [tilespmem:s5+$0xE4C0]  }
0x2a0: {  	v1 =	vld [tilespmem:s1+$0xFFFFFFD0];
	_ =	sdelay $0x4  }
0x2a1: {  	v0 =	vadd.f32 v1, v0;
	_ =	sdelay $0x1  }
0x2a2: {  	[tilespmem:s5+$0xE4C0] =	vst v0;
	v0 =	vld [tilespmem:s5+$0xE4D0]  }
0x2a3: {  	v1 =	vld [tilespmem:s1+$0xFFFFFFE0];
	_ =	sdelay $0x4  }
0x2a4: {  	v0 =	vadd.f32 v1, v0;
	_ =	sdelay $0x1  }
0x2a5: {  	[tilespmem:s5+$0xE4D0] =	vst v0;
	v0 =	vld [tilespmem:s5+$0xE4E0]  }
0x2a6: {  	v1 =	vld [tilespmem:s1+$0xFFFFFFF0];
	_ =	sdelay $0x4  }
0x2a7: {  	v0 =	vadd.f32 v1, v0  }
0x2a8: {  	s10 =	sadd.s32 $0x8, s10  }
0x2a9: {  	s13 =	smulhi.u32 $0x51EB851F, s10;
	[tilespmem:s5+$0xE4E0] =	vst v0;
	v0 =	vld [tilespmem:s5+$0xE4F0]  }
0x2aa: {  	v1 =	vld [tilespmem:s1+$0x0]  }
0x2ab: {  	s1 =	sshrl.u32 s13, $0x6  }
0x2ac: {  	s1 =	smul.u32 $0xFFFF3800, s1;
	_ =	sdelay $0x1  }
0x2ad: {  	s1 =	sshra.s32 s1, $0x2  }
0x2ae: {  	s1 =	sadd.s32 s1, s2;
	v0 =	vadd.f32 v1, v0  }
0x2af: {  	s1 =	sadd.s32 s3, s1  }
0x2b0: {  	s1 =	sadd.s32 s5, s1;
	[tilespmem:s5+$0xE4F0] =	vst v0;
	v0 =	vld [tilespmem:s5+$0xE500]  }
0x2b1: {  	v1 =	vld [tilespmem:s1+$0xFFFFFFD0];
	_ =	sdelay $0x4  }
0x2b2: {  	v0 =	vadd.f32 v1, v0;
	_ =	sdelay $0x1  }
0x2b3: {  	[tilespmem:s5+$0xE500] =	vst v0;
	v0 =	vld [tilespmem:s5+$0xE510]  }
0x2b4: {  	v1 =	vld [tilespmem:s1+$0xFFFFFFE0];
	_ =	sdelay $0x4  }
0x2b5: {  	v0 =	vadd.f32 v1, v0;
	_ =	sdelay $0x1  }
0x2b6: {  	[tilespmem:s5+$0xE510] =	vst v0;
	v0 =	vld [tilespmem:s5+$0xE520]  }
0x2b7: {  	v1 =	vld [tilespmem:s1+$0xFFFFFFF0];
	_ =	sdelay $0x4  }
0x2b8: {  	v0 =	vadd.f32 v1, v0  }
0x2b9: {  	s18 =	sadd.s32 $0x8, s18  }
0x2ba: {  	s13 =	smulhi.u32 $0x51EB851F, s18;
	[tilespmem:s5+$0xE520] =	vst v0;
	v0 =	vld [tilespmem:s5+$0xE530]  }
0x2bb: {  	v1 =	vld [tilespmem:s1+$0x0]  }
0x2bc: {  	s1 =	sshrl.u32 s13, $0x6  }
0x2bd: {  	s1 =	smul.u32 $0xFFFF3800, s1;
	_ =	sdelay $0x1  }
0x2be: {  	s1 =	sshra.s32 s1, $0x2  }
0x2bf: {  	s1 =	sadd.s32 s1, s19;
	v0 =	vadd.f32 v1, v0  }
0x2c0: {  	s1 =	sadd.s32 s3, s1  }
0x2c1: {  	s1 =	sadd.s32 s5, s1;
	[tilespmem:s5+$0xE530] =	vst v0;
	v0 =	vld [tilespmem:s5+$0xE540]  }
0x2c2: {  	v1 =	vld [tilespmem:s1+$0xFFFFFFD0];
	_ =	sdelay $0x4  }
0x2c3: {  	v0 =	vadd.f32 v1, v0;
	_ =	sdelay $0x1  }
0x2c4: {  	[tilespmem:s5+$0xE540] =	vst v0;
	v0 =	vld [tilespmem:s5+$0xE550]  }
0x2c5: {  	v1 =	vld [tilespmem:s1+$0xFFFFFFE0];
	_ =	sdelay $0x4  }
0x2c6: {  	v0 =	vadd.f32 v1, v0;
	_ =	sdelay $0x1  }
0x2c7: {  	[tilespmem:s5+$0xE550] =	vst v0;
	v0 =	vld [tilespmem:s5+$0xE560]  }
0x2c8: {  	v1 =	vld [tilespmem:s1+$0xFFFFFFF0];
	_ =	sdelay $0x4  }
0x2c9: {  	v0 =	vadd.f32 v1, v0  }
0x2ca: {  	s24 =	sadd.s32 $0x8, s24  }
0x2cb: {  	s13 =	smulhi.u32 $0x51EB851F, s24;
	[tilespmem:s5+$0xE560] =	vst v0;
	v0 =	vld [tilespmem:s5+$0xE570]  }
0x2cc: {  	v1 =	vld [tilespmem:s1+$0x0]  }
0x2cd: {  	s1 =	sshrl.u32 s13, $0x6  }
0x2ce: {  	s1 =	smul.u32 $0xFFFF3800, s1;
	_ =	sdelay $0x1  }
0x2cf: {  	s1 =	sshra.s32 s1, $0x2  }
0x2d0: {  	s1 =	sadd.s32 s1, s17;
	v0 =	vadd.f32 v1, v0  }
0x2d1: {  	s1 =	sadd.s32 s3, s1  }
0x2d2: {  	s1 =	sadd.s32 s5, s1;
	[tilespmem:s5+$0xE570] =	vst v0;
	v0 =	vld [tilespmem:s5+$0xE580]  }
0x2d3: {  	v1 =	vld [tilespmem:s1+$0xFFFFFFD0];
	_ =	sdelay $0x4  }
0x2d4: {  	v0 =	vadd.f32 v1, v0;
	_ =	sdelay $0x1  }
0x2d5: {  	[tilespmem:s5+$0xE580] =	vst v0;
	v0 =	vld [tilespmem:s5+$0xE590]  }
0x2d6: {  	v1 =	vld [tilespmem:s1+$0xFFFFFFE0];
	_ =	sdelay $0x4  }
0x2d7: {  	v0 =	vadd.f32 v1, v0;
	_ =	sdelay $0x1  }
0x2d8: {  	[tilespmem:s5+$0xE590] =	vst v0;
	v0 =	vld [tilespmem:s5+$0xE5A0]  }
0x2d9: {  	v1 =	vld [tilespmem:s1+$0xFFFFFFF0];
	_ =	sdelay $0x4  }
0x2da: {  	v0 =	vadd.f32 v1, v0  }
0x2db: {  	s22 =	sadd.s32 $0x8, s22  }
0x2dc: {  	s13 =	smulhi.u32 $0x51EB851F, s22;
	[tilespmem:s5+$0xE5A0] =	vst v0;
	v0 =	vld [tilespmem:s5+$0xE5B0]  }
0x2dd: {  	v1 =	vld [tilespmem:s1+$0x0]  }
0x2de: {  	s1 =	sshrl.u32 s13, $0x6  }
0x2df: {  	s1 =	smul.u32 $0xFFFF3800, s1;
	_ =	sdelay $0x1  }
0x2e0: {  	s1 =	sshra.s32 s1, $0x2  }
0x2e1: {  	s1 =	sadd.s32 s1, s28;
	v0 =	vadd.f32 v1, v0  }
0x2e2: {  	s1 =	sadd.s32 s3, s1  }
0x2e3: {  	s13 =	sadd.s32 s5, s1;
	[tilespmem:s5+$0xE5B0] =	vst v0;
	v0 =	vld [tilespmem:s5+$0xE5C0]  }
0x2e4: {  	v1 =	vld [tilespmem:s13+$0xFFFFFFD0];
	_ =	sdelay $0x4  }
0x2e5: {  	v0 =	vadd.f32 v1, v0;
	_ =	sdelay $0x1  }
0x2e6: {  	[tilespmem:s5+$0xE5C0] =	vst v0;
	v0 =	vld [tilespmem:s5+$0xE5D0]  }
0x2e7: {  	v1 =	vld [tilespmem:s13+$0xFFFFFFE0];
	_ =	sdelay $0x4  }
0x2e8: {  	v0 =	vadd.f32 v1, v0;
	_ =	sdelay $0x1  }
0x2e9: {  	[tilespmem:s5+$0xE5D0] =	vst v0;
	v0 =	vld [tilespmem:s5+$0xE5E0]  }
0x2ea: {  	v1 =	vld [tilespmem:s13+$0xFFFFFFF0];
	_ =	sdelay $0x2  }
.Ltmp1:
0x2eb: {  	(pc) =	sbr.rel @p0 .LBB2_5-.Ltmp1, $4  }
0x2ec: {  	_ = 	snop  }
0x2ed: {  	v0 =	vadd.f32 v1, v0  }
0x2ee: {  	s9 =	sadd.s32 $0x8, s9  }
0x2ef: {  	s11 =	sadd.s32 $0x800, s11;
	s1 =	smulhi.u32 $0x51EB851F, s9;
	[tilespmem:s5+$0xE5E0] =	vst v0;
	v0 =	vld [tilespmem:s5+$0xE5F0]  }
0x2f0: {  	v1 =	vld [tilespmem:s13+$0x0]  }
0x2f1: {  	s1 =	sshrl.u32 s1, $0x6  }
0x2f2: {  	s1 =	smul.u32 $0xFFFF3800, s1;
	_ =	sdelay $0x1  }
0x2f3: {  	s1 =	sshra.s32 s1, $0x2  }
0x2f4: {  	s1 =	sadd.s32 s1, s7;
	v0 =	vadd.f32 v1, v0  }
0x2f5: {  	s6 =	sshra.s32 s6, $0x2;
	s1 =	sadd.s32 s3, s1  }
0x2f6: {  	v9 =	vld [tilespmem:s6+$0xE400];
	[tilespmem:s5+$0xE5F0] =	vst v0;
	s1 =	sadd.s32 s6, s1  }
0x2f7: {  	v0 =	vld [tilespmem:s1+$0x0];
	_ =	sdelay $0x4  }
0x2f8: {  	v0 =	vadd.f32 v0, v9;
	_ =	sdelay $0x1  }
0x2f9: {  	v10 =	vld [tilespmem:s6+$0xE410];
	[tilespmem:s6+$0xE400] =	vst v0  }
0x2fa: {  	v11 =	vld [tilespmem:s1+$0x10];
	_ =	sdelay $0x4  }
0x2fb: {  	v0 =	vadd.f32 v11, v10;
	_ =	sdelay $0x1  }
0x2fc: {  	v12 =	vld [tilespmem:s6+$0xE420];
	[tilespmem:s6+$0xE410] =	vst v0  }
0x2fd: {  	v13 =	vld [tilespmem:s1+$0x20];
	_ =	sdelay $0x4  }
0x2fe: {  	v0 =	vadd.f32 v13, v12  }
0x2ff: {  	s13 =	sadd.s32 $0x8, s21  }
0x300: {  	s21 =	smulhi.u32 $0x51EB851F, s13;
	v14 =	vld [tilespmem:s6+$0xE430];
	[tilespmem:s6+$0xE420] =	vst v0  }
0x301: {  	v0 =	vld [tilespmem:s1+$0x30]  }
0x302: {  	s1 =	sshrl.u32 s21, $0x6  }
0x303: {  	s1 =	smul.u32 $0xFFFF3800, s1;
	_ =	sdelay $0x1  }
0x304: {  	s1 =	sshra.s32 s1, $0x2  }
0x305: {  	s1 =	sadd.s32 s1, s8;
	v0 =	vadd.f32 v0, v14  }
0x306: {  	s1 =	sadd.s32 s3, s1  }
0x307: {  	v15 =	vld [tilespmem:s6+$0xE440];
	s1 =	sadd.s32 s6, s1;
	[tilespmem:s6+$0xE430] =	vst v0  }
0x308: {  	v16 =	vld [tilespmem:s1+$0x0];
	_ =	sdelay $0x4  }
0x309: {  	v0 =	vadd.f32 v16, v15;
	_ =	sdelay $0x1  }
0x30a: {  	v17 =	vld [tilespmem:s6+$0xE450];
	[tilespmem:s6+$0xE440] =	vst v0  }
0x30b: {  	v18 =	vld [tilespmem:s1+$0x10];
	_ =	sdelay $0x4  }
0x30c: {  	v0 =	vadd.f32 v18, v17;
	_ =	sdelay $0x1  }
0x30d: {  	v19 =	vld [tilespmem:s6+$0xE460];
	[tilespmem:s6+$0xE450] =	vst v0  }
0x30e: {  	v20 =	vld [tilespmem:s1+$0x20];
	_ =	sdelay $0x4  }
0x30f: {  	v0 =	vadd.f32 v20, v19  }
0x310: {  	s0 =	sadd.s32 $0x8, s20  }
0x311: {  	s9 =	smulhi.u32 $0x51EB851F, s0;
	v21 =	vld [tilespmem:s6+$0xE470];
	[tilespmem:s6+$0xE460] =	vst v0  }
0x312: {  	v0 =	vld [tilespmem:s1+$0x30]  }
0x313: {  	s1 =	sshrl.u32 s9, $0x6  }
0x314: {  	s1 =	smul.u32 $0xFFFF3800, s1;
	_ =	sdelay $0x1  }
0x315: {  	s1 =	sshra.s32 s1, $0x2  }
0x316: {  	s1 =	sadd.s32 s1, s23;
	v0 =	vadd.f32 v0, v21  }
0x317: {  	s1 =	sadd.s32 s3, s1  }
0x318: {  	v22 =	vld [tilespmem:s6+$0xE480];
	s1 =	sadd.s32 s6, s1;
	[tilespmem:s6+$0xE470] =	vst v0  }
0x319: {  	v23 =	vld [tilespmem:s1+$0x0];
	_ =	sdelay $0x4  }
0x31a: {  	v0 =	vadd.f32 v23, v22;
	_ =	sdelay $0x1  }
0x31b: {  	v24 =	vld [tilespmem:s6+$0xE490];
	[tilespmem:s6+$0xE480] =	vst v0  }
0x31c: {  	v25 =	vld [tilespmem:s1+$0x10];
	_ =	sdelay $0x4  }
0x31d: {  	v0 =	vadd.f32 v25, v24;
	_ =	sdelay $0x1  }
0x31e: {  	v26 =	vld [tilespmem:s6+$0xE4A0];
	[tilespmem:s6+$0xE490] =	vst v0  }
0x31f: {  	v27 =	vld [tilespmem:s1+$0x20];
	_ =	sdelay $0x4  }
0x320: {  	v0 =	vadd.f32 v27, v26  }
0x321: {  	s11 =	sadd.s32 $0x8, s16  }
0x322: {  	s12 =	smulhi.u32 $0x51EB851F, s11;
	v28 =	vld [tilespmem:s6+$0xE4B0];
	[tilespmem:s6+$0xE4A0] =	vst v0  }
0x323: {  	v0 =	vld [tilespmem:s1+$0x30]  }
0x324: {  	s1 =	sshrl.u32 s12, $0x6  }
0x325: {  	s1 =	smul.u32 $0xFFFF3800, s1;
	_ =	sdelay $0x1  }
0x326: {  	s1 =	sshra.s32 s1, $0x2  }
0x327: {  	s1 =	sadd.s32 s1, s4;
	v0 =	vadd.f32 v0, v28  }
0x328: {  	s1 =	sadd.s32 s3, s1  }
0x329: {  	v29 =	vld [tilespmem:s6+$0xE4C0];
	s1 =	sadd.s32 s6, s1;
	[tilespmem:s6+$0xE4B0] =	vst v0  }
0x32a: {  	v30 =	vld [tilespmem:s1+$0xFFFFFFD0];
	_ =	sdelay $0x4  }
0x32b: {  	v0 =	vadd.f32 v30, v29;
	_ =	sdelay $0x1  }
0x32c: {  	v31 =	vld [tilespmem:s6+$0xE4D0];
	[tilespmem:s6+$0xE4C0] =	vst v0  }
0x32d: {  	v32 =	vld [tilespmem:s1+$0xFFFFFFE0];
	_ =	sdelay $0x4  }
0x32e: {  	v0 =	vadd.f32 v32, v31;
	_ =	sdelay $0x1  }
0x32f: {  	v33 =	vld [tilespmem:s6+$0xE4E0];
	[tilespmem:s6+$0xE4D0] =	vst v0  }
0x330: {  	v34 =	vld [tilespmem:s1+$0xFFFFFFF0];
	_ =	sdelay $0x4  }
0x331: {  	v0 =	vadd.f32 v34, v33  }
0x332: {  	s13 =	sadd.s32 $0x8, s10  }
0x333: {  	s16 =	smulhi.u32 $0x51EB851F, s13;
	v35 =	vld [tilespmem:s6+$0xE4F0];
	[tilespmem:s6+$0xE4E0] =	vst v0  }
0x334: {  	v0 =	vld [tilespmem:s1+$0x0]  }
0x335: {  	s1 =	sshrl.u32 s16, $0x6  }
0x336: {  	s1 =	smul.u32 $0xFFFF3800, s1;
	_ =	sdelay $0x1  }
0x337: {  	s1 =	sshra.s32 s1, $0x2  }
0x338: {  	s1 =	sadd.s32 s1, s2;
	v0 =	vadd.f32 v0, v35  }
0x339: {  	s1 =	sadd.s32 s3, s1  }
0x33a: {  	v36 =	vld [tilespmem:s6+$0xE500];
	s1 =	sadd.s32 s6, s1;
	[tilespmem:s6+$0xE4F0] =	vst v0  }
0x33b: {  	v37 =	vld [tilespmem:s1+$0xFFFFFFD0];
	_ =	sdelay $0x4  }
0x33c: {  	v0 =	vadd.f32 v37, v36;
	_ =	sdelay $0x1  }
0x33d: {  	v38 =	vld [tilespmem:s6+$0xE510];
	[tilespmem:s6+$0xE500] =	vst v0  }
0x33e: {  	v39 =	vld [tilespmem:s1+$0xFFFFFFE0];
	_ =	sdelay $0x4  }
0x33f: {  	v0 =	vadd.f32 v39, v38;
	_ =	sdelay $0x1  }
0x340: {  	v40 =	vld [tilespmem:s6+$0xE520];
	[tilespmem:s6+$0xE510] =	vst v0  }
0x341: {  	v41 =	vld [tilespmem:s1+$0xFFFFFFF0];
	_ =	sdelay $0x4  }
0x342: {  	v0 =	vadd.f32 v41, v40  }
0x343: {  	s20 =	sadd.s32 $0x8, s18  }
0x344: {  	v42 =	vld [tilespmem:s6+$0xE530];
	s21 =	smulhi.u32 $0x51EB851F, s20;
	[tilespmem:s6+$0xE520] =	vst v0  }
0x345: {  	v0 =	vld [tilespmem:s1+$0x0]  }
0x346: {  	s1 =	sshrl.u32 s21, $0x6  }
0x347: {  	s1 =	smul.u32 $0xFFFF3800, s1;
	_ =	sdelay $0x1  }
0x348: {  	s1 =	sshra.s32 s1, $0x2  }
0x349: {  	s1 =	sadd.s32 s1, s19;
	v0 =	vadd.f32 v0, v42  }
0x34a: {  	s1 =	sadd.s32 s3, s1  }
0x34b: {  	v43 =	vld [tilespmem:s6+$0xE540];
	s1 =	sadd.s32 s6, s1;
	[tilespmem:s6+$0xE530] =	vst v0  }
0x34c: {  	v44 =	vld [tilespmem:s1+$0xFFFFFFD0];
	_ =	sdelay $0x4  }
0x34d: {  	v0 =	vadd.f32 v44, v43;
	_ =	sdelay $0x1  }
0x34e: {  	v45 =	vld [tilespmem:s6+$0xE550];
	[tilespmem:s6+$0xE540] =	vst v0  }
0x34f: {  	v46 =	vld [tilespmem:s1+$0xFFFFFFE0];
	_ =	sdelay $0x4  }
0x350: {  	v0 =	vadd.f32 v46, v45;
	_ =	sdelay $0x1  }
0x351: {  	v47 =	vld [tilespmem:s6+$0xE560];
	[tilespmem:s6+$0xE550] =	vst v0  }
0x352: {  	v48 =	vld [tilespmem:s1+$0xFFFFFFF0];
	_ =	sdelay $0x4  }
0x353: {  	v0 =	vadd.f32 v48, v47  }
0x354: {  	s0 =	sadd.s32 $0x8, s24  }
0x355: {  	v49 =	vld [tilespmem:s6+$0xE570];
	s9 =	smulhi.u32 $0x51EB851F, s0;
	[tilespmem:s6+$0xE560] =	vst v0  }
0x356: {  	v0 =	vld [tilespmem:s1+$0x0]  }
0x357: {  	s1 =	sshrl.u32 s9, $0x6  }
0x358: {  	s1 =	smul.u32 $0xFFFF3800, s1;
	_ =	sdelay $0x1  }
0x359: {  	s1 =	sshra.s32 s1, $0x2  }
0x35a: {  	s1 =	sadd.s32 s1, s17;
	v0 =	vadd.f32 v0, v49  }
0x35b: {  	s1 =	sadd.s32 s3, s1  }
0x35c: {  	v50 =	vld [tilespmem:s6+$0xE580];
	s1 =	sadd.s32 s6, s1;
	[tilespmem:s6+$0xE570] =	vst v0  }
0x35d: {  	v51 =	vld [tilespmem:s1+$0xFFFFFFD0];
	_ =	sdelay $0x4  }
0x35e: {  	v0 =	vadd.f32 v51, v50;
	_ =	sdelay $0x1  }
0x35f: {  	v52 =	vld [tilespmem:s6+$0xE590];
	[tilespmem:s6+$0xE580] =	vst v0  }
0x360: {  	v53 =	vld [tilespmem:s1+$0xFFFFFFE0];
	_ =	sdelay $0x4  }
0x361: {  	v0 =	vadd.f32 v53, v52;
	_ =	sdelay $0x1  }
0x362: {  	v54 =	vld [tilespmem:s6+$0xE5A0];
	[tilespmem:s6+$0xE590] =	vst v0  }
0x363: {  	v55 =	vld [tilespmem:s1+$0xFFFFFFF0];
	_ =	sdelay $0x4  }
0x364: {  	v0 =	vadd.f32 v55, v54  }
0x365: {  	s10 =	sadd.s32 $0x8, s22  }
0x366: {  	s11 =	smulhi.u32 $0x51EB851F, s10;
	v56 =	vld [tilespmem:s6+$0xE5B0];
	[tilespmem:s6+$0xE5A0] =	vst v0  }
0x367: {  	v0 =	vld [tilespmem:s1+$0x0]  }
0x368: {  	s1 =	sshrl.u32 s11, $0x6  }
0x369: {  	s1 =	smul.u32 $0xFFFF3800, s1;
	_ =	sdelay $0x1  }
0x36a: {  	s1 =	sshra.s32 s1, $0x2  }
0x36b: {  	s1 =	sadd.s32 s1, s28;
	v0 =	vadd.f32 v0, v56  }
0x36c: {  	s1 =	sadd.s32 s3, s1  }
0x36d: {  	v57 =	vld [tilespmem:s6+$0xE5C0];
	s1 =	sadd.s32 s6, s1;
	[tilespmem:s6+$0xE5B0] =	vst v0  }
0x36e: {  	v58 =	vld [tilespmem:s1+$0xFFFFFFD0];
	_ =	sdelay $0x4  }
0x36f: {  	v0 =	vadd.f32 v58, v57;
	_ =	sdelay $0x1  }
0x370: {  	v59 =	vld [tilespmem:s6+$0xE5D0];
	[tilespmem:s6+$0xE5C0] =	vst v0  }
0x371: {  	v60 =	vld [tilespmem:s1+$0xFFFFFFE0];
	_ =	sdelay $0x2  }
0x372: {  	s18 =	rddreg [dreg:$0xa]  }
0x373: {  	s30 =	rddreg [dreg:$0x1a];
	s10 =	smov.u32 s23  }
0x374: {  	s13 =	sld [smem:$0x7F5];
	s10 =	sadd.s32 $0x10000, s10;
	v0 =	vadd.f32 v60, v59  }
0x375: {  	[dreg:$0x1b] =	wrdreg s10  }
0x376: {  	v61 =	vld [tilespmem:s6+$0xE5E0];
	s0 =	sld [smem:$0x7F8];
	[tilespmem:s6+$0xE5D0] =	vst v0  }
0x377: {  	s10 =	rddreg [dreg:$0x1d];
	v62 =	vld [tilespmem:s1+$0xFFFFFFF0]  }
0x378: {  	s20 =	sld [smem:$0x7FB]  }
0x379: {  	s12 =	sadd.s32 s25, s0;
	s25 =	rddreg [dreg:$0x1f]  }
0x37a: {  	s16 =	sld [smem:$0x7FA]  }
0x37b: {  	s24 =	sadd.s32 $0x1, s13;
	s13 =	sadd.s32 $0x400, s25;
	s25 =	rddreg [dreg:$0x16]  }
0x37c: {  	s9 =	rddreg [dreg:$0x9];
	v0 =	vadd.f32 v62, v61  }
0x37d: {  	s22 =	sadd.s32 $0x400, s16;
	s16 =	sadd.s32 $0x400, s9;
	s9 =	smov.u32 s19  }
0x37e: {  	v63 =	vld [tilespmem:s6+$0xE5F0];
	s21 =	rddreg [dreg:$0xb];
	s9 =	sadd.s32 $0x10000, s9;
	[tilespmem:s6+$0xE5E0] =	vst v0  }
0x37f: {  	[dreg:$0x19] =	wrdreg s9;
	v0 =	vld [tilespmem:s1+$0x0]  }
0x380: {  	s11 =	sld [smem:$0x7F9];
	s3 =	smov.u32 s8;
	s8 =	sadd.s32 $0x10000, s21  }
0x381: {  	s21 =	rddreg [dreg:$0x13];
	s3 =	sadd.s32 $0x10000, s3;
	s1 =	sshll.u32 s12, $0x3  }
0x382: {  	[dreg:$0x15] =	wrdreg s3;
	s1 =	sand.u32 $0x1FFFF000, s1  }
0x383: {  	s26 =	sadd.s32 $0x10000, s26;
	s1 =	sadd.s32 s14, s1;
	s14 =	sld [smem:$0x7F7]  }
0x384: {  	s31 =	sadd.s32 $0x10000, s31;
	s30 =	sadd.s32 $0x400, s30;
	s3 =	rddreg [dreg:$0x1c];
	v0 =	vadd.f32 v0, v63  }
0x385: {  	s5 =	simm.s32 $0xE400;
	s4 =	sadd.s32 $0x10000, s4;
	s12 =	rddreg [dreg:$0xd]  }
0x386: {  	s2 =	sadd.s32 $0x10000, s2;
	s0 =	sadd.s32 $0x400, s14;
	[tilespmem:s6+$0xE5F0] =	vst v0;
	s6 =	rddreg [dreg:$0xc]  }
0x387: {  	[hbm4b:s1+s29] =	stream.linear.scatter [tilespmem:s5], [sflag:$0x4], $0x8000, $0x38;
	[tilespmem:$0x19600] =	vst v63  }
0x388: {  	s14 =	sadd.s32 $0x400, s20;
	s20 =	rddreg [dreg:$0x11];
	s23 =	sadd.s32 $0x10000, s6  }
0x389: {  	s6 =	smov.u32 s17;
	s17 =	sadd.s32 $0x10000, s12;
	s12 =	rddreg [dreg:$0xe]  }
0x38a: {  	s29 =	sadd.s32 $0x10000, s15;
	s1 =	smov.u32 s7;
	s15 =	rddreg [dreg:$0xf]  }
0x38b: {  	s7 =	sadd.s32 $0x10000, s18;
	s18 =	rddreg [dreg:$0x10];
	s6 =	sadd.s32 $0x10000, s6  }
0x38c: {  	s11 =	sadd.s32 $0x400, s11;
	[dreg:$0x17] =	wrdreg s6;
	s6 =	smov.u32 s24  }
0x38d: {  	s19 =	sadd.s32 $0x10000, s15;
	s15 =	sadd.s32 $0x400, s18;
	p0 =	sne.s32 s6, $0x19  }
.Ltmp2:
0x38e: {  	s18 =	sadd.s32 $0x400, s20;
	s20 =	sadd.s32 $0x400, s21;
	(pc) =	sbr.rel @p0 .LBB2_2-.Ltmp2, $4  }
0x38f: {  	s1 =	sadd.s32 $0x10000, s1;
	s21 =	sadd.s32 $0x400, s25;
	s25 =	rddreg [dreg:$0x1e]  }
0x390: {  	s28 =	sadd.s32 $0x10000, s28;
	s9 =	smov.u32 s0;
	[dreg:$0x14] =	wrdreg s1  }
0x391: {  	s0 =	sadd.s32 $0x400, s3;
	s12 =	sadd.s32 $0x400, s12;
	s1 =	rddreg [dreg:$0x18]  }
0x392: {  	s3 =	sadd.s32 $0x400, s25;
	s24 =	sadd.s32 $0x400, s1;
	s1 =	sadd.s32 $0x400, s10  }
0x393: {  	s0 =	simm.s32 $0x3  }
0x394: {  	_ =	swait.ge [sflag:s0], $0x8000  }
0x395: {  	[sflag:s0] =	ssyncset.done $0x0  }
0x396: {  	s1 =	simm.s32 $0x4;
	[sflag:s0] =	ssyncadd.s32 $0xFFFF8000  }
0x397: {  	_ =	swait.ge [sflag:s1], $0x8000  }
0x398: {  	s2 =	rddreg [dreg:$0x8]  }
0x399: {  	s31 =	rddreg [dreg:$0x7];
	s2 =	sadd.s32 $0x1, s2  }
0x39a: {  	p0 =	sne.s32 s2, s31  }
.Ltmp3:
0x39b: {  	_ = 	snop;
	(pc) =	sbr.rel @p0 .LBB2_1-.Ltmp3, $3  }
0x39c: {  	_ =	sdelay $0x1  }
0x39d: {  	[sflag:s1] =	ssyncset.done $0x0  }
0x39e: {  	s4 =	simm.s32 $0x0;
	[sflag:s1] =	ssyncadd.s32 $0xFFFF8000  }
0x39f: {  	_ =	sfence.sel $0x180000  }
0x3a0: {  	[bflag:$0x0] =	sbarrier.arrive $0xFFFF  }
0x3a1: {  	_ =	strace $0x90000047  }
0x3a2: {  	s0 =	stileid.u32;
	[bflag:$0x2] =	sbarrier.arrive $0xFFFF  }
0x3a3: {  	p0 =	sne.s32 s0, $0x0;
	s0 =	rddreg [dreg:$0x2]  }
0x3a4: {  	s0 =	sadd.s32 @!p0 $0x100000, s0  }
0x3a5: {  	[sflag:s0] =	ssyncadd.tile.s32 @!p0 $0x1;
	_ =	shalt  }
.Lfunc_end2:
_tile_overlayer_lowered:
.L_overlay_start_2:
0x3a6: {  	(tag) =	ssettag $0x2  }
0x3a7: {  	s0 =	rddreg [dreg:$0x0];
	s2 =	stileid.u32  }
0x3a8: {  	s1 =	rddreg [dreg:$0x1];
	p0 =	sne.s32 s2, $0x0  }
0x3a9: {  	s3 =	rddreg [dreg:$0x2];
	[bflag:$0x3] =	sbarrier.arrive $0xFFFF;
	s2 =	simm.s32 @!p0 $0x1C05  }
0x3aa: {  	[timem:s3], [sflag:s2] =	dma.local @!p0 [hbm:s0], s1  }
0x3ab: {  	s0 =	simm.s32 @!p0 $0x5  }
0x3ac: {  	_ =	swait.ge @!p0 [sflag:s0], s1  }
0x3ad: {  	s1 =	ssub.s32 @!p0 $0x0, s1;
	[sflag:s0] =	ssyncset.done @!p0 $0x0  }
0x3ae: {  	[sflag:s0] =	ssyncadd.s32 @!p0 s1  }
0x3af: {  	[bflag:$0x3] =	sbarrier.arrive $0xFFFF  }
0x3b0: {  	_ =	shalt  }

// kernel: sparse-core-data-format-call.cloned.1.call-start
scs
called_computation_lowered:
.L_overlay_start_0:
0x0: {  	s2 =	sld [smem:$0x3FD9]  }
0x1: {  	s3 =	sld [smem:$0x3FFE];
	_ =	sdelay $0x1  }
0x2: {  	s1 =	srdreg.scid  }
0x3: {  	s0 =	sand.u32 $0x1, s1  }
0x4: {  	s18 =	sshll.u32 s0, $0xA;
	s2 =	sadd.s32 s3, s2  }
0x5: {  	s2 =	sadd.s32 s2, s18  }
0x6: {  	[smem:$0x3FC5] =	sst s2  }
0x7: {  	_ = 	snop  }
0x8: {  	s2 =	sld [smem:$0x3FD0];
	(tm) =	ssettm $0x1  }
0x9: {  	s19 =	sld [smem:$0x3FFB];
	_ =	sdelay $0x3  }
0xa: {  	_ =	strace s19  }
0xb: {  	s3 =	sld [smem:$0x3FFC];
	_ =	sdelay $0x3  }
0xc: {  	_ =	strace s3  }
0xd: {  	s3 =	sld [smem:$0x3FFD];
	_ =	sdelay $0x3  }
0xe: {  	_ =	strace s3  }
0xf: {  	_ =	strace $0x8FFFFFFF  }
0x10: {  	s20 =	sld [smem:$0x3FDB];
	_ =	sdelay $0x1  }
0x11: {  	s4 =	simm.s32 $_scs_section_size  }
0x12: {  	s5 =	simm.s32 $_size__tile_overlayer_lowered;
	s6 =	simm.s32 $_tile_overlayer_lowered  }
0x13: {  	s23 =	simm.s32 $0x1BFF;
	s22 =	sshll.u32 s6, $0x1;
	s3 =	sadd.s32 s4, s20  }
0x14: {  	s7 =	simm.s32 $0x0;
	s21 =	sshll.u32 s5, $0x1;
	s5 =	sadd.s32 s22, s3  }
0x15: {  	[timem:s7], [sflag:s23] =	dma.local [hbm:s5], s21  }
0x16: {  	_ =	swait.ge [sflag:s23], s21  }
0x17: {  	s4 =	ssub.s32 $0x0, s21;
	[sflag:s23] =	ssyncset.done $0x0  }
0x18: {  	[sflag:s23] =	ssyncadd.s32 s4;
	_ =	sdelay $0x1  }
0x19: {  	s24 =	simm.s32 $0x1B8B  }
0x1a: {  	_ =	swait.ge [sflag:s24], $0x1  }
0x1b: {  	[sflag:s24] =	ssyncset.done $0x0  }
0x1c: {  	s26 =	simm.s32 $0x1B8E;
	s25 =	sld [smem:$0x3FFE];
	[sflag:s24] =	ssyncadd.s32 $0xFFFFFFFF  }
0x1d: {  	s27 =	simm.s32 $execute0_lowered;
	[smem:$0x3FD2] =	sst s26  }
0x1e: {  	s5 =	sshll.u32 s27, $0x1;
	_ =	strace $0x80000049;
	[dreg:$0x1] =	wrdreg $0xFFFFFFFF  }
0x1f: {  	s28 =	simm.s32 $_size_execute0_lowered;
	s3 =	sadd.s32 s3, s5;
	[dreg:$0x0] =	wrdreg $0x0  }
0x20: {  	s5 =	sshll.u32 s28, $0x1;
	[dreg:$0x2] =	wrdreg s3  }
0x21: {  	[dreg:$0x3] =	wrdreg s5  }
0x22: {  	[dreg:$0x4] =	wrdreg $0xC0  }
0x23: {  	_ =	task [dreg:s7], $0x5FFFF  }
0x24: {  	[dreg:$0x1] =	wrdreg $0xFFFFFFFF  }
0x25: {  	[dreg:$0x0] =	wrdreg $0x60  }
0x26: {  	[dreg:$0x2] =	wrdreg s25  }
0x27: {  	[dreg:$0x3] =	wrdreg s2  }
0x28: {  	[dreg:$0x4] =	wrdreg $0x9  }
0x29: {  	_ =	task.clear_ibuf [dreg:s7], $0x5FFFF;
	_ =	strace $0x90000049  }
0x2a: {  	s29 =	simm.s32 $0x9;
	_ =	strace $0x8000004B  }
0x2b: {  	_ =	swait.ge [sflag:s29], $0x1  }
0x2c: {  	[sflag:s29] =	ssyncadd.s32 $0xFFFFFFFF  }
0x2d: {  	_ =	strace $0x9000004B  }
0x2e: {  	_ =	sfence  }
0x2f: {  	s30 =	sld [smem:$0x0];
	_ =	sdelay $0x2  }
0x30: {  	s31 =	sshll.u32 s1, $0xD;
	s1 =	sshrl.u32 s1, $0x2  }
0x31: {  	s3 =	sand.u32 $0x4000, s31;
	s1 =	sadd.s32 s1, s30  }
0x32: {  	s0 =	sor.u32 s3, s0;
	s1 =	sshll.u32 s1, $0x11  }
0x33: {  	s0 =	sor.u32 s1, s0  }
0x34: {  	s0 =	sadd.s32 $0x8F2B, s0  }
0x35: {  	[sflag:s0] =	ssyncadd.remote.s32 $0x1  }
0x36: {  	_ =	sfence.sel $0xFFFF  }
0x37: {  	[dreg:$0x0] =	wrdreg $0xFFFFFFFF;
	(pc) =	sbr.abs _section_cstart, $3  }
0x38: {  	[dreg:$0x1] =	wrdreg $0xFFFFFFFF  }
0x39: {  	_ =	task.clear_ibuf [dreg:s7], $0x2FFFF;
	_ =	strace $0x9FFFFFFF  }
0x3a: {  	(tm) =	ssettm $0x7FFFFFFF  }
0x3b: {  	_ =	shalt  }
tec
execute0_lowered:
.L_overlay_start_1:
0x0: {  	(tag) =	ssettag $0x1  }
0x1: {  	s0 =	srdreg.scid  }
0x2: {  	s1 =	sshll.u32 s0, $0x4  }
0x3: {  	s0 =	stileid.u32;
	s1 =	sand.u32 $0x10, s1  }
0x4: {  	s1 =	sor.u32 s0, s1  }
0x5: {  	s6 =	rddreg [dreg:$0x0];
	s4 =	simm.s32 $0x1;
	s2 =	sshll.u32 s1, $0x7  }
0x6: {  	s7 =	simm.s32 $0x2;
	s12 =	simm.s32 $0x0;
	s1 =	ssub.s32 $0x1000, s2  }
0x7: {  	s8 =	simm.s32 $0x8000;
	s13 =	simm.s32 $0x0;
	s3 =	sand.u32 $0xF80, s1  }
0x8: {  	s9 =	simm.s32 $0x0;
	s5 =	sshrl.u32 s1, $0xC;
	p0 =	sne.s32 s3, $0x0  }
.Ltmp0:
0x9: {  	s1 =	rddreg [dreg:$0x2];
	s4 =	simm.s32 @!p0 $0x0;
	(pc) =	sbr.rel .LBB1_1-.Ltmp0, $4  }
0xa: {  	s11 =	simm.s32 $0x0;
	s3 =	rddreg [dreg:$0x1];
	s5 =	sadd.s32 s4, s5  }
0xb: {  	_ =	strace $0x8000004A;
	s4 =	simm.s32 $0x1;
	s5 =	smul.u32 $0xC8, s5  }
0xc: {  	s6 =	sadd.s32 $0xC00, s6;
	s10 =	smov.u32 s2;
	[sflag:s4] =	ssyncpa.u1 $0x0  }
0xd: {  	p0 =	por $0x0, $0x0;
	[sflag:s7] =	ssyncpa.u1 $0x0;
	s7 =	sor.u32 $0x1, s5  }
.LBB1_4:
0xe: {  	s16 =	sshll.u32 s13, $0x3;
	s17 =	sand.u32 $0x78, s13  }
0xf: {  	s30 =	sand.u32 $0x7E00, s13;
	s12 =	sshll.u32 s12, $0xF;
	s16 =	sand.u32 $0xC00, s16  }
0x10: {  	[tilespmem:s15+$0x810 ss:$0x81] =	vst.msk $0xffff, v2;
	s31 =	sand.u32 $0x7, s13;
	s16 =	sor.u32 s17, s16;
	s17 =	sadd.s32 s3, s30  }
0x11: {  	[tilespmem:s15+$0x1020 ss:$0x81] =	vst.msk $0xffff, v0;
	s13 =	sshll.u32 s31, $0x12;
	s12 =	sadd.s32 s12, s17;
	s16 =	sshrl.u32 s16, $0x3  }
0x12: {  	[tilespmem:s15+$0x0 ss:$0x81] =	vst.msk $0xffff, v1;
	s13 =	sor.u32 $0x400, s13;
	s12 =	sadd.s32 s16, s12  }
0x13: {  	[hbm4b:s12+s13] =	stream.strided.scatter [tilespmem:s14], [sflag:$0x2], $0x2000, s8, s13, $0x20;
	[tilespmem:$0x8080] =	vst v63  }
.LBB1_5:
0x14: {  	s14 =	sadd.s32 $0x1, s9  }
0x15: {  	s12 =	sadd.s32 $0x1000, s10;
	s16 =	smov.u32 s10;
	p2 =	sgt.s32 s14, $0xC7  }
0x16: {  	s16 =	smov.u32 @p2 s12  }
0x17: {  	s14 =	simm.s32 @p2 $0x0;
	p2 =	sgt.s32 s16, $0xFFF  }
0x18: {  	s16 =	smov.u32 @p2 s2;
	p2 =	sne.s32 s11, s7  }
.Ltmp1:
0x19: {  	p1 =	slt.u32 s11, $0x2;
	(pc) =	sbr.rel @!p2 .LBB1_6-.Ltmp1, $4  }
0x1a: {  	s15 =	simm.s32 @!p1 $0x2  }
0x1b: {  	s13 =	smov.u32 s10;
	p0 =	por !p0, !p0;
	_ =	swait.ge @!p1 [sflag:s15], $0x2000  }
0x1c: {  	s12 =	smov.u32 s9;
	[sflag:s15] =	ssyncset.done @!p1 $0x0;
	s9 =	smov.u32 s14  }
0x1d: {  	s11 =	sadd.s32 $0x1, s11;
	[sflag:s15] =	ssyncadd.s32 @!p1 $0xFFFFE000;
	s10 =	smov.u32 s16  }
.LBB1_1:
0x1e: {  	p1 =	sge.u32 s11, s5  }
0x1f: {  	s14 =	sand.u32 @!p1 $0x1FFFFFF, s9  }
0x20: {  	s15 =	smulhi.u32 @!p1 $0x147AE15, s14;
	_ =	sdelay $0x1  }
0x21: {  	s15 =	smul.u32 @!p1 $0xC8, s15  }
0x22: {  	s16 =	sxor.u32 @!p1 $0xFFFFFFFF, s11;
	s17 =	smul.u32 @!p1 $0xC80, s10  }
0x23: {  	s31 =	sadd.s32 $0xFFFFFFFF, s11;
	s16 =	sshll.u32 @!p1 s16, $0xD;
	s14 =	ssub.s32 @!p1 s14, s15  }
0x24: {  	s15 =	sand.u32 @!p1 $0x2000, s16;
	s16 =	sadd.s32 @!p1 s6, s17;
	s14 =	sshll.u32 @!p1 s14, $0x4  }
0x25: {  	s17 =	simm.s32 @!p1 $0x6400;
	s14 =	sadd.s32 @!p1 s14, s16;
	s16 =	simm.s32 @!p1 $0x40  }
0x26: {  	[tilespmem:s15], [sflag:$0x1] =	stream.strided.gather @!p1 [hbm4b:s14+s16], $0x2000, s17, s16, $0x38;
	[tilespmem:$0x8080] =	vst v63  }
0x27: {  	p1 =	sge.u32 s31, s5  }
.Ltmp2:
0x28: {  	_ = 	snop;
	(pc) =	sbr.rel @p1 .LBB1_5-.Ltmp2, $1  }
0x29: {  	_ =	sdelay $0x3  }
0x2a: {  	s14 =	simm.s32 $0x1  }
0x2b: {  	_ =	swait.ge [sflag:s4], $0x2000;
	s14 =	simm.s32 @!p0 $0x0  }
0x2c: {  	[sflag:s4] =	ssyncset.done $0x0;
	s15 =	sshll.u32 s14, $0xD  }
0x2d: {  	[sflag:s4] =	ssyncadd.s32 $0xFFFFE000;
	s18 =	sor.u32 $0x20, s15  }
0x2e: {  	s14 =	smul.u32 $0x8100, s14;
	v3 =	vld [tilespmem:s18+$0x10]  }
0x2f: {  	s30 =	sand.u32 $0x1, s11;
	v2 =	vld [tilespmem:s18+$0xFFFFFFF0]  }
0x30: {  	s15 =	smul.u32 $0x8100, s30;
	s14 =	sshrl.u32 s14, $0x2;
	v0 =	vld [tilespmem:s18+$0x0]  }
0x31: {  	v1 =	vld [tilespmem:s18+$0xFFFFFFE0];
	s16 =	sor.u32 $0x4000, s14  }
0x32: {  	s31 =	sshrl.u32 s15, $0x2;
	s15 =	sadd.s32 $0x0, s16  }
0x33: {  	s17 =	simm.s32 $0x4;
	s18 =	sadd.s32 $0x40, s18;
	s14 =	sor.u32 $0x4000, s31;
	[tilespmem:s15+$0x1830 ss:$0x81] =	vst.msk $0xffff, v3  }
.LBB1_3:
0x34: {  	v3 =	vld [tilespmem:s18+$0x10];
	p1 =	sne.s32 s17, $0x1FC;
	[tilespmem:s15+$0x810 ss:$0x81] =	vst.msk $0xffff, v2;
	s19 =	smov.u32 s17;
	s17 =	sadd.s32 $0x4, s17  }
.Ltmp3:
0x35: {  	v2 =	vld [tilespmem:s18+$0xFFFFFFF0];
	[tilespmem:s15+$0x1020 ss:$0x81] =	vst.msk $0xffff, v0;
	(pc) =	sbr.rel @p1 .LBB1_3-.Ltmp3, $4  }
0x36: {  	v0 =	vld [tilespmem:s18+$0x0];
	[tilespmem:s15+$0x0 ss:$0x81] =	vst.msk $0xffff, v1  }
0x37: {  	s15 =	sshra.s32 s19, $0x2;
	v1 =	vld [tilespmem:s18+$0xFFFFFFE0]  }
0x38: {  	s15 =	sadd.s32 s15, s16  }
0x39: {  	s18 =	sadd.s32 $0x40, s18;
	[tilespmem:s15+$0x1830 ss:$0x81] =	vst.msk $0xffff, v3  }
.Ltmp4:
0x3a: {  	_ = 	snop;
	(pc) =	sbr.rel .LBB1_4-.Ltmp4, $1  }
0x3b: {  	_ =	sdelay $0x3  }
.LBB1_6:
0x3c: {  	_ =	sfence.sel $0x180000  }
0x3d: {  	s2 =	simm.s32 $0x1;
	[bflag:$0x0] =	sbarrier.arrive $0xFFFF  }
0x3e: {  	s31 =	simm.s32 $0x2;
	[sflag:s2] =	ssyncpa.u1 $0x1  }
0x3f: {  	[sflag:s31] =	ssyncpa.u1 $0x1  }
0x40: {  	p0 =	sne.s32 s0, $0x0;
	_ =	strace $0x9000004A  }
0x41: {  	s0 =	sadd.s32 @!p0 $0x100000, s1;
	[bflag:$0x2] =	sbarrier.arrive $0xFFFF  }
0x42: {  	[sflag:s0] =	ssyncadd.tile.s32 @!p0 $0x1;
	_ =	shalt  }
.Lfunc_end1:
_tile_overlayer_lowered:
.L_overlay_start_2:
0x43: {  	(tag) =	ssettag $0x2  }
0x44: {  	s0 =	rddreg [dreg:$0x0];
	s2 =	stileid.u32  }
0x45: {  	s1 =	rddreg [dreg:$0x1];
	p0 =	sne.s32 s2, $0x0  }
0x46: {  	s3 =	rddreg [dreg:$0x2];
	[bflag:$0x3] =	sbarrier.arrive $0xFFFF;
	s2 =	simm.s32 @!p0 $0x1C01  }
0x47: {  	[timem:s3], [sflag:s2] =	dma.local @!p0 [hbm:s0], s1  }
0x48: {  	s0 =	simm.s32 @!p0 $0x1  }
0x49: {  	_ =	swait.ge @!p0 [sflag:s0], s1  }
0x4a: {  	s1 =	ssub.s32 @!p0 $0x0, s1;
	[sflag:s0] =	ssyncset.done @!p0 $0x0  }
0x4b: {  	[sflag:s0] =	ssyncadd.s32 @!p0 s1  }
0x4c: {  	[bflag:$0x3] =	sbarrier.arrive $0xFFFF  }
0x4d: {  	_ =	shalt  }

</sc_bundles>
